<compile_context>
chip_gen: v7x
topology: tpu7x:2x2x1
jax: 0.10.2.dev20260603
libtpu: 0.0.44.dev20260713+nightly
codegen_flags: <defaults>
</compile_context>

<pallas_src>
import functools

import jax
import jax.numpy as jnp
from jax import lax
from jax.experimental import pallas as pl
from jax.experimental.pallas import tpu as pltpu
from jax.experimental.pallas import tpu_sc as plsc

VOC = 128
_B, _C, _W = 1024, 26, 20
N = _B * _C * _W
L = 16

_INFO = plsc.get_sparse_core_info()
NC = _INFO.num_cores
NS = _INFO.num_subcores
NW = NC * NS
ROWS_W = N // NW

CHUNK = 256
NCHUNK = ROWS_W // CHUNK
GROUPS = CHUNK // L
B_CH = _B // CHUNK
NSLAB = ROWS_W // _B + 1


def _onehot_body(x_hbm, out_hbm, idx_v, buf_a, buf_b, sem0, sem1, isem):
    wid = lax.axis_index("s") * NC + lax.axis_index("c")
    base_chunk = wid * NCHUNK
    slab0 = base_chunk // B_CH
    off = (base_chunk % B_CH) * CHUNK

    stages = []
    for j in range(NSLAB):
        s = slab0 + j
        cp = pltpu.make_async_copy(
            x_hbm.at[s // _W, s % _W], idx_v.at[pl.ds(j * _B, _B)], isem
        )
        cp.start()
        stages.append(cp)

    iota = lax.iota(jnp.int32, L)
    ones = jnp.full((L,), 1.0, jnp.float32)
    zeros = jnp.zeros((L,), jnp.float32)

    def zinit(buf):
        def body(i, carry):
            for u in range(VOC // L):
                buf[i, pl.ds(u * L, L)] = zeros
            return carry

        lax.fori_loop(0, CHUNK, body, 0)

    def scatter_chunk(buf, ci, val):
        local = off + ci * CHUNK

        def g_body(g, carry):
            xv = idx_v[pl.ds(local + g * L, L)]
            plsc.store_scatter(buf, [g * L + iota, xv], val)
            return carry

        lax.fori_loop(0, GROUPS, g_body, 0)

    def dma(buf, ci, sem):
        g = base_chunk + ci
        s = g // B_CH
        b0 = (g % B_CH) * CHUNK
        dst = out_hbm.at[s // _W, s % _W, pl.ds(b0, CHUNK)]
        return pltpu.make_async_copy(buf, dst, sem)

    zinit(buf_a)
    for cp in stages:
        cp.wait()

    scatter_chunk(buf_a, 0, ones)
    dma(buf_a, 0, sem0).start()
    zinit(buf_b)
    scatter_chunk(buf_b, 1, ones)
    dma(buf_b, 1, sem1).start()

    def outer(cc, carry):
        c = cc * 2
        for buf, b_, sem in ((buf_a, 0, sem0), (buf_b, 1, sem1)):
            ci = c + b_
            dma(buf, ci - 2, sem).wait()
            scatter_chunk(buf, ci - 2, zeros)
            scatter_chunk(buf, ci, ones)
            dma(buf, ci, sem).start()
        return carry

    lax.fori_loop(1, (NCHUNK - 1) // 2, outer, 0)

    dma(buf_a, NCHUNK - 3, sem0).wait()
    scatter_chunk(buf_a, NCHUNK - 3, zeros)
    scatter_chunk(buf_a, NCHUNK - 1, ones)
    dma(buf_a, NCHUNK - 1, sem0).start()

    dma(buf_b, NCHUNK - 2, sem1).wait()
    dma(buf_a, NCHUNK - 1, sem0).wait()


_onehot = functools.partial(
    pl.kernel,
    mesh=plsc.VectorSubcoreMesh(core_axis_name="c", subcore_axis_name="s"),
    compiler_params=pltpu.CompilerParams(
        needs_layout_passes=False, use_tc_tiling_on_sc=True
    ),
    out_type=jax.ShapeDtypeStruct((_C, _W, _B, VOC), jnp.float32),
    scratch_types=[
        pltpu.VMEM((NSLAB * _B,), jnp.int32),
        pltpu.VMEM((CHUNK, VOC), jnp.float32),
        pltpu.VMEM((CHUNK, VOC), jnp.float32),
        pltpu.SemaphoreType.DMA,
        pltpu.SemaphoreType.DMA,
        pltpu.SemaphoreType.DMA,
    ],
)(_onehot_body)


@jax.jit
def kernel(x):
    xt = jnp.transpose(x, (1, 2, 0))
    out = _onehot(xt)
    return jnp.transpose(out, (2, 0, 1, 3))

# --- scband reference (transcript-rebuilt; emitter-appended) ---
"""Pipeline reference for scband-one-hot-21612275434260 (READ-ONLY COPY).

The authoritative reference and input builder live on the scoring server;
editing this copy changes nothing except your own understanding.
"""

import jax, jax.numpy as jnp
import numpy as np

VOC_SIZE = 128
B, C, W = 1024, 26, 20


def setup_inputs(seed: int = 0) -> dict:
    key = jax.random.key(seed)
    x = jax.random.randint(key, (B, C, W), 0, VOC_SIZE, dtype=jnp.int32)
    return {"x": x}


def reference(x):
    # Faithful translation of OneHot.forward:
    #   out = zeros(B, C, W, V); out.scatter_(3, x.unsqueeze(-1), 1)
    b, c, w = x.shape
    bi = jnp.arange(b)[:, None, None]
    ci = jnp.arange(c)[None, :, None]
    wi = jnp.arange(w)[None, None, :]
    out = jnp.zeros((b, c, w, VOC_SIZE), dtype=jnp.float32)
    out = out.at[bi, ci, wi, x].set(1.0)
    return out

if __name__ == "__main__":
    import jax
    _d = setup_inputs()
    print(jax.jit(kernel)(*tuple(_d.values())))

</pallas_src>

<mosaic_0001>
#map = affine_map<(d0, d1) -> (0, 0, 0)>
#map1 = affine_map<(d0, d1) -> (0, 0, 0, 0)>
module attributes {stable_mosaic.version = 14 : i64} {
  func.func @_onehot_body(%arg0: i32, %arg1: i32, %arg2: memref<26x20x1024xi32, #tpu.memory_space<hbm>>, %arg3: memref<26x20x1024x128xf32, #tpu.memory_space<hbm>>, %arg4: memref<17408xi32, #tpu.memory_space<vmem>>, %arg5: memref<256x128xf32, #tpu.memory_space<vmem>>, %arg6: memref<256x128xf32, #tpu.memory_space<vmem>>, %arg7: memref<!tpu.dma_semaphore, #tpu.memory_space<semaphore_mem>>, %arg8: memref<!tpu.dma_semaphore, #tpu.memory_space<semaphore_mem>>, %arg9: memref<!tpu.dma_semaphore, #tpu.memory_space<semaphore_mem>>) attributes {dimension_semantics = [#tpu.dimension_semantics<core_parallel>, #tpu.dimension_semantics<subcore_parallel>], iteration_bounds = array<i64: 2, 16>, scalar_prefetch = 0 : i64, scratch_operands = 6 : i64, tpu.core_type = #tpu.core_type<sc_vector_subcore>, window_params = [{transform_indices = #map}, {transform_indices = #map1}]} {
    %mul3A = arith.constant 2 : i32
    %mul3A_0 = arith.muli %arg1, %mul3A : i32
    %add3A = arith.addi %mul3A_0, %arg0 : i32
    %mul3A_1 = arith.constant 65 : i32
    %mul3A_2 = arith.muli %add3A, %mul3A_1 : i32
    %jit3A = arith.constant 4 : i32
    %div3A = arith.divsi %mul3A_2, %jit3A : i32
    %sign3A = arith.constant 0 : i32
    %sign3A_3 = arith.cmpi sgt, %mul3A_2, %sign3A : i32
    %sign3A_4 = arith.extui %sign3A_3 : i1 to i32
    %sign3A_5 = arith.constant 0 : i32
    %sign3A_6 = arith.cmpi slt, %mul3A_2, %sign3A_5 : i32
    %sign3A_7 = arith.extui %sign3A_6 : i1 to i32
    %sign3A_8 = arith.subi %sign3A_4, %sign3A_7 : i32
    %sign3A_9 = arith.constant 0 : i32
    %sign3A_10 = arith.cmpi sgt, %jit3A, %sign3A_9 : i32
    %sign3A_11 = arith.extui %sign3A_10 : i1 to i32
    %sign3A_12 = arith.constant 0 : i32
    %sign3A_13 = arith.cmpi slt, %jit3A, %sign3A_12 : i32
    %sign3A_14 = arith.extui %sign3A_13 : i1 to i32
    %sign3A_15 = arith.subi %sign3A_11, %sign3A_14 : i32
    %ne3A = arith.cmpi ne, %sign3A_8, %sign3A_15 : i32
    %rem3A = arith.remsi %mul3A_2, %jit3A : i32
    %ne3A_16 = arith.constant 0 : i32
    %ne3A_17 = arith.cmpi ne, %rem3A, %ne3A_16 : i32
    %and3A = arith.andi %ne3A, %ne3A_17 : i1
    %sub3A = arith.constant 1 : i32
    %sub3A_18 = arith.subi %div3A, %sub3A : i32
    %select_n3A = arith.select %and3A, %sub3A_18, %div3A : i32
    %jit3A_19 = arith.constant 4 : i32
    %eq3A = arith.constant 0 : i32
    %eq3A_20 = arith.cmpi eq, %jit3A_19, %eq3A : i32
    %jit3A_21 = arith.constant 1 : i32
    %select_n3A_22 = arith.select %eq3A_20, %jit3A_21, %jit3A_19 : i32
    %rem3A_23 = arith.remsi %mul3A_2, %select_n3A_22 : i32
    %ne3A_24 = arith.constant 0 : i32
    %ne3A_25 = arith.cmpi ne, %rem3A_23, %ne3A_24 : i32
    %lt3A = arith.constant 0 : i32
    %lt3A_26 = arith.cmpi slt, %rem3A_23, %lt3A : i32
    %lt3A_27 = arith.constant 0 : i32
    %lt3A_28 = arith.cmpi slt, %select_n3A_22, %lt3A_27 : i32
    %ne3A_29 = arith.xori %lt3A_26, %lt3A_28 : i1
    %and3A_30 = arith.andi %ne3A_29, %ne3A_25 : i1
    %add3A_31 = arith.addi %rem3A_23, %select_n3A_22 : i32
    %select_n3A_32 = arith.select %and3A_30, %add3A_31, %rem3A_23 : i32
    %mul3A_33 = arith.constant 256 : i32
    %mul3A_34 = arith.muli %select_n3A_32, %mul3A_33 : i32
    %add3A_35 = arith.constant 0 : i32
    %add3A_36 = arith.addi %select_n3A, %add3A_35 : i32
    %jit3A_37 = arith.constant 20 : i32
    %div3A_38 = arith.divsi %add3A_36, %jit3A_37 : i32
    %sign3A_39 = arith.constant 0 : i32
    %sign3A_40 = arith.cmpi sgt, %add3A_36, %sign3A_39 : i32
    %sign3A_41 = arith.extui %sign3A_40 : i1 to i32
    %sign3A_42 = arith.constant 0 : i32
    %sign3A_43 = arith.cmpi slt, %add3A_36, %sign3A_42 : i32
    %sign3A_44 = arith.extui %sign3A_43 : i1 to i32
    %sign3A_45 = arith.subi %sign3A_41, %sign3A_44 : i32
    %sign3A_46 = arith.constant 0 : i32
    %sign3A_47 = arith.cmpi sgt, %jit3A_37, %sign3A_46 : i32
    %sign3A_48 = arith.extui %sign3A_47 : i1 to i32
    %sign3A_49 = arith.constant 0 : i32
    %sign3A_50 = arith.cmpi slt, %jit3A_37, %sign3A_49 : i32
    %sign3A_51 = arith.extui %sign3A_50 : i1 to i32
    %sign3A_52 = arith.subi %sign3A_48, %sign3A_51 : i32
    %ne3A_53 = arith.cmpi ne, %sign3A_45, %sign3A_52 : i32
    %rem3A_54 = arith.remsi %add3A_36, %jit3A_37 : i32
    %ne3A_55 = arith.constant 0 : i32
    %ne3A_56 = arith.cmpi ne, %rem3A_54, %ne3A_55 : i32
    %and3A_57 = arith.andi %ne3A_53, %ne3A_56 : i1
    %sub3A_58 = arith.constant 1 : i32
    %sub3A_59 = arith.subi %div3A_38, %sub3A_58 : i32
    %select_n3A_60 = arith.select %and3A_57, %sub3A_59, %div3A_38 : i32
    %jit3A_61 = arith.constant 20 : i32
    %eq3A_62 = arith.constant 0 : i32
    %eq3A_63 = arith.cmpi eq, %jit3A_61, %eq3A_62 : i32
    %jit3A_64 = arith.constant 1 : i32
    %select_n3A_65 = arith.select %eq3A_63, %jit3A_64, %jit3A_61 : i32
    %rem3A_66 = arith.remsi %add3A_36, %select_n3A_65 : i32
    %ne3A_67 = arith.constant 0 : i32
    %ne3A_68 = arith.cmpi ne, %rem3A_66, %ne3A_67 : i32
    %lt3A_69 = arith.constant 0 : i32
    %lt3A_70 = arith.cmpi slt, %rem3A_66, %lt3A_69 : i32
    %lt3A_71 = arith.constant 0 : i32
    %lt3A_72 = arith.cmpi slt, %select_n3A_65, %lt3A_71 : i32
    %ne3A_73 = arith.xori %lt3A_70, %lt3A_72 : i1
    %and3A_74 = arith.andi %ne3A_73, %ne3A_68 : i1
    %add3A_75 = arith.addi %rem3A_66, %select_n3A_65 : i32
    %select_n3A_76 = arith.select %and3A_74, %add3A_75, %rem3A_66 : i32
    %dma_start3A = arith.constant 0 : i32
    %dma_start3A_77 = tpu.memref_slice %arg4[%dma_start3A] : memref<17408xi32, #tpu.memory_space<vmem>> -> memref<1024xi32, #tpu.memory_space<vmem>>
    %dma_start3A_78 = arith.constant 0 : i32
    %dma_start3A_79 = tpu.memref_slice %arg2[%select_n3A_60, %select_n3A_76, %dma_start3A_78] : memref<26x20x1024xi32, #tpu.memory_space<hbm>> -> memref<1x1x1024xi32, #tpu.memory_space<hbm>>
    %dma_start3A_80 = tpu.memref_squeeze %dma_start3A_79 : memref<1x1x1024xi32, #tpu.memory_space<hbm>> -> memref<1024xi32, #tpu.memory_space<hbm>>
    %dma_start3A_81 = arith.constant 0 : i32
    %dma_start3A_82 = tpu.memref_slice %arg4[%dma_start3A_81] : memref<17408xi32, #tpu.memory_space<vmem>> -> memref<1024xi32, #tpu.memory_space<vmem>>
    %dma_start3A_83 = arith.constant 0 : i32
    %dma_start3A_84 = tpu.memref_slice %arg2[%select_n3A_60, %select_n3A_76, %dma_start3A_83] : memref<26x20x1024xi32, #tpu.memory_space<hbm>> -> memref<1x1x1024xi32, #tpu.memory_space<hbm>>
    %dma_start3A_85 = tpu.memref_squeeze %dma_start3A_84 : memref<1x1x1024xi32, #tpu.memory_space<hbm>> -> memref<1024xi32, #tpu.memory_space<hbm>>
    tpu.enqueue_dma source(%dma_start3A_85 : memref<1024xi32, #tpu.memory_space<hbm>>) target(%dma_start3A_82 : memref<1024xi32, #tpu.memory_space<vmem>>) target_semaphore(%arg9 : memref<!tpu.dma_semaphore, #tpu.memory_space<semaphore_mem>>)
    %add3A_86 = arith.constant 1 : i32
    %add3A_87 = arith.addi %select_n3A, %add3A_86 : i32
    %jit3A_88 = arith.constant 20 : i32
    %div3A_89 = arith.divsi %add3A_87, %jit3A_88 : i32
    %sign3A_90 = arith.constant 0 : i32
    %sign3A_91 = arith.cmpi sgt, %add3A_87, %sign3A_90 : i32
    %sign3A_92 = arith.extui %sign3A_91 : i1 to i32
    %sign3A_93 = arith.constant 0 : i32
    %sign3A_94 = arith.cmpi slt, %add3A_87, %sign3A_93 : i32
    %sign3A_95 = arith.extui %sign3A_94 : i1 to i32
    %sign3A_96 = arith.subi %sign3A_92, %sign3A_95 : i32
    %sign3A_97 = arith.constant 0 : i32
    %sign3A_98 = arith.cmpi sgt, %jit3A_88, %sign3A_97 : i32
    %sign3A_99 = arith.extui %sign3A_98 : i1 to i32
    %sign3A_100 = arith.constant 0 : i32
    %sign3A_101 = arith.cmpi slt, %jit3A_88, %sign3A_100 : i32
    %sign3A_102 = arith.extui %sign3A_101 : i1 to i32
    %sign3A_103 = arith.subi %sign3A_99, %sign3A_102 : i32
    %ne3A_104 = arith.cmpi ne, %sign3A_96, %sign3A_103 : i32
    %rem3A_105 = arith.remsi %add3A_87, %jit3A_88 : i32
    %ne3A_106 = arith.constant 0 : i32
    %ne3A_107 = arith.cmpi ne, %rem3A_105, %ne3A_106 : i32
    %and3A_108 = arith.andi %ne3A_104, %ne3A_107 : i1
    %sub3A_109 = arith.constant 1 : i32
    %sub3A_110 = arith.subi %div3A_89, %sub3A_109 : i32
    %select_n3A_111 = arith.select %and3A_108, %sub3A_110, %div3A_89 : i32
    %jit3A_112 = arith.constant 20 : i32
    %eq3A_113 = arith.constant 0 : i32
    %eq3A_114 = arith.cmpi eq, %jit3A_112, %eq3A_113 : i32
    %jit3A_115 = arith.constant 1 : i32
    %select_n3A_116 = arith.select %eq3A_114, %jit3A_115, %jit3A_112 : i32
    %rem3A_117 = arith.remsi %add3A_87, %select_n3A_116 : i32
    %ne3A_118 = arith.constant 0 : i32
    %ne3A_119 = arith.cmpi ne, %rem3A_117, %ne3A_118 : i32
    %lt3A_120 = arith.constant 0 : i32
    %lt3A_121 = arith.cmpi slt, %rem3A_117, %lt3A_120 : i32
    %lt3A_122 = arith.constant 0 : i32
    %lt3A_123 = arith.cmpi slt, %select_n3A_116, %lt3A_122 : i32
    %ne3A_124 = arith.xori %lt3A_121, %lt3A_123 : i1
    %and3A_125 = arith.andi %ne3A_124, %ne3A_119 : i1
    %add3A_126 = arith.addi %rem3A_117, %select_n3A_116 : i32
    %select_n3A_127 = arith.select %and3A_125, %add3A_126, %rem3A_117 : i32
    %dma_start3A_128 = arith.constant 1024 : i32
    %dma_start3A_129 = tpu.memref_slice %arg4[%dma_start3A_128] : memref<17408xi32, #tpu.memory_space<vmem>> -> memref<1024xi32, #tpu.memory_space<vmem>>
    %dma_start3A_130 = arith.constant 0 : i32
    %dma_start3A_131 = tpu.memref_slice %arg2[%select_n3A_111, %select_n3A_127, %dma_start3A_130] : memref<26x20x1024xi32, #tpu.memory_space<hbm>> -> memref<1x1x1024xi32, #tpu.memory_space<hbm>>
    %dma_start3A_132 = tpu.memref_squeeze %dma_start3A_131 : memref<1x1x1024xi32, #tpu.memory_space<hbm>> -> memref<1024xi32, #tpu.memory_space<hbm>>
    %dma_start3A_133 = arith.constant 1024 : i32
    %dma_start3A_134 = tpu.memref_slice %arg4[%dma_start3A_133] : memref<17408xi32, #tpu.memory_space<vmem>> -> memref<1024xi32, #tpu.memory_space<vmem>>
    %dma_start3A_135 = arith.constant 0 : i32
    %dma_start3A_136 = tpu.memref_slice %arg2[%select_n3A_111, %select_n3A_127, %dma_start3A_135] : memref<26x20x1024xi32, #tpu.memory_space<hbm>> -> memref<1x1x1024xi32, #tpu.memory_space<hbm>>
    %dma_start3A_137 = tpu.memref_squeeze %dma_start3A_136 : memref<1x1x1024xi32, #tpu.memory_space<hbm>> -> memref<1024xi32, #tpu.memory_space<hbm>>
    tpu.enqueue_dma source(%dma_start3A_137 : memref<1024xi32, #tpu.memory_space<hbm>>) target(%dma_start3A_134 : memref<1024xi32, #tpu.memory_space<vmem>>) target_semaphore(%arg9 : memref<!tpu.dma_semaphore, #tpu.memory_space<semaphore_mem>>)
    %add3A_138 = arith.constant 2 : i32
    %add3A_139 = arith.addi %select_n3A, %add3A_138 : i32
    %jit3A_140 = arith.constant 20 : i32
    %div3A_141 = arith.divsi %add3A_139, %jit3A_140 : i32
    %sign3A_142 = arith.constant 0 : i32
    %sign3A_143 = arith.cmpi sgt, %add3A_139, %sign3A_142 : i32
    %sign3A_144 = arith.extui %sign3A_143 : i1 to i32
    %sign3A_145 = arith.constant 0 : i32
    %sign3A_146 = arith.cmpi slt, %add3A_139, %sign3A_145 : i32
    %sign3A_147 = arith.extui %sign3A_146 : i1 to i32
    %sign3A_148 = arith.subi %sign3A_144, %sign3A_147 : i32
    %sign3A_149 = arith.constant 0 : i32
    %sign3A_150 = arith.cmpi sgt, %jit3A_140, %sign3A_149 : i32
    %sign3A_151 = arith.extui %sign3A_150 : i1 to i32
    %sign3A_152 = arith.constant 0 : i32
    %sign3A_153 = arith.cmpi slt, %jit3A_140, %sign3A_152 : i32
    %sign3A_154 = arith.extui %sign3A_153 : i1 to i32
    %sign3A_155 = arith.subi %sign3A_151, %sign3A_154 : i32
    %ne3A_156 = arith.cmpi ne, %sign3A_148, %sign3A_155 : i32
    %rem3A_157 = arith.remsi %add3A_139, %jit3A_140 : i32
    %ne3A_158 = arith.constant 0 : i32
    %ne3A_159 = arith.cmpi ne, %rem3A_157, %ne3A_158 : i32
    %and3A_160 = arith.andi %ne3A_156, %ne3A_159 : i1
    %sub3A_161 = arith.constant 1 : i32
    %sub3A_162 = arith.subi %div3A_141, %sub3A_161 : i32
    %select_n3A_163 = arith.select %and3A_160, %sub3A_162, %div3A_141 : i32
    %jit3A_164 = arith.constant 20 : i32
    %eq3A_165 = arith.constant 0 : i32
    %eq3A_166 = arith.cmpi eq, %jit3A_164, %eq3A_165 : i32
    %jit3A_167 = arith.constant 1 : i32
    %select_n3A_168 = arith.select %eq3A_166, %jit3A_167, %jit3A_164 : i32
    %rem3A_169 = arith.remsi %add3A_139, %select_n3A_168 : i32
    %ne3A_170 = arith.constant 0 : i32
    %ne3A_171 = arith.cmpi ne, %rem3A_169, %ne3A_170 : i32
    %lt3A_172 = arith.constant 0 : i32
    %lt3A_173 = arith.cmpi slt, %rem3A_169, %lt3A_172 : i32
    %lt3A_174 = arith.constant 0 : i32
    %lt3A_175 = arith.cmpi slt, %select_n3A_168, %lt3A_174 : i32
    %ne3A_176 = arith.xori %lt3A_173, %lt3A_175 : i1
    %and3A_177 = arith.andi %ne3A_176, %ne3A_171 : i1
    %add3A_178 = arith.addi %rem3A_169, %select_n3A_168 : i32
    %select_n3A_179 = arith.select %and3A_177, %add3A_178, %rem3A_169 : i32
    %dma_start3A_180 = arith.constant 2048 : i32
    %dma_start3A_181 = tpu.memref_slice %arg4[%dma_start3A_180] : memref<17408xi32, #tpu.memory_space<vmem>> -> memref<1024xi32, #tpu.memory_space<vmem>>
    %dma_start3A_182 = arith.constant 0 : i32
    %dma_start3A_183 = tpu.memref_slice %arg2[%select_n3A_163, %select_n3A_179, %dma_start3A_182] : memref<26x20x1024xi32, #tpu.memory_space<hbm>> -> memref<1x1x1024xi32, #tpu.memory_space<hbm>>
    %dma_start3A_184 = tpu.memref_squeeze %dma_start3A_183 : memref<1x1x1024xi32, #tpu.memory_space<hbm>> -> memref<1024xi32, #tpu.memory_space<hbm>>
    %dma_start3A_185 = arith.constant 2048 : i32
    %dma_start3A_186 = tpu.memref_slice %arg4[%dma_start3A_185] : memref<17408xi32, #tpu.memory_space<vmem>> -> memref<1024xi32, #tpu.memory_space<vmem>>
    %dma_start3A_187 = arith.constant 0 : i32
    %dma_start3A_188 = tpu.memref_slice %arg2[%select_n3A_163, %select_n3A_179, %dma_start3A_187] : memref<26x20x1024xi32, #tpu.memory_space<hbm>> -> memref<1x1x1024xi32, #tpu.memory_space<hbm>>
    %dma_start3A_189 = tpu.memref_squeeze %dma_start3A_188 : memref<1x1x1024xi32, #tpu.memory_space<hbm>> -> memref<1024xi32, #tpu.memory_space<hbm>>
    tpu.enqueue_dma source(%dma_start3A_189 : memref<1024xi32, #tpu.memory_space<hbm>>) target(%dma_start3A_186 : memref<1024xi32, #tpu.memory_space<vmem>>) target_semaphore(%arg9 : memref<!tpu.dma_semaphore, #tpu.memory_space<semaphore_mem>>)
    %add3A_190 = arith.constant 3 : i32
    %add3A_191 = arith.addi %select_n3A, %add3A_190 : i32
    %jit3A_192 = arith.constant 20 : i32
    %div3A_193 = arith.divsi %add3A_191, %jit3A_192 : i32
    %sign3A_194 = arith.constant 0 : i32
    %sign3A_195 = arith.cmpi sgt, %add3A_191, %sign3A_194 : i32
    %sign3A_196 = arith.extui %sign3A_195 : i1 to i32
    %sign3A_197 = arith.constant 0 : i32
    %sign3A_198 = arith.cmpi slt, %add3A_191, %sign3A_197 : i32
    %sign3A_199 = arith.extui %sign3A_198 : i1 to i32
    %sign3A_200 = arith.subi %sign3A_196, %sign3A_199 : i32
    %sign3A_201 = arith.constant 0 : i32
    %sign3A_202 = arith.cmpi sgt, %jit3A_192, %sign3A_201 : i32
    %sign3A_203 = arith.extui %sign3A_202 : i1 to i32
    %sign3A_204 = arith.constant 0 : i32
    %sign3A_205 = arith.cmpi slt, %jit3A_192, %sign3A_204 : i32
    %sign3A_206 = arith.extui %sign3A_205 : i1 to i32
    %sign3A_207 = arith.subi %sign3A_203, %sign3A_206 : i32
    %ne3A_208 = arith.cmpi ne, %sign3A_200, %sign3A_207 : i32
    %rem3A_209 = arith.remsi %add3A_191, %jit3A_192 : i32
    %ne3A_210 = arith.constant 0 : i32
    %ne3A_211 = arith.cmpi ne, %rem3A_209, %ne3A_210 : i32
    %and3A_212 = arith.andi %ne3A_208, %ne3A_211 : i1
    %sub3A_213 = arith.constant 1 : i32
    %sub3A_214 = arith.subi %div3A_193, %sub3A_213 : i32
    %select_n3A_215 = arith.select %and3A_212, %sub3A_214, %div3A_193 : i32
    %jit3A_216 = arith.constant 20 : i32
    %eq3A_217 = arith.constant 0 : i32
    %eq3A_218 = arith.cmpi eq, %jit3A_216, %eq3A_217 : i32
    %jit3A_219 = arith.constant 1 : i32
    %select_n3A_220 = arith.select %eq3A_218, %jit3A_219, %jit3A_216 : i32
    %rem3A_221 = arith.remsi %add3A_191, %select_n3A_220 : i32
    %ne3A_222 = arith.constant 0 : i32
    %ne3A_223 = arith.cmpi ne, %rem3A_221, %ne3A_222 : i32
    %lt3A_224 = arith.constant 0 : i32
    %lt3A_225 = arith.cmpi slt, %rem3A_221, %lt3A_224 : i32
    %lt3A_226 = arith.constant 0 : i32
    %lt3A_227 = arith.cmpi slt, %select_n3A_220, %lt3A_226 : i32
    %ne3A_228 = arith.xori %lt3A_225, %lt3A_227 : i1
    %and3A_229 = arith.andi %ne3A_228, %ne3A_223 : i1
    %add3A_230 = arith.addi %rem3A_221, %select_n3A_220 : i32
    %select_n3A_231 = arith.select %and3A_229, %add3A_230, %rem3A_221 : i32
    %dma_start3A_232 = arith.constant 3072 : i32
    %dma_start3A_233 = tpu.memref_slice %arg4[%dma_start3A_232] : memref<17408xi32, #tpu.memory_space<vmem>> -> memref<1024xi32, #tpu.memory_space<vmem>>
    %dma_start3A_234 = arith.constant 0 : i32
    %dma_start3A_235 = tpu.memref_slice %arg2[%select_n3A_215, %select_n3A_231, %dma_start3A_234] : memref<26x20x1024xi32, #tpu.memory_space<hbm>> -> memref<1x1x1024xi32, #tpu.memory_space<hbm>>
    %dma_start3A_236 = tpu.memref_squeeze %dma_start3A_235 : memref<1x1x1024xi32, #tpu.memory_space<hbm>> -> memref<1024xi32, #tpu.memory_space<hbm>>
    %dma_start3A_237 = arith.constant 3072 : i32
    %dma_start3A_238 = tpu.memref_slice %arg4[%dma_start3A_237] : memref<17408xi32, #tpu.memory_space<vmem>> -> memref<1024xi32, #tpu.memory_space<vmem>>
    %dma_start3A_239 = arith.constant 0 : i32
    %dma_start3A_240 = tpu.memref_slice %arg2[%select_n3A_215, %select_n3A_231, %dma_start3A_239] : memref<26x20x1024xi32, #tpu.memory_space<hbm>> -> memref<1x1x1024xi32, #tpu.memory_space<hbm>>
    %dma_start3A_241 = tpu.memref_squeeze %dma_start3A_240 : memref<1x1x1024xi32, #tpu.memory_space<hbm>> -> memref<1024xi32, #tpu.memory_space<hbm>>
    tpu.enqueue_dma source(%dma_start3A_241 : memref<1024xi32, #tpu.memory_space<hbm>>) target(%dma_start3A_238 : memref<1024xi32, #tpu.memory_space<vmem>>) target_semaphore(%arg9 : memref<!tpu.dma_semaphore, #tpu.memory_space<semaphore_mem>>)
    %add3A_242 = arith.constant 4 : i32
    %add3A_243 = arith.addi %select_n3A, %add3A_242 : i32
    %jit3A_244 = arith.constant 20 : i32
    %div3A_245 = arith.divsi %add3A_243, %jit3A_244 : i32
    %sign3A_246 = arith.constant 0 : i32
    %sign3A_247 = arith.cmpi sgt, %add3A_243, %sign3A_246 : i32
    %sign3A_248 = arith.extui %sign3A_247 : i1 to i32
    %sign3A_249 = arith.constant 0 : i32
    %sign3A_250 = arith.cmpi slt, %add3A_243, %sign3A_249 : i32
    %sign3A_251 = arith.extui %sign3A_250 : i1 to i32
    %sign3A_252 = arith.subi %sign3A_248, %sign3A_251 : i32
    %sign3A_253 = arith.constant 0 : i32
    %sign3A_254 = arith.cmpi sgt, %jit3A_244, %sign3A_253 : i32
    %sign3A_255 = arith.extui %sign3A_254 : i1 to i32
    %sign3A_256 = arith.constant 0 : i32
    %sign3A_257 = arith.cmpi slt, %jit3A_244, %sign3A_256 : i32
    %sign3A_258 = arith.extui %sign3A_257 : i1 to i32
    %sign3A_259 = arith.subi %sign3A_255, %sign3A_258 : i32
    %ne3A_260 = arith.cmpi ne, %sign3A_252, %sign3A_259 : i32
    %rem3A_261 = arith.remsi %add3A_243, %jit3A_244 : i32
    %ne3A_262 = arith.constant 0 : i32
    %ne3A_263 = arith.cmpi ne, %rem3A_261, %ne3A_262 : i32
    %and3A_264 = arith.andi %ne3A_260, %ne3A_263 : i1
    %sub3A_265 = arith.constant 1 : i32
    %sub3A_266 = arith.subi %div3A_245, %sub3A_265 : i32
    %select_n3A_267 = arith.select %and3A_264, %sub3A_266, %div3A_245 : i32
    %jit3A_268 = arith.constant 20 : i32
    %eq3A_269 = arith.constant 0 : i32
    %eq3A_270 = arith.cmpi eq, %jit3A_268, %eq3A_269 : i32
    %jit3A_271 = arith.constant 1 : i32
    %select_n3A_272 = arith.select %eq3A_270, %jit3A_271, %jit3A_268 : i32
    %rem3A_273 = arith.remsi %add3A_243, %select_n3A_272 : i32
    %ne3A_274 = arith.constant 0 : i32
    %ne3A_275 = arith.cmpi ne, %rem3A_273, %ne3A_274 : i32
    %lt3A_276 = arith.constant 0 : i32
    %lt3A_277 = arith.cmpi slt, %rem3A_273, %lt3A_276 : i32
    %lt3A_278 = arith.constant 0 : i32
    %lt3A_279 = arith.cmpi slt, %select_n3A_272, %lt3A_278 : i32
    %ne3A_280 = arith.xori %lt3A_277, %lt3A_279 : i1
    %and3A_281 = arith.andi %ne3A_280, %ne3A_275 : i1
    %add3A_282 = arith.addi %rem3A_273, %select_n3A_272 : i32
    %select_n3A_283 = arith.select %and3A_281, %add3A_282, %rem3A_273 : i32
    %dma_start3A_284 = arith.constant 4096 : i32
    %dma_start3A_285 = tpu.memref_slice %arg4[%dma_start3A_284] : memref<17408xi32, #tpu.memory_space<vmem>> -> memref<1024xi32, #tpu.memory_space<vmem>>
    %dma_start3A_286 = arith.constant 0 : i32
    %dma_start3A_287 = tpu.memref_slice %arg2[%select_n3A_267, %select_n3A_283, %dma_start3A_286] : memref<26x20x1024xi32, #tpu.memory_space<hbm>> -> memref<1x1x1024xi32, #tpu.memory_space<hbm>>
    %dma_start3A_288 = tpu.memref_squeeze %dma_start3A_287 : memref<1x1x1024xi32, #tpu.memory_space<hbm>> -> memref<1024xi32, #tpu.memory_space<hbm>>
    %dma_start3A_289 = arith.constant 4096 : i32
    %dma_start3A_290 = tpu.memref_slice %arg4[%dma_start3A_289] : memref<17408xi32, #tpu.memory_space<vmem>> -> memref<1024xi32, #tpu.memory_space<vmem>>
    %dma_start3A_291 = arith.constant 0 : i32
    %dma_start3A_292 = tpu.memref_slice %arg2[%select_n3A_267, %select_n3A_283, %dma_start3A_291] : memref<26x20x1024xi32, #tpu.memory_space<hbm>> -> memref<1x1x1024xi32, #tpu.memory_space<hbm>>
    %dma_start3A_293 = tpu.memref_squeeze %dma_start3A_292 : memref<1x1x1024xi32, #tpu.memory_space<hbm>> -> memref<1024xi32, #tpu.memory_space<hbm>>
    tpu.enqueue_dma source(%dma_start3A_293 : memref<1024xi32, #tpu.memory_space<hbm>>) target(%dma_start3A_290 : memref<1024xi32, #tpu.memory_space<vmem>>) target_semaphore(%arg9 : memref<!tpu.dma_semaphore, #tpu.memory_space<semaphore_mem>>)
    %add3A_294 = arith.constant 5 : i32
    %add3A_295 = arith.addi %select_n3A, %add3A_294 : i32
    %jit3A_296 = arith.constant 20 : i32
    %div3A_297 = arith.divsi %add3A_295, %jit3A_296 : i32
    %sign3A_298 = arith.constant 0 : i32
    %sign3A_299 = arith.cmpi sgt, %add3A_295, %sign3A_298 : i32
    %sign3A_300 = arith.extui %sign3A_299 : i1 to i32
    %sign3A_301 = arith.constant 0 : i32
    %sign3A_302 = arith.cmpi slt, %add3A_295, %sign3A_301 : i32
    %sign3A_303 = arith.extui %sign3A_302 : i1 to i32
    %sign3A_304 = arith.subi %sign3A_300, %sign3A_303 : i32
    %sign3A_305 = arith.constant 0 : i32
    %sign3A_306 = arith.cmpi sgt, %jit3A_296, %sign3A_305 : i32
    %sign3A_307 = arith.extui %sign3A_306 : i1 to i32
    %sign3A_308 = arith.constant 0 : i32
    %sign3A_309 = arith.cmpi slt, %jit3A_296, %sign3A_308 : i32
    %sign3A_310 = arith.extui %sign3A_309 : i1 to i32
    %sign3A_311 = arith.subi %sign3A_307, %sign3A_310 : i32
    %ne3A_312 = arith.cmpi ne, %sign3A_304, %sign3A_311 : i32
    %rem3A_313 = arith.remsi %add3A_295, %jit3A_296 : i32
    %ne3A_314 = arith.constant 0 : i32
    %ne3A_315 = arith.cmpi ne, %rem3A_313, %ne3A_314 : i32
    %and3A_316 = arith.andi %ne3A_312, %ne3A_315 : i1
    %sub3A_317 = arith.constant 1 : i32
    %sub3A_318 = arith.subi %div3A_297, %sub3A_317 : i32
    %select_n3A_319 = arith.select %and3A_316, %sub3A_318, %div3A_297 : i32
    %jit3A_320 = arith.constant 20 : i32
    %eq3A_321 = arith.constant 0 : i32
    %eq3A_322 = arith.cmpi eq, %jit3A_320, %eq3A_321 : i32
    %jit3A_323 = arith.constant 1 : i32
    %select_n3A_324 = arith.select %eq3A_322, %jit3A_323, %jit3A_320 : i32
    %rem3A_325 = arith.remsi %add3A_295, %select_n3A_324 : i32
    %ne3A_326 = arith.constant 0 : i32
    %ne3A_327 = arith.cmpi ne, %rem3A_325, %ne3A_326 : i32
    %lt3A_328 = arith.constant 0 : i32
    %lt3A_329 = arith.cmpi slt, %rem3A_325, %lt3A_328 : i32
    %lt3A_330 = arith.constant 0 : i32
    %lt3A_331 = arith.cmpi slt, %select_n3A_324, %lt3A_330 : i32
    %ne3A_332 = arith.xori %lt3A_329, %lt3A_331 : i1
    %and3A_333 = arith.andi %ne3A_332, %ne3A_327 : i1
    %add3A_334 = arith.addi %rem3A_325, %select_n3A_324 : i32
    %select_n3A_335 = arith.select %and3A_333, %add3A_334, %rem3A_325 : i32
    %dma_start3A_336 = arith.constant 5120 : i32
    %dma_start3A_337 = tpu.memref_slice %arg4[%dma_start3A_336] : memref<17408xi32, #tpu.memory_space<vmem>> -> memref<1024xi32, #tpu.memory_space<vmem>>
    %dma_start3A_338 = arith.constant 0 : i32
    %dma_start3A_339 = tpu.memref_slice %arg2[%select_n3A_319, %select_n3A_335, %dma_start3A_338] : memref<26x20x1024xi32, #tpu.memory_space<hbm>> -> memref<1x1x1024xi32, #tpu.memory_space<hbm>>
    %dma_start3A_340 = tpu.memref_squeeze %dma_start3A_339 : memref<1x1x1024xi32, #tpu.memory_space<hbm>> -> memref<1024xi32, #tpu.memory_space<hbm>>
    %dma_start3A_341 = arith.constant 5120 : i32
    %dma_start3A_342 = tpu.memref_slice %arg4[%dma_start3A_341] : memref<17408xi32, #tpu.memory_space<vmem>> -> memref<1024xi32, #tpu.memory_space<vmem>>
    %dma_start3A_343 = arith.constant 0 : i32
    %dma_start3A_344 = tpu.memref_slice %arg2[%select_n3A_319, %select_n3A_335, %dma_start3A_343] : memref<26x20x1024xi32, #tpu.memory_space<hbm>> -> memref<1x1x1024xi32, #tpu.memory_space<hbm>>
    %dma_start3A_345 = tpu.memref_squeeze %dma_start3A_344 : memref<1x1x1024xi32, #tpu.memory_space<hbm>> -> memref<1024xi32, #tpu.memory_space<hbm>>
    tpu.enqueue_dma source(%dma_start3A_345 : memref<1024xi32, #tpu.memory_space<hbm>>) target(%dma_start3A_342 : memref<1024xi32, #tpu.memory_space<vmem>>) target_semaphore(%arg9 : memref<!tpu.dma_semaphore, #tpu.memory_space<semaphore_mem>>)
    %add3A_346 = arith.constant 6 : i32
    %add3A_347 = arith.addi %select_n3A, %add3A_346 : i32
    %jit3A_348 = arith.constant 20 : i32
    %div3A_349 = arith.divsi %add3A_347, %jit3A_348 : i32
    %sign3A_350 = arith.constant 0 : i32
    %sign3A_351 = arith.cmpi sgt, %add3A_347, %sign3A_350 : i32
    %sign3A_352 = arith.extui %sign3A_351 : i1 to i32
    %sign3A_353 = arith.constant 0 : i32
    %sign3A_354 = arith.cmpi slt, %add3A_347, %sign3A_353 : i32
    %sign3A_355 = arith.extui %sign3A_354 : i1 to i32
    %sign3A_356 = arith.subi %sign3A_352, %sign3A_355 : i32
    %sign3A_357 = arith.constant 0 : i32
    %sign3A_358 = arith.cmpi sgt, %jit3A_348, %sign3A_357 : i32
    %sign3A_359 = arith.extui %sign3A_358 : i1 to i32
    %sign3A_360 = arith.constant 0 : i32
    %sign3A_361 = arith.cmpi slt, %jit3A_348, %sign3A_360 : i32
    %sign3A_362 = arith.extui %sign3A_361 : i1 to i32
    %sign3A_363 = arith.subi %sign3A_359, %sign3A_362 : i32
    %ne3A_364 = arith.cmpi ne, %sign3A_356, %sign3A_363 : i32
    %rem3A_365 = arith.remsi %add3A_347, %jit3A_348 : i32
    %ne3A_366 = arith.constant 0 : i32
    %ne3A_367 = arith.cmpi ne, %rem3A_365, %ne3A_366 : i32
    %and3A_368 = arith.andi %ne3A_364, %ne3A_367 : i1
    %sub3A_369 = arith.constant 1 : i32
    %sub3A_370 = arith.subi %div3A_349, %sub3A_369 : i32
    %select_n3A_371 = arith.select %and3A_368, %sub3A_370, %div3A_349 : i32
    %jit3A_372 = arith.constant 20 : i32
    %eq3A_373 = arith.constant 0 : i32
    %eq3A_374 = arith.cmpi eq, %jit3A_372, %eq3A_373 : i32
    %jit3A_375 = arith.constant 1 : i32
    %select_n3A_376 = arith.select %eq3A_374, %jit3A_375, %jit3A_372 : i32
    %rem3A_377 = arith.remsi %add3A_347, %select_n3A_376 : i32
    %ne3A_378 = arith.constant 0 : i32
    %ne3A_379 = arith.cmpi ne, %rem3A_377, %ne3A_378 : i32
    %lt3A_380 = arith.constant 0 : i32
    %lt3A_381 = arith.cmpi slt, %rem3A_377, %lt3A_380 : i32
    %lt3A_382 = arith.constant 0 : i32
    %lt3A_383 = arith.cmpi slt, %select_n3A_376, %lt3A_382 : i32
    %ne3A_384 = arith.xori %lt3A_381, %lt3A_383 : i1
    %and3A_385 = arith.andi %ne3A_384, %ne3A_379 : i1
    %add3A_386 = arith.addi %rem3A_377, %select_n3A_376 : i32
    %select_n3A_387 = arith.select %and3A_385, %add3A_386, %rem3A_377 : i32
    %dma_start3A_388 = arith.constant 6144 : i32
    %dma_start3A_389 = tpu.memref_slice %arg4[%dma_start3A_388] : memref<17408xi32, #tpu.memory_space<vmem>> -> memref<1024xi32, #tpu.memory_space<vmem>>
    %dma_start3A_390 = arith.constant 0 : i32
    %dma_start3A_391 = tpu.memref_slice %arg2[%select_n3A_371, %select_n3A_387, %dma_start3A_390] : memref<26x20x1024xi32, #tpu.memory_space<hbm>> -> memref<1x1x1024xi32, #tpu.memory_space<hbm>>
    %dma_start3A_392 = tpu.memref_squeeze %dma_start3A_391 : memref<1x1x1024xi32, #tpu.memory_space<hbm>> -> memref<1024xi32, #tpu.memory_space<hbm>>
    %dma_start3A_393 = arith.constant 6144 : i32
    %dma_start3A_394 = tpu.memref_slice %arg4[%dma_start3A_393] : memref<17408xi32, #tpu.memory_space<vmem>> -> memref<1024xi32, #tpu.memory_space<vmem>>
    %dma_start3A_395 = arith.constant 0 : i32
    %dma_start3A_396 = tpu.memref_slice %arg2[%select_n3A_371, %select_n3A_387, %dma_start3A_395] : memref<26x20x1024xi32, #tpu.memory_space<hbm>> -> memref<1x1x1024xi32, #tpu.memory_space<hbm>>
    %dma_start3A_397 = tpu.memref_squeeze %dma_start3A_396 : memref<1x1x1024xi32, #tpu.memory_space<hbm>> -> memref<1024xi32, #tpu.memory_space<hbm>>
    tpu.enqueue_dma source(%dma_start3A_397 : memref<1024xi32, #tpu.memory_space<hbm>>) target(%dma_start3A_394 : memref<1024xi32, #tpu.memory_space<vmem>>) target_semaphore(%arg9 : memref<!tpu.dma_semaphore, #tpu.memory_space<semaphore_mem>>)
    %add3A_398 = arith.constant 7 : i32
    %add3A_399 = arith.addi %select_n3A, %add3A_398 : i32
    %jit3A_400 = arith.constant 20 : i32
    %div3A_401 = arith.divsi %add3A_399, %jit3A_400 : i32
    %sign3A_402 = arith.constant 0 : i32
    %sign3A_403 = arith.cmpi sgt, %add3A_399, %sign3A_402 : i32
    %sign3A_404 = arith.extui %sign3A_403 : i1 to i32
    %sign3A_405 = arith.constant 0 : i32
    %sign3A_406 = arith.cmpi slt, %add3A_399, %sign3A_405 : i32
    %sign3A_407 = arith.extui %sign3A_406 : i1 to i32
    %sign3A_408 = arith.subi %sign3A_404, %sign3A_407 : i32
    %sign3A_409 = arith.constant 0 : i32
    %sign3A_410 = arith.cmpi sgt, %jit3A_400, %sign3A_409 : i32
    %sign3A_411 = arith.extui %sign3A_410 : i1 to i32
    %sign3A_412 = arith.constant 0 : i32
    %sign3A_413 = arith.cmpi slt, %jit3A_400, %sign3A_412 : i32
    %sign3A_414 = arith.extui %sign3A_413 : i1 to i32
    %sign3A_415 = arith.subi %sign3A_411, %sign3A_414 : i32
    %ne3A_416 = arith.cmpi ne, %sign3A_408, %sign3A_415 : i32
    %rem3A_417 = arith.remsi %add3A_399, %jit3A_400 : i32
    %ne3A_418 = arith.constant 0 : i32
    %ne3A_419 = arith.cmpi ne, %rem3A_417, %ne3A_418 : i32
    %and3A_420 = arith.andi %ne3A_416, %ne3A_419 : i1
    %sub3A_421 = arith.constant 1 : i32
    %sub3A_422 = arith.subi %div3A_401, %sub3A_421 : i32
    %select_n3A_423 = arith.select %and3A_420, %sub3A_422, %div3A_401 : i32
    %jit3A_424 = arith.constant 20 : i32
    %eq3A_425 = arith.constant 0 : i32
    %eq3A_426 = arith.cmpi eq, %jit3A_424, %eq3A_425 : i32
    %jit3A_427 = arith.constant 1 : i32
    %select_n3A_428 = arith.select %eq3A_426, %jit3A_427, %jit3A_424 : i32
    %rem3A_429 = arith.remsi %add3A_399, %select_n3A_428 : i32
    %ne3A_430 = arith.constant 0 : i32
    %ne3A_431 = arith.cmpi ne, %rem3A_429, %ne3A_430 : i32
    %lt3A_432 = arith.constant 0 : i32
    %lt3A_433 = arith.cmpi slt, %rem3A_429, %lt3A_432 : i32
    %lt3A_434 = arith.constant 0 : i32
    %lt3A_435 = arith.cmpi slt, %select_n3A_428, %lt3A_434 : i32
    %ne3A_436 = arith.xori %lt3A_433, %lt3A_435 : i1
    %and3A_437 = arith.andi %ne3A_436, %ne3A_431 : i1
    %add3A_438 = arith.addi %rem3A_429, %select_n3A_428 : i32
    %select_n3A_439 = arith.select %and3A_437, %add3A_438, %rem3A_429 : i32
    %dma_start3A_440 = arith.constant 7168 : i32
    %dma_start3A_441 = tpu.memref_slice %arg4[%dma_start3A_440] : memref<17408xi32, #tpu.memory_space<vmem>> -> memref<1024xi32, #tpu.memory_space<vmem>>
    %dma_start3A_442 = arith.constant 0 : i32
    %dma_start3A_443 = tpu.memref_slice %arg2[%select_n3A_423, %select_n3A_439, %dma_start3A_442] : memref<26x20x1024xi32, #tpu.memory_space<hbm>> -> memref<1x1x1024xi32, #tpu.memory_space<hbm>>
    %dma_start3A_444 = tpu.memref_squeeze %dma_start3A_443 : memref<1x1x1024xi32, #tpu.memory_space<hbm>> -> memref<1024xi32, #tpu.memory_space<hbm>>
    %dma_start3A_445 = arith.constant 7168 : i32
    %dma_start3A_446 = tpu.memref_slice %arg4[%dma_start3A_445] : memref<17408xi32, #tpu.memory_space<vmem>> -> memref<1024xi32, #tpu.memory_space<vmem>>
    %dma_start3A_447 = arith.constant 0 : i32
    %dma_start3A_448 = tpu.memref_slice %arg2[%select_n3A_423, %select_n3A_439, %dma_start3A_447] : memref<26x20x1024xi32, #tpu.memory_space<hbm>> -> memref<1x1x1024xi32, #tpu.memory_space<hbm>>
    %dma_start3A_449 = tpu.memref_squeeze %dma_start3A_448 : memref<1x1x1024xi32, #tpu.memory_space<hbm>> -> memref<1024xi32, #tpu.memory_space<hbm>>
    tpu.enqueue_dma source(%dma_start3A_449 : memref<1024xi32, #tpu.memory_space<hbm>>) target(%dma_start3A_446 : memref<1024xi32, #tpu.memory_space<vmem>>) target_semaphore(%arg9 : memref<!tpu.dma_semaphore, #tpu.memory_space<semaphore_mem>>)
    %add3A_450 = arith.constant 8 : i32
    %add3A_451 = arith.addi %select_n3A, %add3A_450 : i32
    %jit3A_452 = arith.constant 20 : i32
    %div3A_453 = arith.divsi %add3A_451, %jit3A_452 : i32
    %sign3A_454 = arith.constant 0 : i32
    %sign3A_455 = arith.cmpi sgt, %add3A_451, %sign3A_454 : i32
    %sign3A_456 = arith.extui %sign3A_455 : i1 to i32
    %sign3A_457 = arith.constant 0 : i32
    %sign3A_458 = arith.cmpi slt, %add3A_451, %sign3A_457 : i32
    %sign3A_459 = arith.extui %sign3A_458 : i1 to i32
    %sign3A_460 = arith.subi %sign3A_456, %sign3A_459 : i32
    %sign3A_461 = arith.constant 0 : i32
    %sign3A_462 = arith.cmpi sgt, %jit3A_452, %sign3A_461 : i32
    %sign3A_463 = arith.extui %sign3A_462 : i1 to i32
    %sign3A_464 = arith.constant 0 : i32
    %sign3A_465 = arith.cmpi slt, %jit3A_452, %sign3A_464 : i32
    %sign3A_466 = arith.extui %sign3A_465 : i1 to i32
    %sign3A_467 = arith.subi %sign3A_463, %sign3A_466 : i32
    %ne3A_468 = arith.cmpi ne, %sign3A_460, %sign3A_467 : i32
    %rem3A_469 = arith.remsi %add3A_451, %jit3A_452 : i32
    %ne3A_470 = arith.constant 0 : i32
    %ne3A_471 = arith.cmpi ne, %rem3A_469, %ne3A_470 : i32
    %and3A_472 = arith.andi %ne3A_468, %ne3A_471 : i1
    %sub3A_473 = arith.constant 1 : i32
    %sub3A_474 = arith.subi %div3A_453, %sub3A_473 : i32
    %select_n3A_475 = arith.select %and3A_472, %sub3A_474, %div3A_453 : i32
    %jit3A_476 = arith.constant 20 : i32
    %eq3A_477 = arith.constant 0 : i32
    %eq3A_478 = arith.cmpi eq, %jit3A_476, %eq3A_477 : i32
    %jit3A_479 = arith.constant 1 : i32
    %select_n3A_480 = arith.select %eq3A_478, %jit3A_479, %jit3A_476 : i32
    %rem3A_481 = arith.remsi %add3A_451, %select_n3A_480 : i32
    %ne3A_482 = arith.constant 0 : i32
    %ne3A_483 = arith.cmpi ne, %rem3A_481, %ne3A_482 : i32
    %lt3A_484 = arith.constant 0 : i32
    %lt3A_485 = arith.cmpi slt, %rem3A_481, %lt3A_484 : i32
    %lt3A_486 = arith.constant 0 : i32
    %lt3A_487 = arith.cmpi slt, %select_n3A_480, %lt3A_486 : i32
    %ne3A_488 = arith.xori %lt3A_485, %lt3A_487 : i1
    %and3A_489 = arith.andi %ne3A_488, %ne3A_483 : i1
    %add3A_490 = arith.addi %rem3A_481, %select_n3A_480 : i32
    %select_n3A_491 = arith.select %and3A_489, %add3A_490, %rem3A_481 : i32
    %dma_start3A_492 = arith.constant 8192 : i32
    %dma_start3A_493 = tpu.memref_slice %arg4[%dma_start3A_492] : memref<17408xi32, #tpu.memory_space<vmem>> -> memref<1024xi32, #tpu.memory_space<vmem>>
    %dma_start3A_494 = arith.constant 0 : i32
    %dma_start3A_495 = tpu.memref_slice %arg2[%select_n3A_475, %select_n3A_491, %dma_start3A_494] : memref<26x20x1024xi32, #tpu.memory_space<hbm>> -> memref<1x1x1024xi32, #tpu.memory_space<hbm>>
    %dma_start3A_496 = tpu.memref_squeeze %dma_start3A_495 : memref<1x1x1024xi32, #tpu.memory_space<hbm>> -> memref<1024xi32, #tpu.memory_space<hbm>>
    %dma_start3A_497 = arith.constant 8192 : i32
    %dma_start3A_498 = tpu.memref_slice %arg4[%dma_start3A_497] : memref<17408xi32, #tpu.memory_space<vmem>> -> memref<1024xi32, #tpu.memory_space<vmem>>
    %dma_start3A_499 = arith.constant 0 : i32
    %dma_start3A_500 = tpu.memref_slice %arg2[%select_n3A_475, %select_n3A_491, %dma_start3A_499] : memref<26x20x1024xi32, #tpu.memory_space<hbm>> -> memref<1x1x1024xi32, #tpu.memory_space<hbm>>
    %dma_start3A_501 = tpu.memref_squeeze %dma_start3A_500 : memref<1x1x1024xi32, #tpu.memory_space<hbm>> -> memref<1024xi32, #tpu.memory_space<hbm>>
    tpu.enqueue_dma source(%dma_start3A_501 : memref<1024xi32, #tpu.memory_space<hbm>>) target(%dma_start3A_498 : memref<1024xi32, #tpu.memory_space<vmem>>) target_semaphore(%arg9 : memref<!tpu.dma_semaphore, #tpu.memory_space<semaphore_mem>>)
    %add3A_502 = arith.constant 9 : i32
    %add3A_503 = arith.addi %select_n3A, %add3A_502 : i32
    %jit3A_504 = arith.constant 20 : i32
    %div3A_505 = arith.divsi %add3A_503, %jit3A_504 : i32
    %sign3A_506 = arith.constant 0 : i32
    %sign3A_507 = arith.cmpi sgt, %add3A_503, %sign3A_506 : i32
    %sign3A_508 = arith.extui %sign3A_507 : i1 to i32
    %sign3A_509 = arith.constant 0 : i32
    %sign3A_510 = arith.cmpi slt, %add3A_503, %sign3A_509 : i32
    %sign3A_511 = arith.extui %sign3A_510 : i1 to i32
    %sign3A_512 = arith.subi %sign3A_508, %sign3A_511 : i32
    %sign3A_513 = arith.constant 0 : i32
    %sign3A_514 = arith.cmpi sgt, %jit3A_504, %sign3A_513 : i32
    %sign3A_515 = arith.extui %sign3A_514 : i1 to i32
    %sign3A_516 = arith.constant 0 : i32
    %sign3A_517 = arith.cmpi slt, %jit3A_504, %sign3A_516 : i32
    %sign3A_518 = arith.extui %sign3A_517 : i1 to i32
    %sign3A_519 = arith.subi %sign3A_515, %sign3A_518 : i32
    %ne3A_520 = arith.cmpi ne, %sign3A_512, %sign3A_519 : i32
    %rem3A_521 = arith.remsi %add3A_503, %jit3A_504 : i32
    %ne3A_522 = arith.constant 0 : i32
    %ne3A_523 = arith.cmpi ne, %rem3A_521, %ne3A_522 : i32
    %and3A_524 = arith.andi %ne3A_520, %ne3A_523 : i1
    %sub3A_525 = arith.constant 1 : i32
    %sub3A_526 = arith.subi %div3A_505, %sub3A_525 : i32
    %select_n3A_527 = arith.select %and3A_524, %sub3A_526, %div3A_505 : i32
    %jit3A_528 = arith.constant 20 : i32
    %eq3A_529 = arith.constant 0 : i32
    %eq3A_530 = arith.cmpi eq, %jit3A_528, %eq3A_529 : i32
    %jit3A_531 = arith.constant 1 : i32
    %select_n3A_532 = arith.select %eq3A_530, %jit3A_531, %jit3A_528 : i32
    %rem3A_533 = arith.remsi %add3A_503, %select_n3A_532 : i32
    %ne3A_534 = arith.constant 0 : i32
    %ne3A_535 = arith.cmpi ne, %rem3A_533, %ne3A_534 : i32
    %lt3A_536 = arith.constant 0 : i32
    %lt3A_537 = arith.cmpi slt, %rem3A_533, %lt3A_536 : i32
    %lt3A_538 = arith.constant 0 : i32
    %lt3A_539 = arith.cmpi slt, %select_n3A_532, %lt3A_538 : i32
    %ne3A_540 = arith.xori %lt3A_537, %lt3A_539 : i1
    %and3A_541 = arith.andi %ne3A_540, %ne3A_535 : i1
    %add3A_542 = arith.addi %rem3A_533, %select_n3A_532 : i32
    %select_n3A_543 = arith.select %and3A_541, %add3A_542, %rem3A_533 : i32
    %dma_start3A_544 = arith.constant 9216 : i32
    %dma_start3A_545 = tpu.memref_slice %arg4[%dma_start3A_544] : memref<17408xi32, #tpu.memory_space<vmem>> -> memref<1024xi32, #tpu.memory_space<vmem>>
    %dma_start3A_546 = arith.constant 0 : i32
    %dma_start3A_547 = tpu.memref_slice %arg2[%select_n3A_527, %select_n3A_543, %dma_start3A_546] : memref<26x20x1024xi32, #tpu.memory_space<hbm>> -> memref<1x1x1024xi32, #tpu.memory_space<hbm>>
    %dma_start3A_548 = tpu.memref_squeeze %dma_start3A_547 : memref<1x1x1024xi32, #tpu.memory_space<hbm>> -> memref<1024xi32, #tpu.memory_space<hbm>>
    %dma_start3A_549 = arith.constant 9216 : i32
    %dma_start3A_550 = tpu.memref_slice %arg4[%dma_start3A_549] : memref<17408xi32, #tpu.memory_space<vmem>> -> memref<1024xi32, #tpu.memory_space<vmem>>
    %dma_start3A_551 = arith.constant 0 : i32
    %dma_start3A_552 = tpu.memref_slice %arg2[%select_n3A_527, %select_n3A_543, %dma_start3A_551] : memref<26x20x1024xi32, #tpu.memory_space<hbm>> -> memref<1x1x1024xi32, #tpu.memory_space<hbm>>
    %dma_start3A_553 = tpu.memref_squeeze %dma_start3A_552 : memref<1x1x1024xi32, #tpu.memory_space<hbm>> -> memref<1024xi32, #tpu.memory_space<hbm>>
    tpu.enqueue_dma source(%dma_start3A_553 : memref<1024xi32, #tpu.memory_space<hbm>>) target(%dma_start3A_550 : memref<1024xi32, #tpu.memory_space<vmem>>) target_semaphore(%arg9 : memref<!tpu.dma_semaphore, #tpu.memory_space<semaphore_mem>>)
    %add3A_554 = arith.constant 10 : i32
    %add3A_555 = arith.addi %select_n3A, %add3A_554 : i32
    %jit3A_556 = arith.constant 20 : i32
    %div3A_557 = arith.divsi %add3A_555, %jit3A_556 : i32
    %sign3A_558 = arith.constant 0 : i32
    %sign3A_559 = arith.cmpi sgt, %add3A_555, %sign3A_558 : i32
    %sign3A_560 = arith.extui %sign3A_559 : i1 to i32
    %sign3A_561 = arith.constant 0 : i32
    %sign3A_562 = arith.cmpi slt, %add3A_555, %sign3A_561 : i32
    %sign3A_563 = arith.extui %sign3A_562 : i1 to i32
    %sign3A_564 = arith.subi %sign3A_560, %sign3A_563 : i32
    %sign3A_565 = arith.constant 0 : i32
    %sign3A_566 = arith.cmpi sgt, %jit3A_556, %sign3A_565 : i32
    %sign3A_567 = arith.extui %sign3A_566 : i1 to i32
    %sign3A_568 = arith.constant 0 : i32
    %sign3A_569 = arith.cmpi slt, %jit3A_556, %sign3A_568 : i32
    %sign3A_570 = arith.extui %sign3A_569 : i1 to i32
    %sign3A_571 = arith.subi %sign3A_567, %sign3A_570 : i32
    %ne3A_572 = arith.cmpi ne, %sign3A_564, %sign3A_571 : i32
    %rem3A_573 = arith.remsi %add3A_555, %jit3A_556 : i32
    %ne3A_574 = arith.constant 0 : i32
    %ne3A_575 = arith.cmpi ne, %rem3A_573, %ne3A_574 : i32
    %and3A_576 = arith.andi %ne3A_572, %ne3A_575 : i1
    %sub3A_577 = arith.constant 1 : i32
    %sub3A_578 = arith.subi %div3A_557, %sub3A_577 : i32
    %select_n3A_579 = arith.select %and3A_576, %sub3A_578, %div3A_557 : i32
    %jit3A_580 = arith.constant 20 : i32
    %eq3A_581 = arith.constant 0 : i32
    %eq3A_582 = arith.cmpi eq, %jit3A_580, %eq3A_581 : i32
    %jit3A_583 = arith.constant 1 : i32
    %select_n3A_584 = arith.select %eq3A_582, %jit3A_583, %jit3A_580 : i32
    %rem3A_585 = arith.remsi %add3A_555, %select_n3A_584 : i32
    %ne3A_586 = arith.constant 0 : i32
    %ne3A_587 = arith.cmpi ne, %rem3A_585, %ne3A_586 : i32
    %lt3A_588 = arith.constant 0 : i32
    %lt3A_589 = arith.cmpi slt, %rem3A_585, %lt3A_588 : i32
    %lt3A_590 = arith.constant 0 : i32
    %lt3A_591 = arith.cmpi slt, %select_n3A_584, %lt3A_590 : i32
    %ne3A_592 = arith.xori %lt3A_589, %lt3A_591 : i1
    %and3A_593 = arith.andi %ne3A_592, %ne3A_587 : i1
    %add3A_594 = arith.addi %rem3A_585, %select_n3A_584 : i32
    %select_n3A_595 = arith.select %and3A_593, %add3A_594, %rem3A_585 : i32
    %dma_start3A_596 = arith.constant 10240 : i32
    %dma_start3A_597 = tpu.memref_slice %arg4[%dma_start3A_596] : memref<17408xi32, #tpu.memory_space<vmem>> -> memref<1024xi32, #tpu.memory_space<vmem>>
    %dma_start3A_598 = arith.constant 0 : i32
    %dma_start3A_599 = tpu.memref_slice %arg2[%select_n3A_579, %select_n3A_595, %dma_start3A_598] : memref<26x20x1024xi32, #tpu.memory_space<hbm>> -> memref<1x1x1024xi32, #tpu.memory_space<hbm>>
    %dma_start3A_600 = tpu.memref_squeeze %dma_start3A_599 : memref<1x1x1024xi32, #tpu.memory_space<hbm>> -> memref<1024xi32, #tpu.memory_space<hbm>>
    %dma_start3A_601 = arith.constant 10240 : i32
    %dma_start3A_602 = tpu.memref_slice %arg4[%dma_start3A_601] : memref<17408xi32, #tpu.memory_space<vmem>> -> memref<1024xi32, #tpu.memory_space<vmem>>
    %dma_start3A_603 = arith.constant 0 : i32
    %dma_start3A_604 = tpu.memref_slice %arg2[%select_n3A_579, %select_n3A_595, %dma_start3A_603] : memref<26x20x1024xi32, #tpu.memory_space<hbm>> -> memref<1x1x1024xi32, #tpu.memory_space<hbm>>
    %dma_start3A_605 = tpu.memref_squeeze %dma_start3A_604 : memref<1x1x1024xi32, #tpu.memory_space<hbm>> -> memref<1024xi32, #tpu.memory_space<hbm>>
    tpu.enqueue_dma source(%dma_start3A_605 : memref<1024xi32, #tpu.memory_space<hbm>>) target(%dma_start3A_602 : memref<1024xi32, #tpu.memory_space<vmem>>) target_semaphore(%arg9 : memref<!tpu.dma_semaphore, #tpu.memory_space<semaphore_mem>>)
    %add3A_606 = arith.constant 11 : i32
    %add3A_607 = arith.addi %select_n3A, %add3A_606 : i32
    %jit3A_608 = arith.constant 20 : i32
    %div3A_609 = arith.divsi %add3A_607, %jit3A_608 : i32
    %sign3A_610 = arith.constant 0 : i32
    %sign3A_611 = arith.cmpi sgt, %add3A_607, %sign3A_610 : i32
    %sign3A_612 = arith.extui %sign3A_611 : i1 to i32
    %sign3A_613 = arith.constant 0 : i32
    %sign3A_614 = arith.cmpi slt, %add3A_607, %sign3A_613 : i32
    %sign3A_615 = arith.extui %sign3A_614 : i1 to i32
    %sign3A_616 = arith.subi %sign3A_612, %sign3A_615 : i32
    %sign3A_617 = arith.constant 0 : i32
    %sign3A_618 = arith.cmpi sgt, %jit3A_608, %sign3A_617 : i32
    %sign3A_619 = arith.extui %sign3A_618 : i1 to i32
    %sign3A_620 = arith.constant 0 : i32
    %sign3A_621 = arith.cmpi slt, %jit3A_608, %sign3A_620 : i32
    %sign3A_622 = arith.extui %sign3A_621 : i1 to i32
    %sign3A_623 = arith.subi %sign3A_619, %sign3A_622 : i32
    %ne3A_624 = arith.cmpi ne, %sign3A_616, %sign3A_623 : i32
    %rem3A_625 = arith.remsi %add3A_607, %jit3A_608 : i32
    %ne3A_626 = arith.constant 0 : i32
    %ne3A_627 = arith.cmpi ne, %rem3A_625, %ne3A_626 : i32
    %and3A_628 = arith.andi %ne3A_624, %ne3A_627 : i1
    %sub3A_629 = arith.constant 1 : i32
    %sub3A_630 = arith.subi %div3A_609, %sub3A_629 : i32
    %select_n3A_631 = arith.select %and3A_628, %sub3A_630, %div3A_609 : i32
    %jit3A_632 = arith.constant 20 : i32
    %eq3A_633 = arith.constant 0 : i32
    %eq3A_634 = arith.cmpi eq, %jit3A_632, %eq3A_633 : i32
    %jit3A_635 = arith.constant 1 : i32
    %select_n3A_636 = arith.select %eq3A_634, %jit3A_635, %jit3A_632 : i32
    %rem3A_637 = arith.remsi %add3A_607, %select_n3A_636 : i32
    %ne3A_638 = arith.constant 0 : i32
    %ne3A_639 = arith.cmpi ne, %rem3A_637, %ne3A_638 : i32
    %lt3A_640 = arith.constant 0 : i32
    %lt3A_641 = arith.cmpi slt, %rem3A_637, %lt3A_640 : i32
    %lt3A_642 = arith.constant 0 : i32
    %lt3A_643 = arith.cmpi slt, %select_n3A_636, %lt3A_642 : i32
    %ne3A_644 = arith.xori %lt3A_641, %lt3A_643 : i1
    %and3A_645 = arith.andi %ne3A_644, %ne3A_639 : i1
    %add3A_646 = arith.addi %rem3A_637, %select_n3A_636 : i32
    %select_n3A_647 = arith.select %and3A_645, %add3A_646, %rem3A_637 : i32
    %dma_start3A_648 = arith.constant 11264 : i32
    %dma_start3A_649 = tpu.memref_slice %arg4[%dma_start3A_648] : memref<17408xi32, #tpu.memory_space<vmem>> -> memref<1024xi32, #tpu.memory_space<vmem>>
    %dma_start3A_650 = arith.constant 0 : i32
    %dma_start3A_651 = tpu.memref_slice %arg2[%select_n3A_631, %select_n3A_647, %dma_start3A_650] : memref<26x20x1024xi32, #tpu.memory_space<hbm>> -> memref<1x1x1024xi32, #tpu.memory_space<hbm>>
    %dma_start3A_652 = tpu.memref_squeeze %dma_start3A_651 : memref<1x1x1024xi32, #tpu.memory_space<hbm>> -> memref<1024xi32, #tpu.memory_space<hbm>>
    %dma_start3A_653 = arith.constant 11264 : i32
    %dma_start3A_654 = tpu.memref_slice %arg4[%dma_start3A_653] : memref<17408xi32, #tpu.memory_space<vmem>> -> memref<1024xi32, #tpu.memory_space<vmem>>
    %dma_start3A_655 = arith.constant 0 : i32
    %dma_start3A_656 = tpu.memref_slice %arg2[%select_n3A_631, %select_n3A_647, %dma_start3A_655] : memref<26x20x1024xi32, #tpu.memory_space<hbm>> -> memref<1x1x1024xi32, #tpu.memory_space<hbm>>
    %dma_start3A_657 = tpu.memref_squeeze %dma_start3A_656 : memref<1x1x1024xi32, #tpu.memory_space<hbm>> -> memref<1024xi32, #tpu.memory_space<hbm>>
    tpu.enqueue_dma source(%dma_start3A_657 : memref<1024xi32, #tpu.memory_space<hbm>>) target(%dma_start3A_654 : memref<1024xi32, #tpu.memory_space<vmem>>) target_semaphore(%arg9 : memref<!tpu.dma_semaphore, #tpu.memory_space<semaphore_mem>>)
    %add3A_658 = arith.constant 12 : i32
    %add3A_659 = arith.addi %select_n3A, %add3A_658 : i32
    %jit3A_660 = arith.constant 20 : i32
    %div3A_661 = arith.divsi %add3A_659, %jit3A_660 : i32
    %sign3A_662 = arith.constant 0 : i32
    %sign3A_663 = arith.cmpi sgt, %add3A_659, %sign3A_662 : i32
    %sign3A_664 = arith.extui %sign3A_663 : i1 to i32
    %sign3A_665 = arith.constant 0 : i32
    %sign3A_666 = arith.cmpi slt, %add3A_659, %sign3A_665 : i32
    %sign3A_667 = arith.extui %sign3A_666 : i1 to i32
    %sign3A_668 = arith.subi %sign3A_664, %sign3A_667 : i32
    %sign3A_669 = arith.constant 0 : i32
    %sign3A_670 = arith.cmpi sgt, %jit3A_660, %sign3A_669 : i32
    %sign3A_671 = arith.extui %sign3A_670 : i1 to i32
    %sign3A_672 = arith.constant 0 : i32
    %sign3A_673 = arith.cmpi slt, %jit3A_660, %sign3A_672 : i32
    %sign3A_674 = arith.extui %sign3A_673 : i1 to i32
    %sign3A_675 = arith.subi %sign3A_671, %sign3A_674 : i32
    %ne3A_676 = arith.cmpi ne, %sign3A_668, %sign3A_675 : i32
    %rem3A_677 = arith.remsi %add3A_659, %jit3A_660 : i32
    %ne3A_678 = arith.constant 0 : i32
    %ne3A_679 = arith.cmpi ne, %rem3A_677, %ne3A_678 : i32
    %and3A_680 = arith.andi %ne3A_676, %ne3A_679 : i1
    %sub3A_681 = arith.constant 1 : i32
    %sub3A_682 = arith.subi %div3A_661, %sub3A_681 : i32
    %select_n3A_683 = arith.select %and3A_680, %sub3A_682, %div3A_661 : i32
    %jit3A_684 = arith.constant 20 : i32
    %eq3A_685 = arith.constant 0 : i32
    %eq3A_686 = arith.cmpi eq, %jit3A_684, %eq3A_685 : i32
    %jit3A_687 = arith.constant 1 : i32
    %select_n3A_688 = arith.select %eq3A_686, %jit3A_687, %jit3A_684 : i32
    %rem3A_689 = arith.remsi %add3A_659, %select_n3A_688 : i32
    %ne3A_690 = arith.constant 0 : i32
    %ne3A_691 = arith.cmpi ne, %rem3A_689, %ne3A_690 : i32
    %lt3A_692 = arith.constant 0 : i32
    %lt3A_693 = arith.cmpi slt, %rem3A_689, %lt3A_692 : i32
    %lt3A_694 = arith.constant 0 : i32
    %lt3A_695 = arith.cmpi slt, %select_n3A_688, %lt3A_694 : i32
    %ne3A_696 = arith.xori %lt3A_693, %lt3A_695 : i1
    %and3A_697 = arith.andi %ne3A_696, %ne3A_691 : i1
    %add3A_698 = arith.addi %rem3A_689, %select_n3A_688 : i32
    %select_n3A_699 = arith.select %and3A_697, %add3A_698, %rem3A_689 : i32
    %dma_start3A_700 = arith.constant 12288 : i32
    %dma_start3A_701 = tpu.memref_slice %arg4[%dma_start3A_700] : memref<17408xi32, #tpu.memory_space<vmem>> -> memref<1024xi32, #tpu.memory_space<vmem>>
    %dma_start3A_702 = arith.constant 0 : i32
    %dma_start3A_703 = tpu.memref_slice %arg2[%select_n3A_683, %select_n3A_699, %dma_start3A_702] : memref<26x20x1024xi32, #tpu.memory_space<hbm>> -> memref<1x1x1024xi32, #tpu.memory_space<hbm>>
    %dma_start3A_704 = tpu.memref_squeeze %dma_start3A_703 : memref<1x1x1024xi32, #tpu.memory_space<hbm>> -> memref<1024xi32, #tpu.memory_space<hbm>>
    %dma_start3A_705 = arith.constant 12288 : i32
    %dma_start3A_706 = tpu.memref_slice %arg4[%dma_start3A_705] : memref<17408xi32, #tpu.memory_space<vmem>> -> memref<1024xi32, #tpu.memory_space<vmem>>
    %dma_start3A_707 = arith.constant 0 : i32
    %dma_start3A_708 = tpu.memref_slice %arg2[%select_n3A_683, %select_n3A_699, %dma_start3A_707] : memref<26x20x1024xi32, #tpu.memory_space<hbm>> -> memref<1x1x1024xi32, #tpu.memory_space<hbm>>
    %dma_start3A_709 = tpu.memref_squeeze %dma_start3A_708 : memref<1x1x1024xi32, #tpu.memory_space<hbm>> -> memref<1024xi32, #tpu.memory_space<hbm>>
    tpu.enqueue_dma source(%dma_start3A_709 : memref<1024xi32, #tpu.memory_space<hbm>>) target(%dma_start3A_706 : memref<1024xi32, #tpu.memory_space<vmem>>) target_semaphore(%arg9 : memref<!tpu.dma_semaphore, #tpu.memory_space<semaphore_mem>>)
    %add3A_710 = arith.constant 13 : i32
    %add3A_711 = arith.addi %select_n3A, %add3A_710 : i32
    %jit3A_712 = arith.constant 20 : i32
    %div3A_713 = arith.divsi %add3A_711, %jit3A_712 : i32
    %sign3A_714 = arith.constant 0 : i32
    %sign3A_715 = arith.cmpi sgt, %add3A_711, %sign3A_714 : i32
    %sign3A_716 = arith.extui %sign3A_715 : i1 to i32
    %sign3A_717 = arith.constant 0 : i32
    %sign3A_718 = arith.cmpi slt, %add3A_711, %sign3A_717 : i32
    %sign3A_719 = arith.extui %sign3A_718 : i1 to i32
    %sign3A_720 = arith.subi %sign3A_716, %sign3A_719 : i32
    %sign3A_721 = arith.constant 0 : i32
    %sign3A_722 = arith.cmpi sgt, %jit3A_712, %sign3A_721 : i32
    %sign3A_723 = arith.extui %sign3A_722 : i1 to i32
    %sign3A_724 = arith.constant 0 : i32
    %sign3A_725 = arith.cmpi slt, %jit3A_712, %sign3A_724 : i32
    %sign3A_726 = arith.extui %sign3A_725 : i1 to i32
    %sign3A_727 = arith.subi %sign3A_723, %sign3A_726 : i32
    %ne3A_728 = arith.cmpi ne, %sign3A_720, %sign3A_727 : i32
    %rem3A_729 = arith.remsi %add3A_711, %jit3A_712 : i32
    %ne3A_730 = arith.constant 0 : i32
    %ne3A_731 = arith.cmpi ne, %rem3A_729, %ne3A_730 : i32
    %and3A_732 = arith.andi %ne3A_728, %ne3A_731 : i1
    %sub3A_733 = arith.constant 1 : i32
    %sub3A_734 = arith.subi %div3A_713, %sub3A_733 : i32
    %select_n3A_735 = arith.select %and3A_732, %sub3A_734, %div3A_713 : i32
    %jit3A_736 = arith.constant 20 : i32
    %eq3A_737 = arith.constant 0 : i32
    %eq3A_738 = arith.cmpi eq, %jit3A_736, %eq3A_737 : i32
    %jit3A_739 = arith.constant 1 : i32
    %select_n3A_740 = arith.select %eq3A_738, %jit3A_739, %jit3A_736 : i32
    %rem3A_741 = arith.remsi %add3A_711, %select_n3A_740 : i32
    %ne3A_742 = arith.constant 0 : i32
    %ne3A_743 = arith.cmpi ne, %rem3A_741, %ne3A_742 : i32
    %lt3A_744 = arith.constant 0 : i32
    %lt3A_745 = arith.cmpi slt, %rem3A_741, %lt3A_744 : i32
    %lt3A_746 = arith.constant 0 : i32
    %lt3A_747 = arith.cmpi slt, %select_n3A_740, %lt3A_746 : i32
    %ne3A_748 = arith.xori %lt3A_745, %lt3A_747 : i1
    %and3A_749 = arith.andi %ne3A_748, %ne3A_743 : i1
    %add3A_750 = arith.addi %rem3A_741, %select_n3A_740 : i32
    %select_n3A_751 = arith.select %and3A_749, %add3A_750, %rem3A_741 : i32
    %dma_start3A_752 = arith.constant 13312 : i32
    %dma_start3A_753 = tpu.memref_slice %arg4[%dma_start3A_752] : memref<17408xi32, #tpu.memory_space<vmem>> -> memref<1024xi32, #tpu.memory_space<vmem>>
    %dma_start3A_754 = arith.constant 0 : i32
    %dma_start3A_755 = tpu.memref_slice %arg2[%select_n3A_735, %select_n3A_751, %dma_start3A_754] : memref<26x20x1024xi32, #tpu.memory_space<hbm>> -> memref<1x1x1024xi32, #tpu.memory_space<hbm>>
    %dma_start3A_756 = tpu.memref_squeeze %dma_start3A_755 : memref<1x1x1024xi32, #tpu.memory_space<hbm>> -> memref<1024xi32, #tpu.memory_space<hbm>>
    %dma_start3A_757 = arith.constant 13312 : i32
    %dma_start3A_758 = tpu.memref_slice %arg4[%dma_start3A_757] : memref<17408xi32, #tpu.memory_space<vmem>> -> memref<1024xi32, #tpu.memory_space<vmem>>
    %dma_start3A_759 = arith.constant 0 : i32
    %dma_start3A_760 = tpu.memref_slice %arg2[%select_n3A_735, %select_n3A_751, %dma_start3A_759] : memref<26x20x1024xi32, #tpu.memory_space<hbm>> -> memref<1x1x1024xi32, #tpu.memory_space<hbm>>
    %dma_start3A_761 = tpu.memref_squeeze %dma_start3A_760 : memref<1x1x1024xi32, #tpu.memory_space<hbm>> -> memref<1024xi32, #tpu.memory_space<hbm>>
    tpu.enqueue_dma source(%dma_start3A_761 : memref<1024xi32, #tpu.memory_space<hbm>>) target(%dma_start3A_758 : memref<1024xi32, #tpu.memory_space<vmem>>) target_semaphore(%arg9 : memref<!tpu.dma_semaphore, #tpu.memory_space<semaphore_mem>>)
    %add3A_762 = arith.constant 14 : i32
    %add3A_763 = arith.addi %select_n3A, %add3A_762 : i32
    %jit3A_764 = arith.constant 20 : i32
    %div3A_765 = arith.divsi %add3A_763, %jit3A_764 : i32
    %sign3A_766 = arith.constant 0 : i32
    %sign3A_767 = arith.cmpi sgt, %add3A_763, %sign3A_766 : i32
    %sign3A_768 = arith.extui %sign3A_767 : i1 to i32
    %sign3A_769 = arith.constant 0 : i32
    %sign3A_770 = arith.cmpi slt, %add3A_763, %sign3A_769 : i32
    %sign3A_771 = arith.extui %sign3A_770 : i1 to i32
    %sign3A_772 = arith.subi %sign3A_768, %sign3A_771 : i32
    %sign3A_773 = arith.constant 0 : i32
    %sign3A_774 = arith.cmpi sgt, %jit3A_764, %sign3A_773 : i32
    %sign3A_775 = arith.extui %sign3A_774 : i1 to i32
    %sign3A_776 = arith.constant 0 : i32
    %sign3A_777 = arith.cmpi slt, %jit3A_764, %sign3A_776 : i32
    %sign3A_778 = arith.extui %sign3A_777 : i1 to i32
    %sign3A_779 = arith.subi %sign3A_775, %sign3A_778 : i32
    %ne3A_780 = arith.cmpi ne, %sign3A_772, %sign3A_779 : i32
    %rem3A_781 = arith.remsi %add3A_763, %jit3A_764 : i32
    %ne3A_782 = arith.constant 0 : i32
    %ne3A_783 = arith.cmpi ne, %rem3A_781, %ne3A_782 : i32
    %and3A_784 = arith.andi %ne3A_780, %ne3A_783 : i1
    %sub3A_785 = arith.constant 1 : i32
    %sub3A_786 = arith.subi %div3A_765, %sub3A_785 : i32
    %select_n3A_787 = arith.select %and3A_784, %sub3A_786, %div3A_765 : i32
    %jit3A_788 = arith.constant 20 : i32
    %eq3A_789 = arith.constant 0 : i32
    %eq3A_790 = arith.cmpi eq, %jit3A_788, %eq3A_789 : i32
    %jit3A_791 = arith.constant 1 : i32
    %select_n3A_792 = arith.select %eq3A_790, %jit3A_791, %jit3A_788 : i32
    %rem3A_793 = arith.remsi %add3A_763, %select_n3A_792 : i32
    %ne3A_794 = arith.constant 0 : i32
    %ne3A_795 = arith.cmpi ne, %rem3A_793, %ne3A_794 : i32
    %lt3A_796 = arith.constant 0 : i32
    %lt3A_797 = arith.cmpi slt, %rem3A_793, %lt3A_796 : i32
    %lt3A_798 = arith.constant 0 : i32
    %lt3A_799 = arith.cmpi slt, %select_n3A_792, %lt3A_798 : i32
    %ne3A_800 = arith.xori %lt3A_797, %lt3A_799 : i1
    %and3A_801 = arith.andi %ne3A_800, %ne3A_795 : i1
    %add3A_802 = arith.addi %rem3A_793, %select_n3A_792 : i32
    %select_n3A_803 = arith.select %and3A_801, %add3A_802, %rem3A_793 : i32
    %dma_start3A_804 = arith.constant 14336 : i32
    %dma_start3A_805 = tpu.memref_slice %arg4[%dma_start3A_804] : memref<17408xi32, #tpu.memory_space<vmem>> -> memref<1024xi32, #tpu.memory_space<vmem>>
    %dma_start3A_806 = arith.constant 0 : i32
    %dma_start3A_807 = tpu.memref_slice %arg2[%select_n3A_787, %select_n3A_803, %dma_start3A_806] : memref<26x20x1024xi32, #tpu.memory_space<hbm>> -> memref<1x1x1024xi32, #tpu.memory_space<hbm>>
    %dma_start3A_808 = tpu.memref_squeeze %dma_start3A_807 : memref<1x1x1024xi32, #tpu.memory_space<hbm>> -> memref<1024xi32, #tpu.memory_space<hbm>>
    %dma_start3A_809 = arith.constant 14336 : i32
    %dma_start3A_810 = tpu.memref_slice %arg4[%dma_start3A_809] : memref<17408xi32, #tpu.memory_space<vmem>> -> memref<1024xi32, #tpu.memory_space<vmem>>
    %dma_start3A_811 = arith.constant 0 : i32
    %dma_start3A_812 = tpu.memref_slice %arg2[%select_n3A_787, %select_n3A_803, %dma_start3A_811] : memref<26x20x1024xi32, #tpu.memory_space<hbm>> -> memref<1x1x1024xi32, #tpu.memory_space<hbm>>
    %dma_start3A_813 = tpu.memref_squeeze %dma_start3A_812 : memref<1x1x1024xi32, #tpu.memory_space<hbm>> -> memref<1024xi32, #tpu.memory_space<hbm>>
    tpu.enqueue_dma source(%dma_start3A_813 : memref<1024xi32, #tpu.memory_space<hbm>>) target(%dma_start3A_810 : memref<1024xi32, #tpu.memory_space<vmem>>) target_semaphore(%arg9 : memref<!tpu.dma_semaphore, #tpu.memory_space<semaphore_mem>>)
    %add3A_814 = arith.constant 15 : i32
    %add3A_815 = arith.addi %select_n3A, %add3A_814 : i32
    %jit3A_816 = arith.constant 20 : i32
    %div3A_817 = arith.divsi %add3A_815, %jit3A_816 : i32
    %sign3A_818 = arith.constant 0 : i32
    %sign3A_819 = arith.cmpi sgt, %add3A_815, %sign3A_818 : i32
    %sign3A_820 = arith.extui %sign3A_819 : i1 to i32
    %sign3A_821 = arith.constant 0 : i32
    %sign3A_822 = arith.cmpi slt, %add3A_815, %sign3A_821 : i32
    %sign3A_823 = arith.extui %sign3A_822 : i1 to i32
    %sign3A_824 = arith.subi %sign3A_820, %sign3A_823 : i32
    %sign3A_825 = arith.constant 0 : i32
    %sign3A_826 = arith.cmpi sgt, %jit3A_816, %sign3A_825 : i32
    %sign3A_827 = arith.extui %sign3A_826 : i1 to i32
    %sign3A_828 = arith.constant 0 : i32
    %sign3A_829 = arith.cmpi slt, %jit3A_816, %sign3A_828 : i32
    %sign3A_830 = arith.extui %sign3A_829 : i1 to i32
    %sign3A_831 = arith.subi %sign3A_827, %sign3A_830 : i32
    %ne3A_832 = arith.cmpi ne, %sign3A_824, %sign3A_831 : i32
    %rem3A_833 = arith.remsi %add3A_815, %jit3A_816 : i32
    %ne3A_834 = arith.constant 0 : i32
    %ne3A_835 = arith.cmpi ne, %rem3A_833, %ne3A_834 : i32
    %and3A_836 = arith.andi %ne3A_832, %ne3A_835 : i1
    %sub3A_837 = arith.constant 1 : i32
    %sub3A_838 = arith.subi %div3A_817, %sub3A_837 : i32
    %select_n3A_839 = arith.select %and3A_836, %sub3A_838, %div3A_817 : i32
    %jit3A_840 = arith.constant 20 : i32
    %eq3A_841 = arith.constant 0 : i32
    %eq3A_842 = arith.cmpi eq, %jit3A_840, %eq3A_841 : i32
    %jit3A_843 = arith.constant 1 : i32
    %select_n3A_844 = arith.select %eq3A_842, %jit3A_843, %jit3A_840 : i32
    %rem3A_845 = arith.remsi %add3A_815, %select_n3A_844 : i32
    %ne3A_846 = arith.constant 0 : i32
    %ne3A_847 = arith.cmpi ne, %rem3A_845, %ne3A_846 : i32
    %lt3A_848 = arith.constant 0 : i32
    %lt3A_849 = arith.cmpi slt, %rem3A_845, %lt3A_848 : i32
    %lt3A_850 = arith.constant 0 : i32
    %lt3A_851 = arith.cmpi slt, %select_n3A_844, %lt3A_850 : i32
    %ne3A_852 = arith.xori %lt3A_849, %lt3A_851 : i1
    %and3A_853 = arith.andi %ne3A_852, %ne3A_847 : i1
    %add3A_854 = arith.addi %rem3A_845, %select_n3A_844 : i32
    %select_n3A_855 = arith.select %and3A_853, %add3A_854, %rem3A_845 : i32
    %dma_start3A_856 = arith.constant 15360 : i32
    %dma_start3A_857 = tpu.memref_slice %arg4[%dma_start3A_856] : memref<17408xi32, #tpu.memory_space<vmem>> -> memref<1024xi32, #tpu.memory_space<vmem>>
    %dma_start3A_858 = arith.constant 0 : i32
    %dma_start3A_859 = tpu.memref_slice %arg2[%select_n3A_839, %select_n3A_855, %dma_start3A_858] : memref<26x20x1024xi32, #tpu.memory_space<hbm>> -> memref<1x1x1024xi32, #tpu.memory_space<hbm>>
    %dma_start3A_860 = tpu.memref_squeeze %dma_start3A_859 : memref<1x1x1024xi32, #tpu.memory_space<hbm>> -> memref<1024xi32, #tpu.memory_space<hbm>>
    %dma_start3A_861 = arith.constant 15360 : i32
    %dma_start3A_862 = tpu.memref_slice %arg4[%dma_start3A_861] : memref<17408xi32, #tpu.memory_space<vmem>> -> memref<1024xi32, #tpu.memory_space<vmem>>
    %dma_start3A_863 = arith.constant 0 : i32
    %dma_start3A_864 = tpu.memref_slice %arg2[%select_n3A_839, %select_n3A_855, %dma_start3A_863] : memref<26x20x1024xi32, #tpu.memory_space<hbm>> -> memref<1x1x1024xi32, #tpu.memory_space<hbm>>
    %dma_start3A_865 = tpu.memref_squeeze %dma_start3A_864 : memref<1x1x1024xi32, #tpu.memory_space<hbm>> -> memref<1024xi32, #tpu.memory_space<hbm>>
    tpu.enqueue_dma source(%dma_start3A_865 : memref<1024xi32, #tpu.memory_space<hbm>>) target(%dma_start3A_862 : memref<1024xi32, #tpu.memory_space<vmem>>) target_semaphore(%arg9 : memref<!tpu.dma_semaphore, #tpu.memory_space<semaphore_mem>>)
    %add3A_866 = arith.constant 16 : i32
    %add3A_867 = arith.addi %select_n3A, %add3A_866 : i32
    %jit3A_868 = arith.constant 20 : i32
    %div3A_869 = arith.divsi %add3A_867, %jit3A_868 : i32
    %sign3A_870 = arith.constant 0 : i32
    %sign3A_871 = arith.cmpi sgt, %add3A_867, %sign3A_870 : i32
    %sign3A_872 = arith.extui %sign3A_871 : i1 to i32
    %sign3A_873 = arith.constant 0 : i32
    %sign3A_874 = arith.cmpi slt, %add3A_867, %sign3A_873 : i32
    %sign3A_875 = arith.extui %sign3A_874 : i1 to i32
    %sign3A_876 = arith.subi %sign3A_872, %sign3A_875 : i32
    %sign3A_877 = arith.constant 0 : i32
    %sign3A_878 = arith.cmpi sgt, %jit3A_868, %sign3A_877 : i32
    %sign3A_879 = arith.extui %sign3A_878 : i1 to i32
    %sign3A_880 = arith.constant 0 : i32
    %sign3A_881 = arith.cmpi slt, %jit3A_868, %sign3A_880 : i32
    %sign3A_882 = arith.extui %sign3A_881 : i1 to i32
    %sign3A_883 = arith.subi %sign3A_879, %sign3A_882 : i32
    %ne3A_884 = arith.cmpi ne, %sign3A_876, %sign3A_883 : i32
    %rem3A_885 = arith.remsi %add3A_867, %jit3A_868 : i32
    %ne3A_886 = arith.constant 0 : i32
    %ne3A_887 = arith.cmpi ne, %rem3A_885, %ne3A_886 : i32
    %and3A_888 = arith.andi %ne3A_884, %ne3A_887 : i1
    %sub3A_889 = arith.constant 1 : i32
    %sub3A_890 = arith.subi %div3A_869, %sub3A_889 : i32
    %select_n3A_891 = arith.select %and3A_888, %sub3A_890, %div3A_869 : i32
    %jit3A_892 = arith.constant 20 : i32
    %eq3A_893 = arith.constant 0 : i32
    %eq3A_894 = arith.cmpi eq, %jit3A_892, %eq3A_893 : i32
    %jit3A_895 = arith.constant 1 : i32
    %select_n3A_896 = arith.select %eq3A_894, %jit3A_895, %jit3A_892 : i32
    %rem3A_897 = arith.remsi %add3A_867, %select_n3A_896 : i32
    %ne3A_898 = arith.constant 0 : i32
    %ne3A_899 = arith.cmpi ne, %rem3A_897, %ne3A_898 : i32
    %lt3A_900 = arith.constant 0 : i32
    %lt3A_901 = arith.cmpi slt, %rem3A_897, %lt3A_900 : i32
    %lt3A_902 = arith.constant 0 : i32
    %lt3A_903 = arith.cmpi slt, %select_n3A_896, %lt3A_902 : i32
    %ne3A_904 = arith.xori %lt3A_901, %lt3A_903 : i1
    %and3A_905 = arith.andi %ne3A_904, %ne3A_899 : i1
    %add3A_906 = arith.addi %rem3A_897, %select_n3A_896 : i32
    %select_n3A_907 = arith.select %and3A_905, %add3A_906, %rem3A_897 : i32
    %dma_start3A_908 = arith.constant 16384 : i32
    %dma_start3A_909 = tpu.memref_slice %arg4[%dma_start3A_908] : memref<17408xi32, #tpu.memory_space<vmem>> -> memref<1024xi32, #tpu.memory_space<vmem>>
    %dma_start3A_910 = arith.constant 0 : i32
    %dma_start3A_911 = tpu.memref_slice %arg2[%select_n3A_891, %select_n3A_907, %dma_start3A_910] : memref<26x20x1024xi32, #tpu.memory_space<hbm>> -> memref<1x1x1024xi32, #tpu.memory_space<hbm>>
    %dma_start3A_912 = tpu.memref_squeeze %dma_start3A_911 : memref<1x1x1024xi32, #tpu.memory_space<hbm>> -> memref<1024xi32, #tpu.memory_space<hbm>>
    %dma_start3A_913 = arith.constant 16384 : i32
    %dma_start3A_914 = tpu.memref_slice %arg4[%dma_start3A_913] : memref<17408xi32, #tpu.memory_space<vmem>> -> memref<1024xi32, #tpu.memory_space<vmem>>
    %dma_start3A_915 = arith.constant 0 : i32
    %dma_start3A_916 = tpu.memref_slice %arg2[%select_n3A_891, %select_n3A_907, %dma_start3A_915] : memref<26x20x1024xi32, #tpu.memory_space<hbm>> -> memref<1x1x1024xi32, #tpu.memory_space<hbm>>
    %dma_start3A_917 = tpu.memref_squeeze %dma_start3A_916 : memref<1x1x1024xi32, #tpu.memory_space<hbm>> -> memref<1024xi32, #tpu.memory_space<hbm>>
    tpu.enqueue_dma source(%dma_start3A_917 : memref<1024xi32, #tpu.memory_space<hbm>>) target(%dma_start3A_914 : memref<1024xi32, #tpu.memory_space<vmem>>) target_semaphore(%arg9 : memref<!tpu.dma_semaphore, #tpu.memory_space<semaphore_mem>>)
    %iota3A = tpu.iota {dimensions = array<i32: 0>} : vector<16xi32>
    %broadcast_in_dim3A = arith.constant 1.000000e+00 : f32
    %broadcast_in_dim3A_918 = vector.broadcast %broadcast_in_dim3A : f32 to vector<16xf32>
    %broadcast_in_dim3A_919 = arith.constant 0.000000e+00 : f32
    %broadcast_in_dim3A_920 = vector.broadcast %broadcast_in_dim3A_919 : f32 to vector<16xf32>
    %scan3A = arith.constant 0 : i32
    %scan3A_921 = arith.constant 0 : i32
    %scan3A_922 = arith.constant 256 : i32
    %scan3A_923 = arith.addi %scan3A_921, %scan3A_922 : i32
    %scan3A_924 = arith.constant 1 : i32
    scf.for %scan3A_1679 = %scan3A_921 to %scan3A_923 step %scan3A_924  : i32 {
      %swap3A = arith.index_cast %scan3A_1679 : i32 to index
      %swap3A_1680 = arith.constant 0 : index
      %swap3A_1681 = tpu.vector_load %arg5[%swap3A, %swap3A_1680] {strides = array<i32>} : memref<256x128xf32, #tpu.memory_space<vmem>>, vector<16xf32>,
      tpu.vector_store %arg5[%swap3A, %swap3A_1680], %broadcast_in_dim3A_920 {strides = array<i32>} : memref<256x128xf32, #tpu.memory_space<vmem>>, vector<16xf32>,
      %swap3A_1682 = arith.index_cast %scan3A_1679 : i32 to index
      %swap3A_1683 = arith.constant 16 : index
      %swap3A_1684 = tpu.vector_load %arg5[%swap3A_1682, %swap3A_1683] {strides = array<i32>} : memref<256x128xf32, #tpu.memory_space<vmem>>, vector<16xf32>,
      tpu.vector_store %arg5[%swap3A_1682, %swap3A_1683], %broadcast_in_dim3A_920 {strides = array<i32>} : memref<256x128xf32, #tpu.memory_space<vmem>>, vector<16xf32>,
      %swap3A_1685 = arith.index_cast %scan3A_1679 : i32 to index
      %swap3A_1686 = arith.constant 32 : index
      %swap3A_1687 = tpu.vector_load %arg5[%swap3A_1685, %swap3A_1686] {strides = array<i32>} : memref<256x128xf32, #tpu.memory_space<vmem>>, vector<16xf32>,
      tpu.vector_store %arg5[%swap3A_1685, %swap3A_1686], %broadcast_in_dim3A_920 {strides = array<i32>} : memref<256x128xf32, #tpu.memory_space<vmem>>, vector<16xf32>,
      %swap3A_1688 = arith.index_cast %scan3A_1679 : i32 to index
      %swap3A_1689 = arith.constant 48 : index
      %swap3A_1690 = tpu.vector_load %arg5[%swap3A_1688, %swap3A_1689] {strides = array<i32>} : memref<256x128xf32, #tpu.memory_space<vmem>>, vector<16xf32>,
      tpu.vector_store %arg5[%swap3A_1688, %swap3A_1689], %broadcast_in_dim3A_920 {strides = array<i32>} : memref<256x128xf32, #tpu.memory_space<vmem>>, vector<16xf32>,
      %swap3A_1691 = arith.index_cast %scan3A_1679 : i32 to index
      %swap3A_1692 = arith.constant 64 : index
      %swap3A_1693 = tpu.vector_load %arg5[%swap3A_1691, %swap3A_1692] {strides = array<i32>} : memref<256x128xf32, #tpu.memory_space<vmem>>, vector<16xf32>,
      tpu.vector_store %arg5[%swap3A_1691, %swap3A_1692], %broadcast_in_dim3A_920 {strides = array<i32>} : memref<256x128xf32, #tpu.memory_space<vmem>>, vector<16xf32>,
      %swap3A_1694 = arith.index_cast %scan3A_1679 : i32 to index
      %swap3A_1695 = arith.constant 80 : index
      %swap3A_1696 = tpu.vector_load %arg5[%swap3A_1694, %swap3A_1695] {strides = array<i32>} : memref<256x128xf32, #tpu.memory_space<vmem>>, vector<16xf32>,
      tpu.vector_store %arg5[%swap3A_1694, %swap3A_1695], %broadcast_in_dim3A_920 {strides = array<i32>} : memref<256x128xf32, #tpu.memory_space<vmem>>, vector<16xf32>,
      %swap3A_1697 = arith.index_cast %scan3A_1679 : i32 to index
      %swap3A_1698 = arith.constant 96 : index
      %swap3A_1699 = tpu.vector_load %arg5[%swap3A_1697, %swap3A_1698] {strides = array<i32>} : memref<256x128xf32, #tpu.memory_space<vmem>>, vector<16xf32>,
      tpu.vector_store %arg5[%swap3A_1697, %swap3A_1698], %broadcast_in_dim3A_920 {strides = array<i32>} : memref<256x128xf32, #tpu.memory_space<vmem>>, vector<16xf32>,
      %swap3A_1700 = arith.index_cast %scan3A_1679 : i32 to index
      %swap3A_1701 = arith.constant 112 : index
      %swap3A_1702 = tpu.vector_load %arg5[%swap3A_1700, %swap3A_1701] {strides = array<i32>} : memref<256x128xf32, #tpu.memory_space<vmem>>, vector<16xf32>,
      tpu.vector_store %arg5[%swap3A_1700, %swap3A_1701], %broadcast_in_dim3A_920 {strides = array<i32>} : memref<256x128xf32, #tpu.memory_space<vmem>>, vector<16xf32>,
    }
    %scan3A_925 = arith.constant 256 : i32
    %dma_wait3A = arith.constant 0 : i32
    %dma_wait3A_926 = tpu.memref_slice %arg4[%dma_wait3A] : memref<17408xi32, #tpu.memory_space<vmem>> -> memref<1024xi32, #tpu.memory_space<vmem>>
    %dma_wait3A_927 = arith.constant 0 : i32
    %dma_wait3A_928 = tpu.memref_slice %arg2[%select_n3A_60, %select_n3A_76, %dma_wait3A_927] : memref<26x20x1024xi32, #tpu.memory_space<hbm>> -> memref<1x1x1024xi32, #tpu.memory_space<hbm>>
    %dma_wait3A_929 = tpu.memref_squeeze %dma_wait3A_928 : memref<1x1x1024xi32, #tpu.memory_space<hbm>> -> memref<1024xi32, #tpu.memory_space<hbm>>
    %dma_wait3A_930 = arith.constant 0 : i32
    %dma_wait3A_931 = tpu.memref_slice %arg4[%dma_wait3A_930] : memref<17408xi32, #tpu.memory_space<vmem>> -> memref<1024xi32, #tpu.memory_space<vmem>>
    %dma_wait3A_932 = arith.constant 0 : i32
    %dma_wait3A_933 = tpu.memref_slice %arg2[%select_n3A_60, %select_n3A_76, %dma_wait3A_932] : memref<26x20x1024xi32, #tpu.memory_space<hbm>> -> memref<1x1x1024xi32, #tpu.memory_space<hbm>>
    %dma_wait3A_934 = tpu.memref_squeeze %dma_wait3A_933 : memref<1x1x1024xi32, #tpu.memory_space<hbm>> -> memref<1024xi32, #tpu.memory_space<hbm>>
    tpu.wait_dma2 semaphore(%arg9 : memref<!tpu.dma_semaphore, #tpu.memory_space<semaphore_mem>>) src(%dma_wait3A_934 : memref<1024xi32, #tpu.memory_space<hbm>>) dst(%dma_wait3A_931 : memref<1024xi32, #tpu.memory_space<vmem>>)
    %dma_wait3A_935 = arith.constant 1024 : i32
    %dma_wait3A_936 = tpu.memref_slice %arg4[%dma_wait3A_935] : memref<17408xi32, #tpu.memory_space<vmem>> -> memref<1024xi32, #tpu.memory_space<vmem>>
    %dma_wait3A_937 = arith.constant 0 : i32
    %dma_wait3A_938 = tpu.memref_slice %arg2[%select_n3A_111, %select_n3A_127, %dma_wait3A_937] : memref<26x20x1024xi32, #tpu.memory_space<hbm>> -> memref<1x1x1024xi32, #tpu.memory_space<hbm>>
    %dma_wait3A_939 = tpu.memref_squeeze %dma_wait3A_938 : memref<1x1x1024xi32, #tpu.memory_space<hbm>> -> memref<1024xi32, #tpu.memory_space<hbm>>
    %dma_wait3A_940 = arith.constant 1024 : i32
    %dma_wait3A_941 = tpu.memref_slice %arg4[%dma_wait3A_940] : memref<17408xi32, #tpu.memory_space<vmem>> -> memref<1024xi32, #tpu.memory_space<vmem>>
    %dma_wait3A_942 = arith.constant 0 : i32
    %dma_wait3A_943 = tpu.memref_slice %arg2[%select_n3A_111, %select_n3A_127, %dma_wait3A_942] : memref<26x20x1024xi32, #tpu.memory_space<hbm>> -> memref<1x1x1024xi32, #tpu.memory_space<hbm>>
    %dma_wait3A_944 = tpu.memref_squeeze %dma_wait3A_943 : memref<1x1x1024xi32, #tpu.memory_space<hbm>> -> memref<1024xi32, #tpu.memory_space<hbm>>
    tpu.wait_dma2 semaphore(%arg9 : memref<!tpu.dma_semaphore, #tpu.memory_space<semaphore_mem>>) src(%dma_wait3A_944 : memref<1024xi32, #tpu.memory_space<hbm>>) dst(%dma_wait3A_941 : memref<1024xi32, #tpu.memory_space<vmem>>)
    %dma_wait3A_945 = arith.constant 2048 : i32
    %dma_wait3A_946 = tpu.memref_slice %arg4[%dma_wait3A_945] : memref<17408xi32, #tpu.memory_space<vmem>> -> memref<1024xi32, #tpu.memory_space<vmem>>
    %dma_wait3A_947 = arith.constant 0 : i32
    %dma_wait3A_948 = tpu.memref_slice %arg2[%select_n3A_163, %select_n3A_179, %dma_wait3A_947] : memref<26x20x1024xi32, #tpu.memory_space<hbm>> -> memref<1x1x1024xi32, #tpu.memory_space<hbm>>
    %dma_wait3A_949 = tpu.memref_squeeze %dma_wait3A_948 : memref<1x1x1024xi32, #tpu.memory_space<hbm>> -> memref<1024xi32, #tpu.memory_space<hbm>>
    %dma_wait3A_950 = arith.constant 2048 : i32
    %dma_wait3A_951 = tpu.memref_slice %arg4[%dma_wait3A_950] : memref<17408xi32, #tpu.memory_space<vmem>> -> memref<1024xi32, #tpu.memory_space<vmem>>
    %dma_wait3A_952 = arith.constant 0 : i32
    %dma_wait3A_953 = tpu.memref_slice %arg2[%select_n3A_163, %select_n3A_179, %dma_wait3A_952] : memref<26x20x1024xi32, #tpu.memory_space<hbm>> -> memref<1x1x1024xi32, #tpu.memory_space<hbm>>
    %dma_wait3A_954 = tpu.memref_squeeze %dma_wait3A_953 : memref<1x1x1024xi32, #tpu.memory_space<hbm>> -> memref<1024xi32, #tpu.memory_space<hbm>>
    tpu.wait_dma2 semaphore(%arg9 : memref<!tpu.dma_semaphore, #tpu.memory_space<semaphore_mem>>) src(%dma_wait3A_954 : memref<1024xi32, #tpu.memory_space<hbm>>) dst(%dma_wait3A_951 : memref<1024xi32, #tpu.memory_space<vmem>>)
    %dma_wait3A_955 = arith.constant 3072 : i32
    %dma_wait3A_956 = tpu.memref_slice %arg4[%dma_wait3A_955] : memref<17408xi32, #tpu.memory_space<vmem>> -> memref<1024xi32, #tpu.memory_space<vmem>>
    %dma_wait3A_957 = arith.constant 0 : i32
    %dma_wait3A_958 = tpu.memref_slice %arg2[%select_n3A_215, %select_n3A_231, %dma_wait3A_957] : memref<26x20x1024xi32, #tpu.memory_space<hbm>> -> memref<1x1x1024xi32, #tpu.memory_space<hbm>>
    %dma_wait3A_959 = tpu.memref_squeeze %dma_wait3A_958 : memref<1x1x1024xi32, #tpu.memory_space<hbm>> -> memref<1024xi32, #tpu.memory_space<hbm>>
    %dma_wait3A_960 = arith.constant 3072 : i32
    %dma_wait3A_961 = tpu.memref_slice %arg4[%dma_wait3A_960] : memref<17408xi32, #tpu.memory_space<vmem>> -> memref<1024xi32, #tpu.memory_space<vmem>>
    %dma_wait3A_962 = arith.constant 0 : i32
    %dma_wait3A_963 = tpu.memref_slice %arg2[%select_n3A_215, %select_n3A_231, %dma_wait3A_962] : memref<26x20x1024xi32, #tpu.memory_space<hbm>> -> memref<1x1x1024xi32, #tpu.memory_space<hbm>>
    %dma_wait3A_964 = tpu.memref_squeeze %dma_wait3A_963 : memref<1x1x1024xi32, #tpu.memory_space<hbm>> -> memref<1024xi32, #tpu.memory_space<hbm>>
    tpu.wait_dma2 semaphore(%arg9 : memref<!tpu.dma_semaphore, #tpu.memory_space<semaphore_mem>>) src(%dma_wait3A_964 : memref<1024xi32, #tpu.memory_space<hbm>>) dst(%dma_wait3A_961 : memref<1024xi32, #tpu.memory_space<vmem>>)
    %dma_wait3A_965 = arith.constant 4096 : i32
    %dma_wait3A_966 = tpu.memref_slice %arg4[%dma_wait3A_965] : memref<17408xi32, #tpu.memory_space<vmem>> -> memref<1024xi32, #tpu.memory_space<vmem>>
    %dma_wait3A_967 = arith.constant 0 : i32
    %dma_wait3A_968 = tpu.memref_slice %arg2[%select_n3A_267, %select_n3A_283, %dma_wait3A_967] : memref<26x20x1024xi32, #tpu.memory_space<hbm>> -> memref<1x1x1024xi32, #tpu.memory_space<hbm>>
    %dma_wait3A_969 = tpu.memref_squeeze %dma_wait3A_968 : memref<1x1x1024xi32, #tpu.memory_space<hbm>> -> memref<1024xi32, #tpu.memory_space<hbm>>
    %dma_wait3A_970 = arith.constant 4096 : i32
    %dma_wait3A_971 = tpu.memref_slice %arg4[%dma_wait3A_970] : memref<17408xi32, #tpu.memory_space<vmem>> -> memref<1024xi32, #tpu.memory_space<vmem>>
    %dma_wait3A_972 = arith.constant 0 : i32
    %dma_wait3A_973 = tpu.memref_slice %arg2[%select_n3A_267, %select_n3A_283, %dma_wait3A_972] : memref<26x20x1024xi32, #tpu.memory_space<hbm>> -> memref<1x1x1024xi32, #tpu.memory_space<hbm>>
    %dma_wait3A_974 = tpu.memref_squeeze %dma_wait3A_973 : memref<1x1x1024xi32, #tpu.memory_space<hbm>> -> memref<1024xi32, #tpu.memory_space<hbm>>
    tpu.wait_dma2 semaphore(%arg9 : memref<!tpu.dma_semaphore, #tpu.memory_space<semaphore_mem>>) src(%dma_wait3A_974 : memref<1024xi32, #tpu.memory_space<hbm>>) dst(%dma_wait3A_971 : memref<1024xi32, #tpu.memory_space<vmem>>)
    %dma_wait3A_975 = arith.constant 5120 : i32
    %dma_wait3A_976 = tpu.memref_slice %arg4[%dma_wait3A_975] : memref<17408xi32, #tpu.memory_space<vmem>> -> memref<1024xi32, #tpu.memory_space<vmem>>
    %dma_wait3A_977 = arith.constant 0 : i32
    %dma_wait3A_978 = tpu.memref_slice %arg2[%select_n3A_319, %select_n3A_335, %dma_wait3A_977] : memref<26x20x1024xi32, #tpu.memory_space<hbm>> -> memref<1x1x1024xi32, #tpu.memory_space<hbm>>
    %dma_wait3A_979 = tpu.memref_squeeze %dma_wait3A_978 : memref<1x1x1024xi32, #tpu.memory_space<hbm>> -> memref<1024xi32, #tpu.memory_space<hbm>>
    %dma_wait3A_980 = arith.constant 5120 : i32
    %dma_wait3A_981 = tpu.memref_slice %arg4[%dma_wait3A_980] : memref<17408xi32, #tpu.memory_space<vmem>> -> memref<1024xi32, #tpu.memory_space<vmem>>
    %dma_wait3A_982 = arith.constant 0 : i32
    %dma_wait3A_983 = tpu.memref_slice %arg2[%select_n3A_319, %select_n3A_335, %dma_wait3A_982] : memref<26x20x1024xi32, #tpu.memory_space<hbm>> -> memref<1x1x1024xi32, #tpu.memory_space<hbm>>
    %dma_wait3A_984 = tpu.memref_squeeze %dma_wait3A_983 : memref<1x1x1024xi32, #tpu.memory_space<hbm>> -> memref<1024xi32, #tpu.memory_space<hbm>>
    tpu.wait_dma2 semaphore(%arg9 : memref<!tpu.dma_semaphore, #tpu.memory_space<semaphore_mem>>) src(%dma_wait3A_984 : memref<1024xi32, #tpu.memory_space<hbm>>) dst(%dma_wait3A_981 : memref<1024xi32, #tpu.memory_space<vmem>>)
    %dma_wait3A_985 = arith.constant 6144 : i32
    %dma_wait3A_986 = tpu.memref_slice %arg4[%dma_wait3A_985] : memref<17408xi32, #tpu.memory_space<vmem>> -> memref<1024xi32, #tpu.memory_space<vmem>>
    %dma_wait3A_987 = arith.constant 0 : i32
    %dma_wait3A_988 = tpu.memref_slice %arg2[%select_n3A_371, %select_n3A_387, %dma_wait3A_987] : memref<26x20x1024xi32, #tpu.memory_space<hbm>> -> memref<1x1x1024xi32, #tpu.memory_space<hbm>>
    %dma_wait3A_989 = tpu.memref_squeeze %dma_wait3A_988 : memref<1x1x1024xi32, #tpu.memory_space<hbm>> -> memref<1024xi32, #tpu.memory_space<hbm>>
    %dma_wait3A_990 = arith.constant 6144 : i32
    %dma_wait3A_991 = tpu.memref_slice %arg4[%dma_wait3A_990] : memref<17408xi32, #tpu.memory_space<vmem>> -> memref<1024xi32, #tpu.memory_space<vmem>>
    %dma_wait3A_992 = arith.constant 0 : i32
    %dma_wait3A_993 = tpu.memref_slice %arg2[%select_n3A_371, %select_n3A_387, %dma_wait3A_992] : memref<26x20x1024xi32, #tpu.memory_space<hbm>> -> memref<1x1x1024xi32, #tpu.memory_space<hbm>>
    %dma_wait3A_994 = tpu.memref_squeeze %dma_wait3A_993 : memref<1x1x1024xi32, #tpu.memory_space<hbm>> -> memref<1024xi32, #tpu.memory_space<hbm>>
    tpu.wait_dma2 semaphore(%arg9 : memref<!tpu.dma_semaphore, #tpu.memory_space<semaphore_mem>>) src(%dma_wait3A_994 : memref<1024xi32, #tpu.memory_space<hbm>>) dst(%dma_wait3A_991 : memref<1024xi32, #tpu.memory_space<vmem>>)
    %dma_wait3A_995 = arith.constant 7168 : i32
    %dma_wait3A_996 = tpu.memref_slice %arg4[%dma_wait3A_995] : memref<17408xi32, #tpu.memory_space<vmem>> -> memref<1024xi32, #tpu.memory_space<vmem>>
    %dma_wait3A_997 = arith.constant 0 : i32
    %dma_wait3A_998 = tpu.memref_slice %arg2[%select_n3A_423, %select_n3A_439, %dma_wait3A_997] : memref<26x20x1024xi32, #tpu.memory_space<hbm>> -> memref<1x1x1024xi32, #tpu.memory_space<hbm>>
    %dma_wait3A_999 = tpu.memref_squeeze %dma_wait3A_998 : memref<1x1x1024xi32, #tpu.memory_space<hbm>> -> memref<1024xi32, #tpu.memory_space<hbm>>
    %dma_wait3A_1000 = arith.constant 7168 : i32
    %dma_wait3A_1001 = tpu.memref_slice %arg4[%dma_wait3A_1000] : memref<17408xi32, #tpu.memory_space<vmem>> -> memref<1024xi32, #tpu.memory_space<vmem>>
    %dma_wait3A_1002 = arith.constant 0 : i32
    %dma_wait3A_1003 = tpu.memref_slice %arg2[%select_n3A_423, %select_n3A_439, %dma_wait3A_1002] : memref<26x20x1024xi32, #tpu.memory_space<hbm>> -> memref<1x1x1024xi32, #tpu.memory_space<hbm>>
    %dma_wait3A_1004 = tpu.memref_squeeze %dma_wait3A_1003 : memref<1x1x1024xi32, #tpu.memory_space<hbm>> -> memref<1024xi32, #tpu.memory_space<hbm>>
    tpu.wait_dma2 semaphore(%arg9 : memref<!tpu.dma_semaphore, #tpu.memory_space<semaphore_mem>>) src(%dma_wait3A_1004 : memref<1024xi32, #tpu.memory_space<hbm>>) dst(%dma_wait3A_1001 : memref<1024xi32, #tpu.memory_space<vmem>>)
    %dma_wait3A_1005 = arith.constant 8192 : i32
    %dma_wait3A_1006 = tpu.memref_slice %arg4[%dma_wait3A_1005] : memref<17408xi32, #tpu.memory_space<vmem>> -> memref<1024xi32, #tpu.memory_space<vmem>>
    %dma_wait3A_1007 = arith.constant 0 : i32
    %dma_wait3A_1008 = tpu.memref_slice %arg2[%select_n3A_475, %select_n3A_491, %dma_wait3A_1007] : memref<26x20x1024xi32, #tpu.memory_space<hbm>> -> memref<1x1x1024xi32, #tpu.memory_space<hbm>>
    %dma_wait3A_1009 = tpu.memref_squeeze %dma_wait3A_1008 : memref<1x1x1024xi32, #tpu.memory_space<hbm>> -> memref<1024xi32, #tpu.memory_space<hbm>>
    %dma_wait3A_1010 = arith.constant 8192 : i32
    %dma_wait3A_1011 = tpu.memref_slice %arg4[%dma_wait3A_1010] : memref<17408xi32, #tpu.memory_space<vmem>> -> memref<1024xi32, #tpu.memory_space<vmem>>
    %dma_wait3A_1012 = arith.constant 0 : i32
    %dma_wait3A_1013 = tpu.memref_slice %arg2[%select_n3A_475, %select_n3A_491, %dma_wait3A_1012] : memref<26x20x1024xi32, #tpu.memory_space<hbm>> -> memref<1x1x1024xi32, #tpu.memory_space<hbm>>
    %dma_wait3A_1014 = tpu.memref_squeeze %dma_wait3A_1013 : memref<1x1x1024xi32, #tpu.memory_space<hbm>> -> memref<1024xi32, #tpu.memory_space<hbm>>
    tpu.wait_dma2 semaphore(%arg9 : memref<!tpu.dma_semaphore, #tpu.memory_space<semaphore_mem>>) src(%dma_wait3A_1014 : memref<1024xi32, #tpu.memory_space<hbm>>) dst(%dma_wait3A_1011 : memref<1024xi32, #tpu.memory_space<vmem>>)
    %dma_wait3A_1015 = arith.constant 9216 : i32
    %dma_wait3A_1016 = tpu.memref_slice %arg4[%dma_wait3A_1015] : memref<17408xi32, #tpu.memory_space<vmem>> -> memref<1024xi32, #tpu.memory_space<vmem>>
    %dma_wait3A_1017 = arith.constant 0 : i32
    %dma_wait3A_1018 = tpu.memref_slice %arg2[%select_n3A_527, %select_n3A_543, %dma_wait3A_1017] : memref<26x20x1024xi32, #tpu.memory_space<hbm>> -> memref<1x1x1024xi32, #tpu.memory_space<hbm>>
    %dma_wait3A_1019 = tpu.memref_squeeze %dma_wait3A_1018 : memref<1x1x1024xi32, #tpu.memory_space<hbm>> -> memref<1024xi32, #tpu.memory_space<hbm>>
    %dma_wait3A_1020 = arith.constant 9216 : i32
    %dma_wait3A_1021 = tpu.memref_slice %arg4[%dma_wait3A_1020] : memref<17408xi32, #tpu.memory_space<vmem>> -> memref<1024xi32, #tpu.memory_space<vmem>>
    %dma_wait3A_1022 = arith.constant 0 : i32
    %dma_wait3A_1023 = tpu.memref_slice %arg2[%select_n3A_527, %select_n3A_543, %dma_wait3A_1022] : memref<26x20x1024xi32, #tpu.memory_space<hbm>> -> memref<1x1x1024xi32, #tpu.memory_space<hbm>>
    %dma_wait3A_1024 = tpu.memref_squeeze %dma_wait3A_1023 : memref<1x1x1024xi32, #tpu.memory_space<hbm>> -> memref<1024xi32, #tpu.memory_space<hbm>>
    tpu.wait_dma2 semaphore(%arg9 : memref<!tpu.dma_semaphore, #tpu.memory_space<semaphore_mem>>) src(%dma_wait3A_1024 : memref<1024xi32, #tpu.memory_space<hbm>>) dst(%dma_wait3A_1021 : memref<1024xi32, #tpu.memory_space<vmem>>)
    %dma_wait3A_1025 = arith.constant 10240 : i32
    %dma_wait3A_1026 = tpu.memref_slice %arg4[%dma_wait3A_1025] : memref<17408xi32, #tpu.memory_space<vmem>> -> memref<1024xi32, #tpu.memory_space<vmem>>
    %dma_wait3A_1027 = arith.constant 0 : i32
    %dma_wait3A_1028 = tpu.memref_slice %arg2[%select_n3A_579, %select_n3A_595, %dma_wait3A_1027] : memref<26x20x1024xi32, #tpu.memory_space<hbm>> -> memref<1x1x1024xi32, #tpu.memory_space<hbm>>
    %dma_wait3A_1029 = tpu.memref_squeeze %dma_wait3A_1028 : memref<1x1x1024xi32, #tpu.memory_space<hbm>> -> memref<1024xi32, #tpu.memory_space<hbm>>
    %dma_wait3A_1030 = arith.constant 10240 : i32
    %dma_wait3A_1031 = tpu.memref_slice %arg4[%dma_wait3A_1030] : memref<17408xi32, #tpu.memory_space<vmem>> -> memref<1024xi32, #tpu.memory_space<vmem>>
    %dma_wait3A_1032 = arith.constant 0 : i32
    %dma_wait3A_1033 = tpu.memref_slice %arg2[%select_n3A_579, %select_n3A_595, %dma_wait3A_1032] : memref<26x20x1024xi32, #tpu.memory_space<hbm>> -> memref<1x1x1024xi32, #tpu.memory_space<hbm>>
    %dma_wait3A_1034 = tpu.memref_squeeze %dma_wait3A_1033 : memref<1x1x1024xi32, #tpu.memory_space<hbm>> -> memref<1024xi32, #tpu.memory_space<hbm>>
    tpu.wait_dma2 semaphore(%arg9 : memref<!tpu.dma_semaphore, #tpu.memory_space<semaphore_mem>>) src(%dma_wait3A_1034 : memref<1024xi32, #tpu.memory_space<hbm>>) dst(%dma_wait3A_1031 : memref<1024xi32, #tpu.memory_space<vmem>>)
    %dma_wait3A_1035 = arith.constant 11264 : i32
    %dma_wait3A_1036 = tpu.memref_slice %arg4[%dma_wait3A_1035] : memref<17408xi32, #tpu.memory_space<vmem>> -> memref<1024xi32, #tpu.memory_space<vmem>>
    %dma_wait3A_1037 = arith.constant 0 : i32
    %dma_wait3A_1038 = tpu.memref_slice %arg2[%select_n3A_631, %select_n3A_647, %dma_wait3A_1037] : memref<26x20x1024xi32, #tpu.memory_space<hbm>> -> memref<1x1x1024xi32, #tpu.memory_space<hbm>>
    %dma_wait3A_1039 = tpu.memref_squeeze %dma_wait3A_1038 : memref<1x1x1024xi32, #tpu.memory_space<hbm>> -> memref<1024xi32, #tpu.memory_space<hbm>>
    %dma_wait3A_1040 = arith.constant 11264 : i32
    %dma_wait3A_1041 = tpu.memref_slice %arg4[%dma_wait3A_1040] : memref<17408xi32, #tpu.memory_space<vmem>> -> memref<1024xi32, #tpu.memory_space<vmem>>
    %dma_wait3A_1042 = arith.constant 0 : i32
    %dma_wait3A_1043 = tpu.memref_slice %arg2[%select_n3A_631, %select_n3A_647, %dma_wait3A_1042] : memref<26x20x1024xi32, #tpu.memory_space<hbm>> -> memref<1x1x1024xi32, #tpu.memory_space<hbm>>
    %dma_wait3A_1044 = tpu.memref_squeeze %dma_wait3A_1043 : memref<1x1x1024xi32, #tpu.memory_space<hbm>> -> memref<1024xi32, #tpu.memory_space<hbm>>
    tpu.wait_dma2 semaphore(%arg9 : memref<!tpu.dma_semaphore, #tpu.memory_space<semaphore_mem>>) src(%dma_wait3A_1044 : memref<1024xi32, #tpu.memory_space<hbm>>) dst(%dma_wait3A_1041 : memref<1024xi32, #tpu.memory_space<vmem>>)
    %dma_wait3A_1045 = arith.constant 12288 : i32
    %dma_wait3A_1046 = tpu.memref_slice %arg4[%dma_wait3A_1045] : memref<17408xi32, #tpu.memory_space<vmem>> -> memref<1024xi32, #tpu.memory_space<vmem>>
    %dma_wait3A_1047 = arith.constant 0 : i32
    %dma_wait3A_1048 = tpu.memref_slice %arg2[%select_n3A_683, %select_n3A_699, %dma_wait3A_1047] : memref<26x20x1024xi32, #tpu.memory_space<hbm>> -> memref<1x1x1024xi32, #tpu.memory_space<hbm>>
    %dma_wait3A_1049 = tpu.memref_squeeze %dma_wait3A_1048 : memref<1x1x1024xi32, #tpu.memory_space<hbm>> -> memref<1024xi32, #tpu.memory_space<hbm>>
    %dma_wait3A_1050 = arith.constant 12288 : i32
    %dma_wait3A_1051 = tpu.memref_slice %arg4[%dma_wait3A_1050] : memref<17408xi32, #tpu.memory_space<vmem>> -> memref<1024xi32, #tpu.memory_space<vmem>>
    %dma_wait3A_1052 = arith.constant 0 : i32
    %dma_wait3A_1053 = tpu.memref_slice %arg2[%select_n3A_683, %select_n3A_699, %dma_wait3A_1052] : memref<26x20x1024xi32, #tpu.memory_space<hbm>> -> memref<1x1x1024xi32, #tpu.memory_space<hbm>>
    %dma_wait3A_1054 = tpu.memref_squeeze %dma_wait3A_1053 : memref<1x1x1024xi32, #tpu.memory_space<hbm>> -> memref<1024xi32, #tpu.memory_space<hbm>>
    tpu.wait_dma2 semaphore(%arg9 : memref<!tpu.dma_semaphore, #tpu.memory_space<semaphore_mem>>) src(%dma_wait3A_1054 : memref<1024xi32, #tpu.memory_space<hbm>>) dst(%dma_wait3A_1051 : memref<1024xi32, #tpu.memory_space<vmem>>)
    %dma_wait3A_1055 = arith.constant 13312 : i32
    %dma_wait3A_1056 = tpu.memref_slice %arg4[%dma_wait3A_1055] : memref<17408xi32, #tpu.memory_space<vmem>> -> memref<1024xi32, #tpu.memory_space<vmem>>
    %dma_wait3A_1057 = arith.constant 0 : i32
    %dma_wait3A_1058 = tpu.memref_slice %arg2[%select_n3A_735, %select_n3A_751, %dma_wait3A_1057] : memref<26x20x1024xi32, #tpu.memory_space<hbm>> -> memref<1x1x1024xi32, #tpu.memory_space<hbm>>
    %dma_wait3A_1059 = tpu.memref_squeeze %dma_wait3A_1058 : memref<1x1x1024xi32, #tpu.memory_space<hbm>> -> memref<1024xi32, #tpu.memory_space<hbm>>
    %dma_wait3A_1060 = arith.constant 13312 : i32
    %dma_wait3A_1061 = tpu.memref_slice %arg4[%dma_wait3A_1060] : memref<17408xi32, #tpu.memory_space<vmem>> -> memref<1024xi32, #tpu.memory_space<vmem>>
    %dma_wait3A_1062 = arith.constant 0 : i32
    %dma_wait3A_1063 = tpu.memref_slice %arg2[%select_n3A_735, %select_n3A_751, %dma_wait3A_1062] : memref<26x20x1024xi32, #tpu.memory_space<hbm>> -> memref<1x1x1024xi32, #tpu.memory_space<hbm>>
    %dma_wait3A_1064 = tpu.memref_squeeze %dma_wait3A_1063 : memref<1x1x1024xi32, #tpu.memory_space<hbm>> -> memref<1024xi32, #tpu.memory_space<hbm>>
    tpu.wait_dma2 semaphore(%arg9 : memref<!tpu.dma_semaphore, #tpu.memory_space<semaphore_mem>>) src(%dma_wait3A_1064 : memref<1024xi32, #tpu.memory_space<hbm>>) dst(%dma_wait3A_1061 : memref<1024xi32, #tpu.memory_space<vmem>>)
    %dma_wait3A_1065 = arith.constant 14336 : i32
    %dma_wait3A_1066 = tpu.memref_slice %arg4[%dma_wait3A_1065] : memref<17408xi32, #tpu.memory_space<vmem>> -> memref<1024xi32, #tpu.memory_space<vmem>>
    %dma_wait3A_1067 = arith.constant 0 : i32
    %dma_wait3A_1068 = tpu.memref_slice %arg2[%select_n3A_787, %select_n3A_803, %dma_wait3A_1067] : memref<26x20x1024xi32, #tpu.memory_space<hbm>> -> memref<1x1x1024xi32, #tpu.memory_space<hbm>>
    %dma_wait3A_1069 = tpu.memref_squeeze %dma_wait3A_1068 : memref<1x1x1024xi32, #tpu.memory_space<hbm>> -> memref<1024xi32, #tpu.memory_space<hbm>>
    %dma_wait3A_1070 = arith.constant 14336 : i32
    %dma_wait3A_1071 = tpu.memref_slice %arg4[%dma_wait3A_1070] : memref<17408xi32, #tpu.memory_space<vmem>> -> memref<1024xi32, #tpu.memory_space<vmem>>
    %dma_wait3A_1072 = arith.constant 0 : i32
    %dma_wait3A_1073 = tpu.memref_slice %arg2[%select_n3A_787, %select_n3A_803, %dma_wait3A_1072] : memref<26x20x1024xi32, #tpu.memory_space<hbm>> -> memref<1x1x1024xi32, #tpu.memory_space<hbm>>
    %dma_wait3A_1074 = tpu.memref_squeeze %dma_wait3A_1073 : memref<1x1x1024xi32, #tpu.memory_space<hbm>> -> memref<1024xi32, #tpu.memory_space<hbm>>
    tpu.wait_dma2 semaphore(%arg9 : memref<!tpu.dma_semaphore, #tpu.memory_space<semaphore_mem>>) src(%dma_wait3A_1074 : memref<1024xi32, #tpu.memory_space<hbm>>) dst(%dma_wait3A_1071 : memref<1024xi32, #tpu.memory_space<vmem>>)
    %dma_wait3A_1075 = arith.constant 15360 : i32
    %dma_wait3A_1076 = tpu.memref_slice %arg4[%dma_wait3A_1075] : memref<17408xi32, #tpu.memory_space<vmem>> -> memref<1024xi32, #tpu.memory_space<vmem>>
    %dma_wait3A_1077 = arith.constant 0 : i32
    %dma_wait3A_1078 = tpu.memref_slice %arg2[%select_n3A_839, %select_n3A_855, %dma_wait3A_1077] : memref<26x20x1024xi32, #tpu.memory_space<hbm>> -> memref<1x1x1024xi32, #tpu.memory_space<hbm>>
    %dma_wait3A_1079 = tpu.memref_squeeze %dma_wait3A_1078 : memref<1x1x1024xi32, #tpu.memory_space<hbm>> -> memref<1024xi32, #tpu.memory_space<hbm>>
    %dma_wait3A_1080 = arith.constant 15360 : i32
    %dma_wait3A_1081 = tpu.memref_slice %arg4[%dma_wait3A_1080] : memref<17408xi32, #tpu.memory_space<vmem>> -> memref<1024xi32, #tpu.memory_space<vmem>>
    %dma_wait3A_1082 = arith.constant 0 : i32
    %dma_wait3A_1083 = tpu.memref_slice %arg2[%select_n3A_839, %select_n3A_855, %dma_wait3A_1082] : memref<26x20x1024xi32, #tpu.memory_space<hbm>> -> memref<1x1x1024xi32, #tpu.memory_space<hbm>>
    %dma_wait3A_1084 = tpu.memref_squeeze %dma_wait3A_1083 : memref<1x1x1024xi32, #tpu.memory_space<hbm>> -> memref<1024xi32, #tpu.memory_space<hbm>>
    tpu.wait_dma2 semaphore(%arg9 : memref<!tpu.dma_semaphore, #tpu.memory_space<semaphore_mem>>) src(%dma_wait3A_1084 : memref<1024xi32, #tpu.memory_space<hbm>>) dst(%dma_wait3A_1081 : memref<1024xi32, #tpu.memory_space<vmem>>)
    %dma_wait3A_1085 = arith.constant 16384 : i32
    %dma_wait3A_1086 = tpu.memref_slice %arg4[%dma_wait3A_1085] : memref<17408xi32, #tpu.memory_space<vmem>> -> memref<1024xi32, #tpu.memory_space<vmem>>
    %dma_wait3A_1087 = arith.constant 0 : i32
    %dma_wait3A_1088 = tpu.memref_slice %arg2[%select_n3A_891, %select_n3A_907, %dma_wait3A_1087] : memref<26x20x1024xi32, #tpu.memory_space<hbm>> -> memref<1x1x1024xi32, #tpu.memory_space<hbm>>
    %dma_wait3A_1089 = tpu.memref_squeeze %dma_wait3A_1088 : memref<1x1x1024xi32, #tpu.memory_space<hbm>> -> memref<1024xi32, #tpu.memory_space<hbm>>
    %dma_wait3A_1090 = arith.constant 16384 : i32
    %dma_wait3A_1091 = tpu.memref_slice %arg4[%dma_wait3A_1090] : memref<17408xi32, #tpu.memory_space<vmem>> -> memref<1024xi32, #tpu.memory_space<vmem>>
    %dma_wait3A_1092 = arith.constant 0 : i32
    %dma_wait3A_1093 = tpu.memref_slice %arg2[%select_n3A_891, %select_n3A_907, %dma_wait3A_1092] : memref<26x20x1024xi32, #tpu.memory_space<hbm>> -> memref<1x1x1024xi32, #tpu.memory_space<hbm>>
    %dma_wait3A_1094 = tpu.memref_squeeze %dma_wait3A_1093 : memref<1x1x1024xi32, #tpu.memory_space<hbm>> -> memref<1024xi32, #tpu.memory_space<hbm>>
    tpu.wait_dma2 semaphore(%arg9 : memref<!tpu.dma_semaphore, #tpu.memory_space<semaphore_mem>>) src(%dma_wait3A_1094 : memref<1024xi32, #tpu.memory_space<hbm>>) dst(%dma_wait3A_1091 : memref<1024xi32, #tpu.memory_space<vmem>>)
    %add3A_1095 = arith.constant 0 : i32
    %add3A_1096 = arith.addi %mul3A_34, %add3A_1095 : i32
    %scan3A_1097 = arith.constant 0 : i32
    %scan3A_1098 = arith.constant 0 : i32
    %scan3A_1099 = arith.constant 16 : i32
    %scan3A_1100 = arith.addi %scan3A_1098, %scan3A_1099 : i32
    %scan3A_1101 = arith.constant 1 : i32
    scf.for %scan3A_1679 = %scan3A_1098 to %scan3A_1100 step %scan3A_1101  : i32 {
      %mul3A_1680 = arith.constant 16 : i32
      %mul3A_1681 = arith.muli %scan3A_1679, %mul3A_1680 : i32
      %add3A_1682 = arith.addi %add3A_1096, %mul3A_1681 : i32
      %get3A = arith.index_cast %add3A_1682 : i32 to index
      %get3A_1683 = tpu.vector_load %arg4[%get3A] {strides = array<i32>} : memref<17408xi32, #tpu.memory_space<vmem>>, vector<16xi32>,
      %mul3A_1684 = arith.constant 16 : i32
      %mul3A_1685 = arith.muli %scan3A_1679, %mul3A_1684 : i32
      %add3A_1686 = vector.broadcast %mul3A_1685 : i32 to vector<16xi32>
      %add3A_1687 = arith.addi %add3A_1686, %iota3A : vector<16xi32>
      tpu.vector_store_idx %arg5[%add3A_1687, %get3A_1683], %broadcast_in_dim3A_918 : memref<256x128xf32, #tpu.memory_space<vmem>>[vector<16xi32>, vector<16xi32>], vector<16xf32>,
    }
    %scan3A_1102 = arith.constant 16 : i32
    %add3A_1103 = arith.constant 0 : i32
    %add3A_1104 = arith.addi %mul3A_2, %add3A_1103 : i32
    %jit3A_1105 = arith.constant 4 : i32
    %div3A_1106 = arith.divsi %add3A_1104, %jit3A_1105 : i32
    %sign3A_1107 = arith.constant 0 : i32
    %sign3A_1108 = arith.cmpi sgt, %add3A_1104, %sign3A_1107 : i32
    %sign3A_1109 = arith.extui %sign3A_1108 : i1 to i32
    %sign3A_1110 = arith.constant 0 : i32
    %sign3A_1111 = arith.cmpi slt, %add3A_1104, %sign3A_1110 : i32
    %sign3A_1112 = arith.extui %sign3A_1111 : i1 to i32
    %sign3A_1113 = arith.subi %sign3A_1109, %sign3A_1112 : i32
    %sign3A_1114 = arith.constant 0 : i32
    %sign3A_1115 = arith.cmpi sgt, %jit3A_1105, %sign3A_1114 : i32
    %sign3A_1116 = arith.extui %sign3A_1115 : i1 to i32
    %sign3A_1117 = arith.constant 0 : i32
    %sign3A_1118 = arith.cmpi slt, %jit3A_1105, %sign3A_1117 : i32
    %sign3A_1119 = arith.extui %sign3A_1118 : i1 to i32
    %sign3A_1120 = arith.subi %sign3A_1116, %sign3A_1119 : i32
    %ne3A_1121 = arith.cmpi ne, %sign3A_1113, %sign3A_1120 : i32
    %rem3A_1122 = arith.remsi %add3A_1104, %jit3A_1105 : i32
    %ne3A_1123 = arith.constant 0 : i32
    %ne3A_1124 = arith.cmpi ne, %rem3A_1122, %ne3A_1123 : i32
    %and3A_1125 = arith.andi %ne3A_1121, %ne3A_1124 : i1
    %sub3A_1126 = arith.constant 1 : i32
    %sub3A_1127 = arith.subi %div3A_1106, %sub3A_1126 : i32
    %select_n3A_1128 = arith.select %and3A_1125, %sub3A_1127, %div3A_1106 : i32
    %jit3A_1129 = arith.constant 4 : i32
    %eq3A_1130 = arith.constant 0 : i32
    %eq3A_1131 = arith.cmpi eq, %jit3A_1129, %eq3A_1130 : i32
    %jit3A_1132 = arith.constant 1 : i32
    %select_n3A_1133 = arith.select %eq3A_1131, %jit3A_1132, %jit3A_1129 : i32
    %rem3A_1134 = arith.remsi %add3A_1104, %select_n3A_1133 : i32
    %ne3A_1135 = arith.constant 0 : i32
    %ne3A_1136 = arith.cmpi ne, %rem3A_1134, %ne3A_1135 : i32
    %lt3A_1137 = arith.constant 0 : i32
    %lt3A_1138 = arith.cmpi slt, %rem3A_1134, %lt3A_1137 : i32
    %lt3A_1139 = arith.constant 0 : i32
    %lt3A_1140 = arith.cmpi slt, %select_n3A_1133, %lt3A_1139 : i32
    %ne3A_1141 = arith.xori %lt3A_1138, %lt3A_1140 : i1
    %and3A_1142 = arith.andi %ne3A_1141, %ne3A_1136 : i1
    %add3A_1143 = arith.addi %rem3A_1134, %select_n3A_1133 : i32
    %select_n3A_1144 = arith.select %and3A_1142, %add3A_1143, %rem3A_1134 : i32
    %mul3A_1145 = arith.constant 256 : i32
    %mul3A_1146 = arith.muli %select_n3A_1144, %mul3A_1145 : i32
    %jit3A_1147 = arith.constant 20 : i32
    %div3A_1148 = arith.divsi %select_n3A_1128, %jit3A_1147 : i32
    %sign3A_1149 = arith.constant 0 : i32
    %sign3A_1150 = arith.cmpi sgt, %select_n3A_1128, %sign3A_1149 : i32
    %sign3A_1151 = arith.extui %sign3A_1150 : i1 to i32
    %sign3A_1152 = arith.constant 0 : i32
    %sign3A_1153 = arith.cmpi slt, %select_n3A_1128, %sign3A_1152 : i32
    %sign3A_1154 = arith.extui %sign3A_1153 : i1 to i32
    %sign3A_1155 = arith.subi %sign3A_1151, %sign3A_1154 : i32
    %sign3A_1156 = arith.constant 0 : i32
    %sign3A_1157 = arith.cmpi sgt, %jit3A_1147, %sign3A_1156 : i32
    %sign3A_1158 = arith.extui %sign3A_1157 : i1 to i32
    %sign3A_1159 = arith.constant 0 : i32
    %sign3A_1160 = arith.cmpi slt, %jit3A_1147, %sign3A_1159 : i32
    %sign3A_1161 = arith.extui %sign3A_1160 : i1 to i32
    %sign3A_1162 = arith.subi %sign3A_1158, %sign3A_1161 : i32
    %ne3A_1163 = arith.cmpi ne, %sign3A_1155, %sign3A_1162 : i32
    %rem3A_1164 = arith.remsi %select_n3A_1128, %jit3A_1147 : i32
    %ne3A_1165 = arith.constant 0 : i32
    %ne3A_1166 = arith.cmpi ne, %rem3A_1164, %ne3A_1165 : i32
    %and3A_1167 = arith.andi %ne3A_1163, %ne3A_1166 : i1
    %sub3A_1168 = arith.constant 1 : i32
    %sub3A_1169 = arith.subi %div3A_1148, %sub3A_1168 : i32
    %select_n3A_1170 = arith.select %and3A_1167, %sub3A_1169, %div3A_1148 : i32
    %jit3A_1171 = arith.constant 20 : i32
    %eq3A_1172 = arith.constant 0 : i32
    %eq3A_1173 = arith.cmpi eq, %jit3A_1171, %eq3A_1172 : i32
    %jit3A_1174 = arith.constant 1 : i32
    %select_n3A_1175 = arith.select %eq3A_1173, %jit3A_1174, %jit3A_1171 : i32
    %rem3A_1176 = arith.remsi %select_n3A_1128, %select_n3A_1175 : i32
    %ne3A_1177 = arith.constant 0 : i32
    %ne3A_1178 = arith.cmpi ne, %rem3A_1176, %ne3A_1177 : i32
    %lt3A_1179 = arith.constant 0 : i32
    %lt3A_1180 = arith.cmpi slt, %rem3A_1176, %lt3A_1179 : i32
    %lt3A_1181 = arith.constant 0 : i32
    %lt3A_1182 = arith.cmpi slt, %select_n3A_1175, %lt3A_1181 : i32
    %ne3A_1183 = arith.xori %lt3A_1180, %lt3A_1182 : i1
    %and3A_1184 = arith.andi %ne3A_1183, %ne3A_1178 : i1
    %add3A_1185 = arith.addi %rem3A_1176, %select_n3A_1175 : i32
    %select_n3A_1186 = arith.select %and3A_1184, %add3A_1185, %rem3A_1176 : i32
    %dma_start3A_1187 = arith.constant 0 : i32
    %dma_start3A_1188 = tpu.memref_slice %arg3[%select_n3A_1170, %select_n3A_1186, %mul3A_1146, %dma_start3A_1187] : memref<26x20x1024x128xf32, #tpu.memory_space<hbm>> -> memref<1x1x256x128xf32, #tpu.memory_space<hbm>>
    %dma_start3A_1189 = tpu.memref_squeeze %dma_start3A_1188 : memref<1x1x256x128xf32, #tpu.memory_space<hbm>> -> memref<256x128xf32, #tpu.memory_space<hbm>>
    %dma_start3A_1190 = arith.constant 0 : i32
    %dma_start3A_1191 = tpu.memref_slice %arg3[%select_n3A_1170, %select_n3A_1186, %mul3A_1146, %dma_start3A_1190] : memref<26x20x1024x128xf32, #tpu.memory_space<hbm>> -> memref<1x1x256x128xf32, #tpu.memory_space<hbm>>
    %dma_start3A_1192 = tpu.memref_squeeze %dma_start3A_1191 : memref<1x1x256x128xf32, #tpu.memory_space<hbm>> -> memref<256x128xf32, #tpu.memory_space<hbm>>
    tpu.enqueue_dma source(%arg5 : memref<256x128xf32, #tpu.memory_space<vmem>>) target(%dma_start3A_1192 : memref<256x128xf32, #tpu.memory_space<hbm>>) target_semaphore(%arg7 : memref<!tpu.dma_semaphore, #tpu.memory_space<semaphore_mem>>)
    %scan3A_1193 = arith.constant 0 : i32
    %scan3A_1194 = arith.constant 0 : i32
    %scan3A_1195 = arith.constant 256 : i32
    %scan3A_1196 = arith.addi %scan3A_1194, %scan3A_1195 : i32
    %scan3A_1197 = arith.constant 1 : i32
    scf.for %scan3A_1679 = %scan3A_1194 to %scan3A_1196 step %scan3A_1197  : i32 {
      %swap3A = arith.index_cast %scan3A_1679 : i32 to index
      %swap3A_1680 = arith.constant 0 : index
      %swap3A_1681 = tpu.vector_load %arg6[%swap3A, %swap3A_1680] {strides = array<i32>} : memref<256x128xf32, #tpu.memory_space<vmem>>, vector<16xf32>,
      tpu.vector_store %arg6[%swap3A, %swap3A_1680], %broadcast_in_dim3A_920 {strides = array<i32>} : memref<256x128xf32, #tpu.memory_space<vmem>>, vector<16xf32>,
      %swap3A_1682 = arith.index_cast %scan3A_1679 : i32 to index
      %swap3A_1683 = arith.constant 16 : index
      %swap3A_1684 = tpu.vector_load %arg6[%swap3A_1682, %swap3A_1683] {strides = array<i32>} : memref<256x128xf32, #tpu.memory_space<vmem>>, vector<16xf32>,
      tpu.vector_store %arg6[%swap3A_1682, %swap3A_1683], %broadcast_in_dim3A_920 {strides = array<i32>} : memref<256x128xf32, #tpu.memory_space<vmem>>, vector<16xf32>,
      %swap3A_1685 = arith.index_cast %scan3A_1679 : i32 to index
      %swap3A_1686 = arith.constant 32 : index
      %swap3A_1687 = tpu.vector_load %arg6[%swap3A_1685, %swap3A_1686] {strides = array<i32>} : memref<256x128xf32, #tpu.memory_space<vmem>>, vector<16xf32>,
      tpu.vector_store %arg6[%swap3A_1685, %swap3A_1686], %broadcast_in_dim3A_920 {strides = array<i32>} : memref<256x128xf32, #tpu.memory_space<vmem>>, vector<16xf32>,
      %swap3A_1688 = arith.index_cast %scan3A_1679 : i32 to index
      %swap3A_1689 = arith.constant 48 : index
      %swap3A_1690 = tpu.vector_load %arg6[%swap3A_1688, %swap3A_1689] {strides = array<i32>} : memref<256x128xf32, #tpu.memory_space<vmem>>, vector<16xf32>,
      tpu.vector_store %arg6[%swap3A_1688, %swap3A_1689], %broadcast_in_dim3A_920 {strides = array<i32>} : memref<256x128xf32, #tpu.memory_space<vmem>>, vector<16xf32>,
      %swap3A_1691 = arith.index_cast %scan3A_1679 : i32 to index
      %swap3A_1692 = arith.constant 64 : index
      %swap3A_1693 = tpu.vector_load %arg6[%swap3A_1691, %swap3A_1692] {strides = array<i32>} : memref<256x128xf32, #tpu.memory_space<vmem>>, vector<16xf32>,
      tpu.vector_store %arg6[%swap3A_1691, %swap3A_1692], %broadcast_in_dim3A_920 {strides = array<i32>} : memref<256x128xf32, #tpu.memory_space<vmem>>, vector<16xf32>,
      %swap3A_1694 = arith.index_cast %scan3A_1679 : i32 to index
      %swap3A_1695 = arith.constant 80 : index
      %swap3A_1696 = tpu.vector_load %arg6[%swap3A_1694, %swap3A_1695] {strides = array<i32>} : memref<256x128xf32, #tpu.memory_space<vmem>>, vector<16xf32>,
      tpu.vector_store %arg6[%swap3A_1694, %swap3A_1695], %broadcast_in_dim3A_920 {strides = array<i32>} : memref<256x128xf32, #tpu.memory_space<vmem>>, vector<16xf32>,
      %swap3A_1697 = arith.index_cast %scan3A_1679 : i32 to index
      %swap3A_1698 = arith.constant 96 : index
      %swap3A_1699 = tpu.vector_load %arg6[%swap3A_1697, %swap3A_1698] {strides = array<i32>} : memref<256x128xf32, #tpu.memory_space<vmem>>, vector<16xf32>,
      tpu.vector_store %arg6[%swap3A_1697, %swap3A_1698], %broadcast_in_dim3A_920 {strides = array<i32>} : memref<256x128xf32, #tpu.memory_space<vmem>>, vector<16xf32>,
      %swap3A_1700 = arith.index_cast %scan3A_1679 : i32 to index
      %swap3A_1701 = arith.constant 112 : index
      %swap3A_1702 = tpu.vector_load %arg6[%swap3A_1700, %swap3A_1701] {strides = array<i32>} : memref<256x128xf32, #tpu.memory_space<vmem>>, vector<16xf32>,
      tpu.vector_store %arg6[%swap3A_1700, %swap3A_1701], %broadcast_in_dim3A_920 {strides = array<i32>} : memref<256x128xf32, #tpu.memory_space<vmem>>, vector<16xf32>,
    }
    %scan3A_1198 = arith.constant 256 : i32
    %add3A_1199 = arith.constant 256 : i32
    %add3A_1200 = arith.addi %mul3A_34, %add3A_1199 : i32
    %scan3A_1201 = arith.constant 0 : i32
    %scan3A_1202 = arith.constant 0 : i32
    %scan3A_1203 = arith.constant 16 : i32
    %scan3A_1204 = arith.addi %scan3A_1202, %scan3A_1203 : i32
    %scan3A_1205 = arith.constant 1 : i32
    scf.for %scan3A_1679 = %scan3A_1202 to %scan3A_1204 step %scan3A_1205  : i32 {
      %mul3A_1680 = arith.constant 16 : i32
      %mul3A_1681 = arith.muli %scan3A_1679, %mul3A_1680 : i32
      %add3A_1682 = arith.addi %add3A_1200, %mul3A_1681 : i32
      %get3A = arith.index_cast %add3A_1682 : i32 to index
      %get3A_1683 = tpu.vector_load %arg4[%get3A] {strides = array<i32>} : memref<17408xi32, #tpu.memory_space<vmem>>, vector<16xi32>,
      %mul3A_1684 = arith.constant 16 : i32
      %mul3A_1685 = arith.muli %scan3A_1679, %mul3A_1684 : i32
      %add3A_1686 = vector.broadcast %mul3A_1685 : i32 to vector<16xi32>
      %add3A_1687 = arith.addi %add3A_1686, %iota3A : vector<16xi32>
      tpu.vector_store_idx %arg6[%add3A_1687, %get3A_1683], %broadcast_in_dim3A_918 : memref<256x128xf32, #tpu.memory_space<vmem>>[vector<16xi32>, vector<16xi32>], vector<16xf32>,
    }
    %scan3A_1206 = arith.constant 16 : i32
    %add3A_1207 = arith.constant 1 : i32
    %add3A_1208 = arith.addi %mul3A_2, %add3A_1207 : i32
    %jit3A_1209 = arith.constant 4 : i32
    %div3A_1210 = arith.divsi %add3A_1208, %jit3A_1209 : i32
    %sign3A_1211 = arith.constant 0 : i32
    %sign3A_1212 = arith.cmpi sgt, %add3A_1208, %sign3A_1211 : i32
    %sign3A_1213 = arith.extui %sign3A_1212 : i1 to i32
    %sign3A_1214 = arith.constant 0 : i32
    %sign3A_1215 = arith.cmpi slt, %add3A_1208, %sign3A_1214 : i32
    %sign3A_1216 = arith.extui %sign3A_1215 : i1 to i32
    %sign3A_1217 = arith.subi %sign3A_1213, %sign3A_1216 : i32
    %sign3A_1218 = arith.constant 0 : i32
    %sign3A_1219 = arith.cmpi sgt, %jit3A_1209, %sign3A_1218 : i32
    %sign3A_1220 = arith.extui %sign3A_1219 : i1 to i32
    %sign3A_1221 = arith.constant 0 : i32
    %sign3A_1222 = arith.cmpi slt, %jit3A_1209, %sign3A_1221 : i32
    %sign3A_1223 = arith.extui %sign3A_1222 : i1 to i32
    %sign3A_1224 = arith.subi %sign3A_1220, %sign3A_1223 : i32
    %ne3A_1225 = arith.cmpi ne, %sign3A_1217, %sign3A_1224 : i32
    %rem3A_1226 = arith.remsi %add3A_1208, %jit3A_1209 : i32
    %ne3A_1227 = arith.constant 0 : i32
    %ne3A_1228 = arith.cmpi ne, %rem3A_1226, %ne3A_1227 : i32
    %and3A_1229 = arith.andi %ne3A_1225, %ne3A_1228 : i1
    %sub3A_1230 = arith.constant 1 : i32
    %sub3A_1231 = arith.subi %div3A_1210, %sub3A_1230 : i32
    %select_n3A_1232 = arith.select %and3A_1229, %sub3A_1231, %div3A_1210 : i32
    %jit3A_1233 = arith.constant 4 : i32
    %eq3A_1234 = arith.constant 0 : i32
    %eq3A_1235 = arith.cmpi eq, %jit3A_1233, %eq3A_1234 : i32
    %jit3A_1236 = arith.constant 1 : i32
    %select_n3A_1237 = arith.select %eq3A_1235, %jit3A_1236, %jit3A_1233 : i32
    %rem3A_1238 = arith.remsi %add3A_1208, %select_n3A_1237 : i32
    %ne3A_1239 = arith.constant 0 : i32
    %ne3A_1240 = arith.cmpi ne, %rem3A_1238, %ne3A_1239 : i32
    %lt3A_1241 = arith.constant 0 : i32
    %lt3A_1242 = arith.cmpi slt, %rem3A_1238, %lt3A_1241 : i32
    %lt3A_1243 = arith.constant 0 : i32
    %lt3A_1244 = arith.cmpi slt, %select_n3A_1237, %lt3A_1243 : i32
    %ne3A_1245 = arith.xori %lt3A_1242, %lt3A_1244 : i1
    %and3A_1246 = arith.andi %ne3A_1245, %ne3A_1240 : i1
    %add3A_1247 = arith.addi %rem3A_1238, %select_n3A_1237 : i32
    %select_n3A_1248 = arith.select %and3A_1246, %add3A_1247, %rem3A_1238 : i32
    %mul3A_1249 = arith.constant 256 : i32
    %mul3A_1250 = arith.muli %select_n3A_1248, %mul3A_1249 : i32
    %jit3A_1251 = arith.constant 20 : i32
    %div3A_1252 = arith.divsi %select_n3A_1232, %jit3A_1251 : i32
    %sign3A_1253 = arith.constant 0 : i32
    %sign3A_1254 = arith.cmpi sgt, %select_n3A_1232, %sign3A_1253 : i32
    %sign3A_1255 = arith.extui %sign3A_1254 : i1 to i32
    %sign3A_1256 = arith.constant 0 : i32
    %sign3A_1257 = arith.cmpi slt, %select_n3A_1232, %sign3A_1256 : i32
    %sign3A_1258 = arith.extui %sign3A_1257 : i1 to i32
    %sign3A_1259 = arith.subi %sign3A_1255, %sign3A_1258 : i32
    %sign3A_1260 = arith.constant 0 : i32
    %sign3A_1261 = arith.cmpi sgt, %jit3A_1251, %sign3A_1260 : i32
    %sign3A_1262 = arith.extui %sign3A_1261 : i1 to i32
    %sign3A_1263 = arith.constant 0 : i32
    %sign3A_1264 = arith.cmpi slt, %jit3A_1251, %sign3A_1263 : i32
    %sign3A_1265 = arith.extui %sign3A_1264 : i1 to i32
    %sign3A_1266 = arith.subi %sign3A_1262, %sign3A_1265 : i32
    %ne3A_1267 = arith.cmpi ne, %sign3A_1259, %sign3A_1266 : i32
    %rem3A_1268 = arith.remsi %select_n3A_1232, %jit3A_1251 : i32
    %ne3A_1269 = arith.constant 0 : i32
    %ne3A_1270 = arith.cmpi ne, %rem3A_1268, %ne3A_1269 : i32
    %and3A_1271 = arith.andi %ne3A_1267, %ne3A_1270 : i1
    %sub3A_1272 = arith.constant 1 : i32
    %sub3A_1273 = arith.subi %div3A_1252, %sub3A_1272 : i32
    %select_n3A_1274 = arith.select %and3A_1271, %sub3A_1273, %div3A_1252 : i32
    %jit3A_1275 = arith.constant 20 : i32
    %eq3A_1276 = arith.constant 0 : i32
    %eq3A_1277 = arith.cmpi eq, %jit3A_1275, %eq3A_1276 : i32
    %jit3A_1278 = arith.constant 1 : i32
    %select_n3A_1279 = arith.select %eq3A_1277, %jit3A_1278, %jit3A_1275 : i32
    %rem3A_1280 = arith.remsi %select_n3A_1232, %select_n3A_1279 : i32
    %ne3A_1281 = arith.constant 0 : i32
    %ne3A_1282 = arith.cmpi ne, %rem3A_1280, %ne3A_1281 : i32
    %lt3A_1283 = arith.constant 0 : i32
    %lt3A_1284 = arith.cmpi slt, %rem3A_1280, %lt3A_1283 : i32
    %lt3A_1285 = arith.constant 0 : i32
    %lt3A_1286 = arith.cmpi slt, %select_n3A_1279, %lt3A_1285 : i32
    %ne3A_1287 = arith.xori %lt3A_1284, %lt3A_1286 : i1
    %and3A_1288 = arith.andi %ne3A_1287, %ne3A_1282 : i1
    %add3A_1289 = arith.addi %rem3A_1280, %select_n3A_1279 : i32
    %select_n3A_1290 = arith.select %and3A_1288, %add3A_1289, %rem3A_1280 : i32
    %dma_start3A_1291 = arith.constant 0 : i32
    %dma_start3A_1292 = tpu.memref_slice %arg3[%select_n3A_1274, %select_n3A_1290, %mul3A_1250, %dma_start3A_1291] : memref<26x20x1024x128xf32, #tpu.memory_space<hbm>> -> memref<1x1x256x128xf32, #tpu.memory_space<hbm>>
    %dma_start3A_1293 = tpu.memref_squeeze %dma_start3A_1292 : memref<1x1x256x128xf32, #tpu.memory_space<hbm>> -> memref<256x128xf32, #tpu.memory_space<hbm>>
    %dma_start3A_1294 = arith.constant 0 : i32
    %dma_start3A_1295 = tpu.memref_slice %arg3[%select_n3A_1274, %select_n3A_1290, %mul3A_1250, %dma_start3A_1294] : memref<26x20x1024x128xf32, #tpu.memory_space<hbm>> -> memref<1x1x256x128xf32, #tpu.memory_space<hbm>>
    %dma_start3A_1296 = tpu.memref_squeeze %dma_start3A_1295 : memref<1x1x256x128xf32, #tpu.memory_space<hbm>> -> memref<256x128xf32, #tpu.memory_space<hbm>>
    tpu.enqueue_dma source(%arg6 : memref<256x128xf32, #tpu.memory_space<vmem>>) target(%dma_start3A_1296 : memref<256x128xf32, #tpu.memory_space<hbm>>) target_semaphore(%arg8 : memref<!tpu.dma_semaphore, #tpu.memory_space<semaphore_mem>>)
    %scan3A_1297 = arith.constant 0 : i32
    %scan3A_1298 = arith.constant 1 : i32
    %scan3A_1299 = arith.constant 31 : i32
    %scan3A_1300 = arith.addi %scan3A_1298, %scan3A_1299 : i32
    %scan3A_1301 = arith.constant 1 : i32
    scf.for %scan3A_1679 = %scan3A_1298 to %scan3A_1300 step %scan3A_1301  : i32 {
      %mul3A_1680 = arith.constant 2 : i32
      %mul3A_1681 = arith.muli %scan3A_1679, %mul3A_1680 : i32
      %add3A_1682 = arith.constant 0 : i32
      %add3A_1683 = arith.addi %mul3A_1681, %add3A_1682 : i32
      %sub3A_1684 = arith.constant 2 : i32
      %sub3A_1685 = arith.subi %add3A_1683, %sub3A_1684 : i32
      %add3A_1686 = arith.addi %mul3A_2, %sub3A_1685 : i32
      %jit3A_1687 = arith.constant 4 : i32
      %div3A_1688 = arith.divsi %add3A_1686, %jit3A_1687 : i32
      %sign3A_1689 = arith.constant 0 : i32
      %sign3A_1690 = arith.cmpi sgt, %add3A_1686, %sign3A_1689 : i32
      %sign3A_1691 = arith.extui %sign3A_1690 : i1 to i32
      %sign3A_1692 = arith.constant 0 : i32
      %sign3A_1693 = arith.cmpi slt, %add3A_1686, %sign3A_1692 : i32
      %sign3A_1694 = arith.extui %sign3A_1693 : i1 to i32
      %sign3A_1695 = arith.subi %sign3A_1691, %sign3A_1694 : i32
      %sign3A_1696 = arith.constant 0 : i32
      %sign3A_1697 = arith.cmpi sgt, %jit3A_1687, %sign3A_1696 : i32
      %sign3A_1698 = arith.extui %sign3A_1697 : i1 to i32
      %sign3A_1699 = arith.constant 0 : i32
      %sign3A_1700 = arith.cmpi slt, %jit3A_1687, %sign3A_1699 : i32
      %sign3A_1701 = arith.extui %sign3A_1700 : i1 to i32
      %sign3A_1702 = arith.subi %sign3A_1698, %sign3A_1701 : i32
      %ne3A_1703 = arith.cmpi ne, %sign3A_1695, %sign3A_1702 : i32
      %rem3A_1704 = arith.remsi %add3A_1686, %jit3A_1687 : i32
      %ne3A_1705 = arith.constant 0 : i32
      %ne3A_1706 = arith.cmpi ne, %rem3A_1704, %ne3A_1705 : i32
      %and3A_1707 = arith.andi %ne3A_1703, %ne3A_1706 : i1
      %sub3A_1708 = arith.constant 1 : i32
      %sub3A_1709 = arith.subi %div3A_1688, %sub3A_1708 : i32
      %select_n3A_1710 = arith.select %and3A_1707, %sub3A_1709, %div3A_1688 : i32
      %jit3A_1711 = arith.constant 4 : i32
      %eq3A_1712 = arith.constant 0 : i32
      %eq3A_1713 = arith.cmpi eq, %jit3A_1711, %eq3A_1712 : i32
      %jit3A_1714 = arith.constant 1 : i32
      %select_n3A_1715 = arith.select %eq3A_1713, %jit3A_1714, %jit3A_1711 : i32
      %rem3A_1716 = arith.remsi %add3A_1686, %select_n3A_1715 : i32
      %ne3A_1717 = arith.constant 0 : i32
      %ne3A_1718 = arith.cmpi ne, %rem3A_1716, %ne3A_1717 : i32
      %lt3A_1719 = arith.constant 0 : i32
      %lt3A_1720 = arith.cmpi slt, %rem3A_1716, %lt3A_1719 : i32
      %lt3A_1721 = arith.constant 0 : i32
      %lt3A_1722 = arith.cmpi slt, %select_n3A_1715, %lt3A_1721 : i32
      %ne3A_1723 = arith.xori %lt3A_1720, %lt3A_1722 : i1
      %and3A_1724 = arith.andi %ne3A_1723, %ne3A_1718 : i1
      %add3A_1725 = arith.addi %rem3A_1716, %select_n3A_1715 : i32
      %select_n3A_1726 = arith.select %and3A_1724, %add3A_1725, %rem3A_1716 : i32
      %mul3A_1727 = arith.constant 256 : i32
      %mul3A_1728 = arith.muli %select_n3A_1726, %mul3A_1727 : i32
      %jit3A_1729 = arith.constant 20 : i32
      %div3A_1730 = arith.divsi %select_n3A_1710, %jit3A_1729 : i32
      %sign3A_1731 = arith.constant 0 : i32
      %sign3A_1732 = arith.cmpi sgt, %select_n3A_1710, %sign3A_1731 : i32
      %sign3A_1733 = arith.extui %sign3A_1732 : i1 to i32
      %sign3A_1734 = arith.constant 0 : i32
      %sign3A_1735 = arith.cmpi slt, %select_n3A_1710, %sign3A_1734 : i32
      %sign3A_1736 = arith.extui %sign3A_1735 : i1 to i32
      %sign3A_1737 = arith.subi %sign3A_1733, %sign3A_1736 : i32
      %sign3A_1738 = arith.constant 0 : i32
      %sign3A_1739 = arith.cmpi sgt, %jit3A_1729, %sign3A_1738 : i32
      %sign3A_1740 = arith.extui %sign3A_1739 : i1 to i32
      %sign3A_1741 = arith.constant 0 : i32
      %sign3A_1742 = arith.cmpi slt, %jit3A_1729, %sign3A_1741 : i32
      %sign3A_1743 = arith.extui %sign3A_1742 : i1 to i32
      %sign3A_1744 = arith.subi %sign3A_1740, %sign3A_1743 : i32
      %ne3A_1745 = arith.cmpi ne, %sign3A_1737, %sign3A_1744 : i32
      %rem3A_1746 = arith.remsi %select_n3A_1710, %jit3A_1729 : i32
      %ne3A_1747 = arith.constant 0 : i32
      %ne3A_1748 = arith.cmpi ne, %rem3A_1746, %ne3A_1747 : i32
      %and3A_1749 = arith.andi %ne3A_1745, %ne3A_1748 : i1
      %sub3A_1750 = arith.constant 1 : i32
      %sub3A_1751 = arith.subi %div3A_1730, %sub3A_1750 : i32
      %select_n3A_1752 = arith.select %and3A_1749, %sub3A_1751, %div3A_1730 : i32
      %jit3A_1753 = arith.constant 20 : i32
      %eq3A_1754 = arith.constant 0 : i32
      %eq3A_1755 = arith.cmpi eq, %jit3A_1753, %eq3A_1754 : i32
      %jit3A_1756 = arith.constant 1 : i32
      %select_n3A_1757 = arith.select %eq3A_1755, %jit3A_1756, %jit3A_1753 : i32
      %rem3A_1758 = arith.remsi %select_n3A_1710, %select_n3A_1757 : i32
      %ne3A_1759 = arith.constant 0 : i32
      %ne3A_1760 = arith.cmpi ne, %rem3A_1758, %ne3A_1759 : i32
      %lt3A_1761 = arith.constant 0 : i32
      %lt3A_1762 = arith.cmpi slt, %rem3A_1758, %lt3A_1761 : i32
      %lt3A_1763 = arith.constant 0 : i32
      %lt3A_1764 = arith.cmpi slt, %select_n3A_1757, %lt3A_1763 : i32
      %ne3A_1765 = arith.xori %lt3A_1762, %lt3A_1764 : i1
      %and3A_1766 = arith.andi %ne3A_1765, %ne3A_1760 : i1
      %add3A_1767 = arith.addi %rem3A_1758, %select_n3A_1757 : i32
      %select_n3A_1768 = arith.select %and3A_1766, %add3A_1767, %rem3A_1758 : i32
      %dma_wait3A_1769 = arith.constant 0 : i32
      %dma_wait3A_1770 = tpu.memref_slice %arg3[%select_n3A_1752, %select_n3A_1768, %mul3A_1728, %dma_wait3A_1769] : memref<26x20x1024x128xf32, #tpu.memory_space<hbm>> -> memref<1x1x256x128xf32, #tpu.memory_space<hbm>>
      %dma_wait3A_1771 = tpu.memref_squeeze %dma_wait3A_1770 : memref<1x1x256x128xf32, #tpu.memory_space<hbm>> -> memref<256x128xf32, #tpu.memory_space<hbm>>
      %dma_wait3A_1772 = arith.constant 0 : i32
      %dma_wait3A_1773 = tpu.memref_slice %arg3[%select_n3A_1752, %select_n3A_1768, %mul3A_1728, %dma_wait3A_1772] : memref<26x20x1024x128xf32, #tpu.memory_space<hbm>> -> memref<1x1x256x128xf32, #tpu.memory_space<hbm>>
      %dma_wait3A_1774 = tpu.memref_squeeze %dma_wait3A_1773 : memref<1x1x256x128xf32, #tpu.memory_space<hbm>> -> memref<256x128xf32, #tpu.memory_space<hbm>>
      tpu.wait_dma2 semaphore(%arg7 : memref<!tpu.dma_semaphore, #tpu.memory_space<semaphore_mem>>) src(%arg5 : memref<256x128xf32, #tpu.memory_space<vmem>>) dst(%dma_wait3A_1774 : memref<256x128xf32, #tpu.memory_space<hbm>>)
      %sub3A_1775 = arith.constant 2 : i32
      %sub3A_1776 = arith.subi %add3A_1683, %sub3A_1775 : i32
      %mul3A_1777 = arith.constant 256 : i32
      %mul3A_1778 = arith.muli %sub3A_1776, %mul3A_1777 : i32
      %add3A_1779 = arith.addi %mul3A_34, %mul3A_1778 : i32
      %scan3A_1780 = arith.constant 0 : i32
      %scan3A_1781 = arith.constant 0 : i32
      %scan3A_1782 = arith.constant 16 : i32
      %scan3A_1783 = arith.addi %scan3A_1781, %scan3A_1782 : i32
      %scan3A_1784 = arith.constant 1 : i32
      scf.for %scan3A_2086 = %scan3A_1781 to %scan3A_1783 step %scan3A_1784  : i32 {
        %mul3A_2087 = arith.constant 16 : i32
        %mul3A_2088 = arith.muli %scan3A_2086, %mul3A_2087 : i32
        %add3A_2089 = arith.addi %add3A_1779, %mul3A_2088 : i32
        %get3A = arith.index_cast %add3A_2089 : i32 to index
        %get3A_2090 = tpu.vector_load %arg4[%get3A] {strides = array<i32>} : memref<17408xi32, #tpu.memory_space<vmem>>, vector<16xi32>,
        %mul3A_2091 = arith.constant 16 : i32
        %mul3A_2092 = arith.muli %scan3A_2086, %mul3A_2091 : i32
        %add3A_2093 = vector.broadcast %mul3A_2092 : i32 to vector<16xi32>
        %add3A_2094 = arith.addi %add3A_2093, %iota3A : vector<16xi32>
        tpu.vector_store_idx %arg5[%add3A_2094, %get3A_2090], %broadcast_in_dim3A_920 : memref<256x128xf32, #tpu.memory_space<vmem>>[vector<16xi32>, vector<16xi32>], vector<16xf32>,
      }
      %scan3A_1785 = arith.constant 16 : i32
      %mul3A_1786 = arith.constant 256 : i32
      %mul3A_1787 = arith.muli %add3A_1683, %mul3A_1786 : i32
      %add3A_1788 = arith.addi %mul3A_34, %mul3A_1787 : i32
      %scan3A_1789 = arith.constant 0 : i32
      %scan3A_1790 = arith.constant 0 : i32
      %scan3A_1791 = arith.constant 16 : i32
      %scan3A_1792 = arith.addi %scan3A_1790, %scan3A_1791 : i32
      %scan3A_1793 = arith.constant 1 : i32
      scf.for %scan3A_2086 = %scan3A_1790 to %scan3A_1792 step %scan3A_1793  : i32 {
        %mul3A_2087 = arith.constant 16 : i32
        %mul3A_2088 = arith.muli %scan3A_2086, %mul3A_2087 : i32
        %add3A_2089 = arith.addi %add3A_1788, %mul3A_2088 : i32
        %get3A = arith.index_cast %add3A_2089 : i32 to index
        %get3A_2090 = tpu.vector_load %arg4[%get3A] {strides = array<i32>} : memref<17408xi32, #tpu.memory_space<vmem>>, vector<16xi32>,
        %mul3A_2091 = arith.constant 16 : i32
        %mul3A_2092 = arith.muli %scan3A_2086, %mul3A_2091 : i32
        %add3A_2093 = vector.broadcast %mul3A_2092 : i32 to vector<16xi32>
        %add3A_2094 = arith.addi %add3A_2093, %iota3A : vector<16xi32>
        tpu.vector_store_idx %arg5[%add3A_2094, %get3A_2090], %broadcast_in_dim3A_918 : memref<256x128xf32, #tpu.memory_space<vmem>>[vector<16xi32>, vector<16xi32>], vector<16xf32>,
      }
      %scan3A_1794 = arith.constant 16 : i32
      %add3A_1795 = arith.addi %mul3A_2, %add3A_1683 : i32
      %jit3A_1796 = arith.constant 4 : i32
      %div3A_1797 = arith.divsi %add3A_1795, %jit3A_1796 : i32
      %sign3A_1798 = arith.constant 0 : i32
      %sign3A_1799 = arith.cmpi sgt, %add3A_1795, %sign3A_1798 : i32
      %sign3A_1800 = arith.extui %sign3A_1799 : i1 to i32
      %sign3A_1801 = arith.constant 0 : i32
      %sign3A_1802 = arith.cmpi slt, %add3A_1795, %sign3A_1801 : i32
      %sign3A_1803 = arith.extui %sign3A_1802 : i1 to i32
      %sign3A_1804 = arith.subi %sign3A_1800, %sign3A_1803 : i32
      %sign3A_1805 = arith.constant 0 : i32
      %sign3A_1806 = arith.cmpi sgt, %jit3A_1796, %sign3A_1805 : i32
      %sign3A_1807 = arith.extui %sign3A_1806 : i1 to i32
      %sign3A_1808 = arith.constant 0 : i32
      %sign3A_1809 = arith.cmpi slt, %jit3A_1796, %sign3A_1808 : i32
      %sign3A_1810 = arith.extui %sign3A_1809 : i1 to i32
      %sign3A_1811 = arith.subi %sign3A_1807, %sign3A_1810 : i32
      %ne3A_1812 = arith.cmpi ne, %sign3A_1804, %sign3A_1811 : i32
      %rem3A_1813 = arith.remsi %add3A_1795, %jit3A_1796 : i32
      %ne3A_1814 = arith.constant 0 : i32
      %ne3A_1815 = arith.cmpi ne, %rem3A_1813, %ne3A_1814 : i32
      %and3A_1816 = arith.andi %ne3A_1812, %ne3A_1815 : i1
      %sub3A_1817 = arith.constant 1 : i32
      %sub3A_1818 = arith.subi %div3A_1797, %sub3A_1817 : i32
      %select_n3A_1819 = arith.select %and3A_1816, %sub3A_1818, %div3A_1797 : i32
      %jit3A_1820 = arith.constant 4 : i32
      %eq3A_1821 = arith.constant 0 : i32
      %eq3A_1822 = arith.cmpi eq, %jit3A_1820, %eq3A_1821 : i32
      %jit3A_1823 = arith.constant 1 : i32
      %select_n3A_1824 = arith.select %eq3A_1822, %jit3A_1823, %jit3A_1820 : i32
      %rem3A_1825 = arith.remsi %add3A_1795, %select_n3A_1824 : i32
      %ne3A_1826 = arith.constant 0 : i32
      %ne3A_1827 = arith.cmpi ne, %rem3A_1825, %ne3A_1826 : i32
      %lt3A_1828 = arith.constant 0 : i32
      %lt3A_1829 = arith.cmpi slt, %rem3A_1825, %lt3A_1828 : i32
      %lt3A_1830 = arith.constant 0 : i32
      %lt3A_1831 = arith.cmpi slt, %select_n3A_1824, %lt3A_1830 : i32
      %ne3A_1832 = arith.xori %lt3A_1829, %lt3A_1831 : i1
      %and3A_1833 = arith.andi %ne3A_1832, %ne3A_1827 : i1
      %add3A_1834 = arith.addi %rem3A_1825, %select_n3A_1824 : i32
      %select_n3A_1835 = arith.select %and3A_1833, %add3A_1834, %rem3A_1825 : i32
      %mul3A_1836 = arith.constant 256 : i32
      %mul3A_1837 = arith.muli %select_n3A_1835, %mul3A_1836 : i32
      %jit3A_1838 = arith.constant 20 : i32
      %div3A_1839 = arith.divsi %select_n3A_1819, %jit3A_1838 : i32
      %sign3A_1840 = arith.constant 0 : i32
      %sign3A_1841 = arith.cmpi sgt, %select_n3A_1819, %sign3A_1840 : i32
      %sign3A_1842 = arith.extui %sign3A_1841 : i1 to i32
      %sign3A_1843 = arith.constant 0 : i32
      %sign3A_1844 = arith.cmpi slt, %select_n3A_1819, %sign3A_1843 : i32
      %sign3A_1845 = arith.extui %sign3A_1844 : i1 to i32
      %sign3A_1846 = arith.subi %sign3A_1842, %sign3A_1845 : i32
      %sign3A_1847 = arith.constant 0 : i32
      %sign3A_1848 = arith.cmpi sgt, %jit3A_1838, %sign3A_1847 : i32
      %sign3A_1849 = arith.extui %sign3A_1848 : i1 to i32
      %sign3A_1850 = arith.constant 0 : i32
      %sign3A_1851 = arith.cmpi slt, %jit3A_1838, %sign3A_1850 : i32
      %sign3A_1852 = arith.extui %sign3A_1851 : i1 to i32
      %sign3A_1853 = arith.subi %sign3A_1849, %sign3A_1852 : i32
      %ne3A_1854 = arith.cmpi ne, %sign3A_1846, %sign3A_1853 : i32
      %rem3A_1855 = arith.remsi %select_n3A_1819, %jit3A_1838 : i32
      %ne3A_1856 = arith.constant 0 : i32
      %ne3A_1857 = arith.cmpi ne, %rem3A_1855, %ne3A_1856 : i32
      %and3A_1858 = arith.andi %ne3A_1854, %ne3A_1857 : i1
      %sub3A_1859 = arith.constant 1 : i32
      %sub3A_1860 = arith.subi %div3A_1839, %sub3A_1859 : i32
      %select_n3A_1861 = arith.select %and3A_1858, %sub3A_1860, %div3A_1839 : i32
      %jit3A_1862 = arith.constant 20 : i32
      %eq3A_1863 = arith.constant 0 : i32
      %eq3A_1864 = arith.cmpi eq, %jit3A_1862, %eq3A_1863 : i32
      %jit3A_1865 = arith.constant 1 : i32
      %select_n3A_1866 = arith.select %eq3A_1864, %jit3A_1865, %jit3A_1862 : i32
      %rem3A_1867 = arith.remsi %select_n3A_1819, %select_n3A_1866 : i32
      %ne3A_1868 = arith.constant 0 : i32
      %ne3A_1869 = arith.cmpi ne, %rem3A_1867, %ne3A_1868 : i32
      %lt3A_1870 = arith.constant 0 : i32
      %lt3A_1871 = arith.cmpi slt, %rem3A_1867, %lt3A_1870 : i32
      %lt3A_1872 = arith.constant 0 : i32
      %lt3A_1873 = arith.cmpi slt, %select_n3A_1866, %lt3A_1872 : i32
      %ne3A_1874 = arith.xori %lt3A_1871, %lt3A_1873 : i1
      %and3A_1875 = arith.andi %ne3A_1874, %ne3A_1869 : i1
      %add3A_1876 = arith.addi %rem3A_1867, %select_n3A_1866 : i32
      %select_n3A_1877 = arith.select %and3A_1875, %add3A_1876, %rem3A_1867 : i32
      %dma_start3A_1878 = arith.constant 0 : i32
      %dma_start3A_1879 = tpu.memref_slice %arg3[%select_n3A_1861, %select_n3A_1877, %mul3A_1837, %dma_start3A_1878] : memref<26x20x1024x128xf32, #tpu.memory_space<hbm>> -> memref<1x1x256x128xf32, #tpu.memory_space<hbm>>
      %dma_start3A_1880 = tpu.memref_squeeze %dma_start3A_1879 : memref<1x1x256x128xf32, #tpu.memory_space<hbm>> -> memref<256x128xf32, #tpu.memory_space<hbm>>
      %dma_start3A_1881 = arith.constant 0 : i32
      %dma_start3A_1882 = tpu.memref_slice %arg3[%select_n3A_1861, %select_n3A_1877, %mul3A_1837, %dma_start3A_1881] : memref<26x20x1024x128xf32, #tpu.memory_space<hbm>> -> memref<1x1x256x128xf32, #tpu.memory_space<hbm>>
      %dma_start3A_1883 = tpu.memref_squeeze %dma_start3A_1882 : memref<1x1x256x128xf32, #tpu.memory_space<hbm>> -> memref<256x128xf32, #tpu.memory_space<hbm>>
      tpu.enqueue_dma source(%arg5 : memref<256x128xf32, #tpu.memory_space<vmem>>) target(%dma_start3A_1883 : memref<256x128xf32, #tpu.memory_space<hbm>>) target_semaphore(%arg7 : memref<!tpu.dma_semaphore, #tpu.memory_space<semaphore_mem>>)
      %add3A_1884 = arith.constant 1 : i32
      %add3A_1885 = arith.addi %mul3A_1681, %add3A_1884 : i32
      %sub3A_1886 = arith.constant 2 : i32
      %sub3A_1887 = arith.subi %add3A_1885, %sub3A_1886 : i32
      %add3A_1888 = arith.addi %mul3A_2, %sub3A_1887 : i32
      %jit3A_1889 = arith.constant 4 : i32
      %div3A_1890 = arith.divsi %add3A_1888, %jit3A_1889 : i32
      %sign3A_1891 = arith.constant 0 : i32
      %sign3A_1892 = arith.cmpi sgt, %add3A_1888, %sign3A_1891 : i32
      %sign3A_1893 = arith.extui %sign3A_1892 : i1 to i32
      %sign3A_1894 = arith.constant 0 : i32
      %sign3A_1895 = arith.cmpi slt, %add3A_1888, %sign3A_1894 : i32
      %sign3A_1896 = arith.extui %sign3A_1895 : i1 to i32
      %sign3A_1897 = arith.subi %sign3A_1893, %sign3A_1896 : i32
      %sign3A_1898 = arith.constant 0 : i32
      %sign3A_1899 = arith.cmpi sgt, %jit3A_1889, %sign3A_1898 : i32
      %sign3A_1900 = arith.extui %sign3A_1899 : i1 to i32
      %sign3A_1901 = arith.constant 0 : i32
      %sign3A_1902 = arith.cmpi slt, %jit3A_1889, %sign3A_1901 : i32
      %sign3A_1903 = arith.extui %sign3A_1902 : i1 to i32
      %sign3A_1904 = arith.subi %sign3A_1900, %sign3A_1903 : i32
      %ne3A_1905 = arith.cmpi ne, %sign3A_1897, %sign3A_1904 : i32
      %rem3A_1906 = arith.remsi %add3A_1888, %jit3A_1889 : i32
      %ne3A_1907 = arith.constant 0 : i32
      %ne3A_1908 = arith.cmpi ne, %rem3A_1906, %ne3A_1907 : i32
      %and3A_1909 = arith.andi %ne3A_1905, %ne3A_1908 : i1
      %sub3A_1910 = arith.constant 1 : i32
      %sub3A_1911 = arith.subi %div3A_1890, %sub3A_1910 : i32
      %select_n3A_1912 = arith.select %and3A_1909, %sub3A_1911, %div3A_1890 : i32
      %jit3A_1913 = arith.constant 4 : i32
      %eq3A_1914 = arith.constant 0 : i32
      %eq3A_1915 = arith.cmpi eq, %jit3A_1913, %eq3A_1914 : i32
      %jit3A_1916 = arith.constant 1 : i32
      %select_n3A_1917 = arith.select %eq3A_1915, %jit3A_1916, %jit3A_1913 : i32
      %rem3A_1918 = arith.remsi %add3A_1888, %select_n3A_1917 : i32
      %ne3A_1919 = arith.constant 0 : i32
      %ne3A_1920 = arith.cmpi ne, %rem3A_1918, %ne3A_1919 : i32
      %lt3A_1921 = arith.constant 0 : i32
      %lt3A_1922 = arith.cmpi slt, %rem3A_1918, %lt3A_1921 : i32
      %lt3A_1923 = arith.constant 0 : i32
      %lt3A_1924 = arith.cmpi slt, %select_n3A_1917, %lt3A_1923 : i32
      %ne3A_1925 = arith.xori %lt3A_1922, %lt3A_1924 : i1
      %and3A_1926 = arith.andi %ne3A_1925, %ne3A_1920 : i1
      %add3A_1927 = arith.addi %rem3A_1918, %select_n3A_1917 : i32
      %select_n3A_1928 = arith.select %and3A_1926, %add3A_1927, %rem3A_1918 : i32
      %mul3A_1929 = arith.constant 256 : i32
      %mul3A_1930 = arith.muli %select_n3A_1928, %mul3A_1929 : i32
      %jit3A_1931 = arith.constant 20 : i32
      %div3A_1932 = arith.divsi %select_n3A_1912, %jit3A_1931 : i32
      %sign3A_1933 = arith.constant 0 : i32
      %sign3A_1934 = arith.cmpi sgt, %select_n3A_1912, %sign3A_1933 : i32
      %sign3A_1935 = arith.extui %sign3A_1934 : i1 to i32
      %sign3A_1936 = arith.constant 0 : i32
      %sign3A_1937 = arith.cmpi slt, %select_n3A_1912, %sign3A_1936 : i32
      %sign3A_1938 = arith.extui %sign3A_1937 : i1 to i32
      %sign3A_1939 = arith.subi %sign3A_1935, %sign3A_1938 : i32
      %sign3A_1940 = arith.constant 0 : i32
      %sign3A_1941 = arith.cmpi sgt, %jit3A_1931, %sign3A_1940 : i32
      %sign3A_1942 = arith.extui %sign3A_1941 : i1 to i32
      %sign3A_1943 = arith.constant 0 : i32
      %sign3A_1944 = arith.cmpi slt, %jit3A_1931, %sign3A_1943 : i32
      %sign3A_1945 = arith.extui %sign3A_1944 : i1 to i32
      %sign3A_1946 = arith.subi %sign3A_1942, %sign3A_1945 : i32
      %ne3A_1947 = arith.cmpi ne, %sign3A_1939, %sign3A_1946 : i32
      %rem3A_1948 = arith.remsi %select_n3A_1912, %jit3A_1931 : i32
      %ne3A_1949 = arith.constant 0 : i32
      %ne3A_1950 = arith.cmpi ne, %rem3A_1948, %ne3A_1949 : i32
      %and3A_1951 = arith.andi %ne3A_1947, %ne3A_1950 : i1
      %sub3A_1952 = arith.constant 1 : i32
      %sub3A_1953 = arith.subi %div3A_1932, %sub3A_1952 : i32
      %select_n3A_1954 = arith.select %and3A_1951, %sub3A_1953, %div3A_1932 : i32
      %jit3A_1955 = arith.constant 20 : i32
      %eq3A_1956 = arith.constant 0 : i32
      %eq3A_1957 = arith.cmpi eq, %jit3A_1955, %eq3A_1956 : i32
      %jit3A_1958 = arith.constant 1 : i32
      %select_n3A_1959 = arith.select %eq3A_1957, %jit3A_1958, %jit3A_1955 : i32
      %rem3A_1960 = arith.remsi %select_n3A_1912, %select_n3A_1959 : i32
      %ne3A_1961 = arith.constant 0 : i32
      %ne3A_1962 = arith.cmpi ne, %rem3A_1960, %ne3A_1961 : i32
      %lt3A_1963 = arith.constant 0 : i32
      %lt3A_1964 = arith.cmpi slt, %rem3A_1960, %lt3A_1963 : i32
      %lt3A_1965 = arith.constant 0 : i32
      %lt3A_1966 = arith.cmpi slt, %select_n3A_1959, %lt3A_1965 : i32
      %ne3A_1967 = arith.xori %lt3A_1964, %lt3A_1966 : i1
      %and3A_1968 = arith.andi %ne3A_1967, %ne3A_1962 : i1
      %add3A_1969 = arith.addi %rem3A_1960, %select_n3A_1959 : i32
      %select_n3A_1970 = arith.select %and3A_1968, %add3A_1969, %rem3A_1960 : i32
      %dma_wait3A_1971 = arith.constant 0 : i32
      %dma_wait3A_1972 = tpu.memref_slice %arg3[%select_n3A_1954, %select_n3A_1970, %mul3A_1930, %dma_wait3A_1971] : memref<26x20x1024x128xf32, #tpu.memory_space<hbm>> -> memref<1x1x256x128xf32, #tpu.memory_space<hbm>>
      %dma_wait3A_1973 = tpu.memref_squeeze %dma_wait3A_1972 : memref<1x1x256x128xf32, #tpu.memory_space<hbm>> -> memref<256x128xf32, #tpu.memory_space<hbm>>
      %dma_wait3A_1974 = arith.constant 0 : i32
      %dma_wait3A_1975 = tpu.memref_slice %arg3[%select_n3A_1954, %select_n3A_1970, %mul3A_1930, %dma_wait3A_1974] : memref<26x20x1024x128xf32, #tpu.memory_space<hbm>> -> memref<1x1x256x128xf32, #tpu.memory_space<hbm>>
      %dma_wait3A_1976 = tpu.memref_squeeze %dma_wait3A_1975 : memref<1x1x256x128xf32, #tpu.memory_space<hbm>> -> memref<256x128xf32, #tpu.memory_space<hbm>>
      tpu.wait_dma2 semaphore(%arg8 : memref<!tpu.dma_semaphore, #tpu.memory_space<semaphore_mem>>) src(%arg6 : memref<256x128xf32, #tpu.memory_space<vmem>>) dst(%dma_wait3A_1976 : memref<256x128xf32, #tpu.memory_space<hbm>>)
      %sub3A_1977 = arith.constant 2 : i32
      %sub3A_1978 = arith.subi %add3A_1885, %sub3A_1977 : i32
      %mul3A_1979 = arith.constant 256 : i32
      %mul3A_1980 = arith.muli %sub3A_1978, %mul3A_1979 : i32
      %add3A_1981 = arith.addi %mul3A_34, %mul3A_1980 : i32
      %scan3A_1982 = arith.constant 0 : i32
      %scan3A_1983 = arith.constant 0 : i32
      %scan3A_1984 = arith.constant 16 : i32
      %scan3A_1985 = arith.addi %scan3A_1983, %scan3A_1984 : i32
      %scan3A_1986 = arith.constant 1 : i32
      scf.for %scan3A_2086 = %scan3A_1983 to %scan3A_1985 step %scan3A_1986  : i32 {
        %mul3A_2087 = arith.constant 16 : i32
        %mul3A_2088 = arith.muli %scan3A_2086, %mul3A_2087 : i32
        %add3A_2089 = arith.addi %add3A_1981, %mul3A_2088 : i32
        %get3A = arith.index_cast %add3A_2089 : i32 to index
        %get3A_2090 = tpu.vector_load %arg4[%get3A] {strides = array<i32>} : memref<17408xi32, #tpu.memory_space<vmem>>, vector<16xi32>,
        %mul3A_2091 = arith.constant 16 : i32
        %mul3A_2092 = arith.muli %scan3A_2086, %mul3A_2091 : i32
        %add3A_2093 = vector.broadcast %mul3A_2092 : i32 to vector<16xi32>
        %add3A_2094 = arith.addi %add3A_2093, %iota3A : vector<16xi32>
        tpu.vector_store_idx %arg6[%add3A_2094, %get3A_2090], %broadcast_in_dim3A_920 : memref<256x128xf32, #tpu.memory_space<vmem>>[vector<16xi32>, vector<16xi32>], vector<16xf32>,
      }
      %scan3A_1987 = arith.constant 16 : i32
      %mul3A_1988 = arith.constant 256 : i32
      %mul3A_1989 = arith.muli %add3A_1885, %mul3A_1988 : i32
      %add3A_1990 = arith.addi %mul3A_34, %mul3A_1989 : i32
      %scan3A_1991 = arith.constant 0 : i32
      %scan3A_1992 = arith.constant 0 : i32
      %scan3A_1993 = arith.constant 16 : i32
      %scan3A_1994 = arith.addi %scan3A_1992, %scan3A_1993 : i32
      %scan3A_1995 = arith.constant 1 : i32
      scf.for %scan3A_2086 = %scan3A_1992 to %scan3A_1994 step %scan3A_1995  : i32 {
        %mul3A_2087 = arith.constant 16 : i32
        %mul3A_2088 = arith.muli %scan3A_2086, %mul3A_2087 : i32
        %add3A_2089 = arith.addi %add3A_1990, %mul3A_2088 : i32
        %get3A = arith.index_cast %add3A_2089 : i32 to index
        %get3A_2090 = tpu.vector_load %arg4[%get3A] {strides = array<i32>} : memref<17408xi32, #tpu.memory_space<vmem>>, vector<16xi32>,
        %mul3A_2091 = arith.constant 16 : i32
        %mul3A_2092 = arith.muli %scan3A_2086, %mul3A_2091 : i32
        %add3A_2093 = vector.broadcast %mul3A_2092 : i32 to vector<16xi32>
        %add3A_2094 = arith.addi %add3A_2093, %iota3A : vector<16xi32>
        tpu.vector_store_idx %arg6[%add3A_2094, %get3A_2090], %broadcast_in_dim3A_918 : memref<256x128xf32, #tpu.memory_space<vmem>>[vector<16xi32>, vector<16xi32>], vector<16xf32>,
      }
      %scan3A_1996 = arith.constant 16 : i32
      %add3A_1997 = arith.addi %mul3A_2, %add3A_1885 : i32
      %jit3A_1998 = arith.constant 4 : i32
      %div3A_1999 = arith.divsi %add3A_1997, %jit3A_1998 : i32
      %sign3A_2000 = arith.constant 0 : i32
      %sign3A_2001 = arith.cmpi sgt, %add3A_1997, %sign3A_2000 : i32
      %sign3A_2002 = arith.extui %sign3A_2001 : i1 to i32
      %sign3A_2003 = arith.constant 0 : i32
      %sign3A_2004 = arith.cmpi slt, %add3A_1997, %sign3A_2003 : i32
      %sign3A_2005 = arith.extui %sign3A_2004 : i1 to i32
      %sign3A_2006 = arith.subi %sign3A_2002, %sign3A_2005 : i32
      %sign3A_2007 = arith.constant 0 : i32
      %sign3A_2008 = arith.cmpi sgt, %jit3A_1998, %sign3A_2007 : i32
      %sign3A_2009 = arith.extui %sign3A_2008 : i1 to i32
      %sign3A_2010 = arith.constant 0 : i32
      %sign3A_2011 = arith.cmpi slt, %jit3A_1998, %sign3A_2010 : i32
      %sign3A_2012 = arith.extui %sign3A_2011 : i1 to i32
      %sign3A_2013 = arith.subi %sign3A_2009, %sign3A_2012 : i32
      %ne3A_2014 = arith.cmpi ne, %sign3A_2006, %sign3A_2013 : i32
      %rem3A_2015 = arith.remsi %add3A_1997, %jit3A_1998 : i32
      %ne3A_2016 = arith.constant 0 : i32
      %ne3A_2017 = arith.cmpi ne, %rem3A_2015, %ne3A_2016 : i32
      %and3A_2018 = arith.andi %ne3A_2014, %ne3A_2017 : i1
      %sub3A_2019 = arith.constant 1 : i32
      %sub3A_2020 = arith.subi %div3A_1999, %sub3A_2019 : i32
      %select_n3A_2021 = arith.select %and3A_2018, %sub3A_2020, %div3A_1999 : i32
      %jit3A_2022 = arith.constant 4 : i32
      %eq3A_2023 = arith.constant 0 : i32
      %eq3A_2024 = arith.cmpi eq, %jit3A_2022, %eq3A_2023 : i32
      %jit3A_2025 = arith.constant 1 : i32
      %select_n3A_2026 = arith.select %eq3A_2024, %jit3A_2025, %jit3A_2022 : i32
      %rem3A_2027 = arith.remsi %add3A_1997, %select_n3A_2026 : i32
      %ne3A_2028 = arith.constant 0 : i32
      %ne3A_2029 = arith.cmpi ne, %rem3A_2027, %ne3A_2028 : i32
      %lt3A_2030 = arith.constant 0 : i32
      %lt3A_2031 = arith.cmpi slt, %rem3A_2027, %lt3A_2030 : i32
      %lt3A_2032 = arith.constant 0 : i32
      %lt3A_2033 = arith.cmpi slt, %select_n3A_2026, %lt3A_2032 : i32
      %ne3A_2034 = arith.xori %lt3A_2031, %lt3A_2033 : i1
      %and3A_2035 = arith.andi %ne3A_2034, %ne3A_2029 : i1
      %add3A_2036 = arith.addi %rem3A_2027, %select_n3A_2026 : i32
      %select_n3A_2037 = arith.select %and3A_2035, %add3A_2036, %rem3A_2027 : i32
      %mul3A_2038 = arith.constant 256 : i32
      %mul3A_2039 = arith.muli %select_n3A_2037, %mul3A_2038 : i32
      %jit3A_2040 = arith.constant 20 : i32
      %div3A_2041 = arith.divsi %select_n3A_2021, %jit3A_2040 : i32
      %sign3A_2042 = arith.constant 0 : i32
      %sign3A_2043 = arith.cmpi sgt, %select_n3A_2021, %sign3A_2042 : i32
      %sign3A_2044 = arith.extui %sign3A_2043 : i1 to i32
      %sign3A_2045 = arith.constant 0 : i32
      %sign3A_2046 = arith.cmpi slt, %select_n3A_2021, %sign3A_2045 : i32
      %sign3A_2047 = arith.extui %sign3A_2046 : i1 to i32
      %sign3A_2048 = arith.subi %sign3A_2044, %sign3A_2047 : i32
      %sign3A_2049 = arith.constant 0 : i32
      %sign3A_2050 = arith.cmpi sgt, %jit3A_2040, %sign3A_2049 : i32
      %sign3A_2051 = arith.extui %sign3A_2050 : i1 to i32
      %sign3A_2052 = arith.constant 0 : i32
      %sign3A_2053 = arith.cmpi slt, %jit3A_2040, %sign3A_2052 : i32
      %sign3A_2054 = arith.extui %sign3A_2053 : i1 to i32
      %sign3A_2055 = arith.subi %sign3A_2051, %sign3A_2054 : i32
      %ne3A_2056 = arith.cmpi ne, %sign3A_2048, %sign3A_2055 : i32
      %rem3A_2057 = arith.remsi %select_n3A_2021, %jit3A_2040 : i32
      %ne3A_2058 = arith.constant 0 : i32
      %ne3A_2059 = arith.cmpi ne, %rem3A_2057, %ne3A_2058 : i32
      %and3A_2060 = arith.andi %ne3A_2056, %ne3A_2059 : i1
      %sub3A_2061 = arith.constant 1 : i32
      %sub3A_2062 = arith.subi %div3A_2041, %sub3A_2061 : i32
      %select_n3A_2063 = arith.select %and3A_2060, %sub3A_2062, %div3A_2041 : i32
      %jit3A_2064 = arith.constant 20 : i32
      %eq3A_2065 = arith.constant 0 : i32
      %eq3A_2066 = arith.cmpi eq, %jit3A_2064, %eq3A_2065 : i32
      %jit3A_2067 = arith.constant 1 : i32
      %select_n3A_2068 = arith.select %eq3A_2066, %jit3A_2067, %jit3A_2064 : i32
      %rem3A_2069 = arith.remsi %select_n3A_2021, %select_n3A_2068 : i32
      %ne3A_2070 = arith.constant 0 : i32
      %ne3A_2071 = arith.cmpi ne, %rem3A_2069, %ne3A_2070 : i32
      %lt3A_2072 = arith.constant 0 : i32
      %lt3A_2073 = arith.cmpi slt, %rem3A_2069, %lt3A_2072 : i32
      %lt3A_2074 = arith.constant 0 : i32
      %lt3A_2075 = arith.cmpi slt, %select_n3A_2068, %lt3A_2074 : i32
      %ne3A_2076 = arith.xori %lt3A_2073, %lt3A_2075 : i1
      %and3A_2077 = arith.andi %ne3A_2076, %ne3A_2071 : i1
      %add3A_2078 = arith.addi %rem3A_2069, %select_n3A_2068 : i32
      %select_n3A_2079 = arith.select %and3A_2077, %add3A_2078, %rem3A_2069 : i32
      %dma_start3A_2080 = arith.constant 0 : i32
      %dma_start3A_2081 = tpu.memref_slice %arg3[%select_n3A_2063, %select_n3A_2079, %mul3A_2039, %dma_start3A_2080] : memref<26x20x1024x128xf32, #tpu.memory_space<hbm>> -> memref<1x1x256x128xf32, #tpu.memory_space<hbm>>
      %dma_start3A_2082 = tpu.memref_squeeze %dma_start3A_2081 : memref<1x1x256x128xf32, #tpu.memory_space<hbm>> -> memref<256x128xf32, #tpu.memory_space<hbm>>
      %dma_start3A_2083 = arith.constant 0 : i32
      %dma_start3A_2084 = tpu.memref_slice %arg3[%select_n3A_2063, %select_n3A_2079, %mul3A_2039, %dma_start3A_2083] : memref<26x20x1024x128xf32, #tpu.memory_space<hbm>> -> memref<1x1x256x128xf32, #tpu.memory_space<hbm>>
      %dma_start3A_2085 = tpu.memref_squeeze %dma_start3A_2084 : memref<1x1x256x128xf32, #tpu.memory_space<hbm>> -> memref<256x128xf32, #tpu.memory_space<hbm>>
      tpu.enqueue_dma source(%arg6 : memref<256x128xf32, #tpu.memory_space<vmem>>) target(%dma_start3A_2085 : memref<256x128xf32, #tpu.memory_space<hbm>>) target_semaphore(%arg8 : memref<!tpu.dma_semaphore, #tpu.memory_space<semaphore_mem>>)
    }
    %scan3A_1302 = arith.constant 31 : i32
    %add3A_1303 = arith.constant 62 : i32
    %add3A_1304 = arith.addi %mul3A_2, %add3A_1303 : i32
    %jit3A_1305 = arith.constant 4 : i32
    %div3A_1306 = arith.divsi %add3A_1304, %jit3A_1305 : i32
    %sign3A_1307 = arith.constant 0 : i32
    %sign3A_1308 = arith.cmpi sgt, %add3A_1304, %sign3A_1307 : i32
    %sign3A_1309 = arith.extui %sign3A_1308 : i1 to i32
    %sign3A_1310 = arith.constant 0 : i32
    %sign3A_1311 = arith.cmpi slt, %add3A_1304, %sign3A_1310 : i32
    %sign3A_1312 = arith.extui %sign3A_1311 : i1 to i32
    %sign3A_1313 = arith.subi %sign3A_1309, %sign3A_1312 : i32
    %sign3A_1314 = arith.constant 0 : i32
    %sign3A_1315 = arith.cmpi sgt, %jit3A_1305, %sign3A_1314 : i32
    %sign3A_1316 = arith.extui %sign3A_1315 : i1 to i32
    %sign3A_1317 = arith.constant 0 : i32
    %sign3A_1318 = arith.cmpi slt, %jit3A_1305, %sign3A_1317 : i32
    %sign3A_1319 = arith.extui %sign3A_1318 : i1 to i32
    %sign3A_1320 = arith.subi %sign3A_1316, %sign3A_1319 : i32
    %ne3A_1321 = arith.cmpi ne, %sign3A_1313, %sign3A_1320 : i32
    %rem3A_1322 = arith.remsi %add3A_1304, %jit3A_1305 : i32
    %ne3A_1323 = arith.constant 0 : i32
    %ne3A_1324 = arith.cmpi ne, %rem3A_1322, %ne3A_1323 : i32
    %and3A_1325 = arith.andi %ne3A_1321, %ne3A_1324 : i1
    %sub3A_1326 = arith.constant 1 : i32
    %sub3A_1327 = arith.subi %div3A_1306, %sub3A_1326 : i32
    %select_n3A_1328 = arith.select %and3A_1325, %sub3A_1327, %div3A_1306 : i32
    %jit3A_1329 = arith.constant 4 : i32
    %eq3A_1330 = arith.constant 0 : i32
    %eq3A_1331 = arith.cmpi eq, %jit3A_1329, %eq3A_1330 : i32
    %jit3A_1332 = arith.constant 1 : i32
    %select_n3A_1333 = arith.select %eq3A_1331, %jit3A_1332, %jit3A_1329 : i32
    %rem3A_1334 = arith.remsi %add3A_1304, %select_n3A_1333 : i32
    %ne3A_1335 = arith.constant 0 : i32
    %ne3A_1336 = arith.cmpi ne, %rem3A_1334, %ne3A_1335 : i32
    %lt3A_1337 = arith.constant 0 : i32
    %lt3A_1338 = arith.cmpi slt, %rem3A_1334, %lt3A_1337 : i32
    %lt3A_1339 = arith.constant 0 : i32
    %lt3A_1340 = arith.cmpi slt, %select_n3A_1333, %lt3A_1339 : i32
    %ne3A_1341 = arith.xori %lt3A_1338, %lt3A_1340 : i1
    %and3A_1342 = arith.andi %ne3A_1341, %ne3A_1336 : i1
    %add3A_1343 = arith.addi %rem3A_1334, %select_n3A_1333 : i32
    %select_n3A_1344 = arith.select %and3A_1342, %add3A_1343, %rem3A_1334 : i32
    %mul3A_1345 = arith.constant 256 : i32
    %mul3A_1346 = arith.muli %select_n3A_1344, %mul3A_1345 : i32
    %jit3A_1347 = arith.constant 20 : i32
    %div3A_1348 = arith.divsi %select_n3A_1328, %jit3A_1347 : i32
    %sign3A_1349 = arith.constant 0 : i32
    %sign3A_1350 = arith.cmpi sgt, %select_n3A_1328, %sign3A_1349 : i32
    %sign3A_1351 = arith.extui %sign3A_1350 : i1 to i32
    %sign3A_1352 = arith.constant 0 : i32
    %sign3A_1353 = arith.cmpi slt, %select_n3A_1328, %sign3A_1352 : i32
    %sign3A_1354 = arith.extui %sign3A_1353 : i1 to i32
    %sign3A_1355 = arith.subi %sign3A_1351, %sign3A_1354 : i32
    %sign3A_1356 = arith.constant 0 : i32
    %sign3A_1357 = arith.cmpi sgt, %jit3A_1347, %sign3A_1356 : i32
    %sign3A_1358 = arith.extui %sign3A_1357 : i1 to i32
    %sign3A_1359 = arith.constant 0 : i32
    %sign3A_1360 = arith.cmpi slt, %jit3A_1347, %sign3A_1359 : i32
    %sign3A_1361 = arith.extui %sign3A_1360 : i1 to i32
    %sign3A_1362 = arith.subi %sign3A_1358, %sign3A_1361 : i32
    %ne3A_1363 = arith.cmpi ne, %sign3A_1355, %sign3A_1362 : i32
    %rem3A_1364 = arith.remsi %select_n3A_1328, %jit3A_1347 : i32
    %ne3A_1365 = arith.constant 0 : i32
    %ne3A_1366 = arith.cmpi ne, %rem3A_1364, %ne3A_1365 : i32
    %and3A_1367 = arith.andi %ne3A_1363, %ne3A_1366 : i1
    %sub3A_1368 = arith.constant 1 : i32
    %sub3A_1369 = arith.subi %div3A_1348, %sub3A_1368 : i32
    %select_n3A_1370 = arith.select %and3A_1367, %sub3A_1369, %div3A_1348 : i32
    %jit3A_1371 = arith.constant 20 : i32
    %eq3A_1372 = arith.constant 0 : i32
    %eq3A_1373 = arith.cmpi eq, %jit3A_1371, %eq3A_1372 : i32
    %jit3A_1374 = arith.constant 1 : i32
    %select_n3A_1375 = arith.select %eq3A_1373, %jit3A_1374, %jit3A_1371 : i32
    %rem3A_1376 = arith.remsi %select_n3A_1328, %select_n3A_1375 : i32
    %ne3A_1377 = arith.constant 0 : i32
    %ne3A_1378 = arith.cmpi ne, %rem3A_1376, %ne3A_1377 : i32
    %lt3A_1379 = arith.constant 0 : i32
    %lt3A_1380 = arith.cmpi slt, %rem3A_1376, %lt3A_1379 : i32
    %lt3A_1381 = arith.constant 0 : i32
    %lt3A_1382 = arith.cmpi slt, %select_n3A_1375, %lt3A_1381 : i32
    %ne3A_1383 = arith.xori %lt3A_1380, %lt3A_1382 : i1
    %and3A_1384 = arith.andi %ne3A_1383, %ne3A_1378 : i1
    %add3A_1385 = arith.addi %rem3A_1376, %select_n3A_1375 : i32
    %select_n3A_1386 = arith.select %and3A_1384, %add3A_1385, %rem3A_1376 : i32
    %dma_wait3A_1387 = arith.constant 0 : i32
    %dma_wait3A_1388 = tpu.memref_slice %arg3[%select_n3A_1370, %select_n3A_1386, %mul3A_1346, %dma_wait3A_1387] : memref<26x20x1024x128xf32, #tpu.memory_space<hbm>> -> memref<1x1x256x128xf32, #tpu.memory_space<hbm>>
    %dma_wait3A_1389 = tpu.memref_squeeze %dma_wait3A_1388 : memref<1x1x256x128xf32, #tpu.memory_space<hbm>> -> memref<256x128xf32, #tpu.memory_space<hbm>>
    %dma_wait3A_1390 = arith.constant 0 : i32
    %dma_wait3A_1391 = tpu.memref_slice %arg3[%select_n3A_1370, %select_n3A_1386, %mul3A_1346, %dma_wait3A_1390] : memref<26x20x1024x128xf32, #tpu.memory_space<hbm>> -> memref<1x1x256x128xf32, #tpu.memory_space<hbm>>
    %dma_wait3A_1392 = tpu.memref_squeeze %dma_wait3A_1391 : memref<1x1x256x128xf32, #tpu.memory_space<hbm>> -> memref<256x128xf32, #tpu.memory_space<hbm>>
    tpu.wait_dma2 semaphore(%arg7 : memref<!tpu.dma_semaphore, #tpu.memory_space<semaphore_mem>>) src(%arg5 : memref<256x128xf32, #tpu.memory_space<vmem>>) dst(%dma_wait3A_1392 : memref<256x128xf32, #tpu.memory_space<hbm>>)
    %add3A_1393 = arith.constant 15872 : i32
    %add3A_1394 = arith.addi %mul3A_34, %add3A_1393 : i32
    %scan3A_1395 = arith.constant 0 : i32
    %scan3A_1396 = arith.constant 0 : i32
    %scan3A_1397 = arith.constant 16 : i32
    %scan3A_1398 = arith.addi %scan3A_1396, %scan3A_1397 : i32
    %scan3A_1399 = arith.constant 1 : i32
    scf.for %scan3A_1679 = %scan3A_1396 to %scan3A_1398 step %scan3A_1399  : i32 {
      %mul3A_1680 = arith.constant 16 : i32
      %mul3A_1681 = arith.muli %scan3A_1679, %mul3A_1680 : i32
      %add3A_1682 = arith.addi %add3A_1394, %mul3A_1681 : i32
      %get3A = arith.index_cast %add3A_1682 : i32 to index
      %get3A_1683 = tpu.vector_load %arg4[%get3A] {strides = array<i32>} : memref<17408xi32, #tpu.memory_space<vmem>>, vector<16xi32>,
      %mul3A_1684 = arith.constant 16 : i32
      %mul3A_1685 = arith.muli %scan3A_1679, %mul3A_1684 : i32
      %add3A_1686 = vector.broadcast %mul3A_1685 : i32 to vector<16xi32>
      %add3A_1687 = arith.addi %add3A_1686, %iota3A : vector<16xi32>
      tpu.vector_store_idx %arg5[%add3A_1687, %get3A_1683], %broadcast_in_dim3A_920 : memref<256x128xf32, #tpu.memory_space<vmem>>[vector<16xi32>, vector<16xi32>], vector<16xf32>,
    }
    %scan3A_1400 = arith.constant 16 : i32
    %add3A_1401 = arith.constant 16384 : i32
    %add3A_1402 = arith.addi %mul3A_34, %add3A_1401 : i32
    %scan3A_1403 = arith.constant 0 : i32
    %scan3A_1404 = arith.constant 0 : i32
    %scan3A_1405 = arith.constant 16 : i32
    %scan3A_1406 = arith.addi %scan3A_1404, %scan3A_1405 : i32
    %scan3A_1407 = arith.constant 1 : i32
    scf.for %scan3A_1679 = %scan3A_1404 to %scan3A_1406 step %scan3A_1407  : i32 {
      %mul3A_1680 = arith.constant 16 : i32
      %mul3A_1681 = arith.muli %scan3A_1679, %mul3A_1680 : i32
      %add3A_1682 = arith.addi %add3A_1402, %mul3A_1681 : i32
      %get3A = arith.index_cast %add3A_1682 : i32 to index
      %get3A_1683 = tpu.vector_load %arg4[%get3A] {strides = array<i32>} : memref<17408xi32, #tpu.memory_space<vmem>>, vector<16xi32>,
      %mul3A_1684 = arith.constant 16 : i32
      %mul3A_1685 = arith.muli %scan3A_1679, %mul3A_1684 : i32
      %add3A_1686 = vector.broadcast %mul3A_1685 : i32 to vector<16xi32>
      %add3A_1687 = arith.addi %add3A_1686, %iota3A : vector<16xi32>
      tpu.vector_store_idx %arg5[%add3A_1687, %get3A_1683], %broadcast_in_dim3A_918 : memref<256x128xf32, #tpu.memory_space<vmem>>[vector<16xi32>, vector<16xi32>], vector<16xf32>,
    }
    %scan3A_1408 = arith.constant 16 : i32
    %add3A_1409 = arith.constant 64 : i32
    %add3A_1410 = arith.addi %mul3A_2, %add3A_1409 : i32
    %jit3A_1411 = arith.constant 4 : i32
    %div3A_1412 = arith.divsi %add3A_1410, %jit3A_1411 : i32
    %sign3A_1413 = arith.constant 0 : i32
    %sign3A_1414 = arith.cmpi sgt, %add3A_1410, %sign3A_1413 : i32
    %sign3A_1415 = arith.extui %sign3A_1414 : i1 to i32
    %sign3A_1416 = arith.constant 0 : i32
    %sign3A_1417 = arith.cmpi slt, %add3A_1410, %sign3A_1416 : i32
    %sign3A_1418 = arith.extui %sign3A_1417 : i1 to i32
    %sign3A_1419 = arith.subi %sign3A_1415, %sign3A_1418 : i32
    %sign3A_1420 = arith.constant 0 : i32
    %sign3A_1421 = arith.cmpi sgt, %jit3A_1411, %sign3A_1420 : i32
    %sign3A_1422 = arith.extui %sign3A_1421 : i1 to i32
    %sign3A_1423 = arith.constant 0 : i32
    %sign3A_1424 = arith.cmpi slt, %jit3A_1411, %sign3A_1423 : i32
    %sign3A_1425 = arith.extui %sign3A_1424 : i1 to i32
    %sign3A_1426 = arith.subi %sign3A_1422, %sign3A_1425 : i32
    %ne3A_1427 = arith.cmpi ne, %sign3A_1419, %sign3A_1426 : i32
    %rem3A_1428 = arith.remsi %add3A_1410, %jit3A_1411 : i32
    %ne3A_1429 = arith.constant 0 : i32
    %ne3A_1430 = arith.cmpi ne, %rem3A_1428, %ne3A_1429 : i32
    %and3A_1431 = arith.andi %ne3A_1427, %ne3A_1430 : i1
    %sub3A_1432 = arith.constant 1 : i32
    %sub3A_1433 = arith.subi %div3A_1412, %sub3A_1432 : i32
    %select_n3A_1434 = arith.select %and3A_1431, %sub3A_1433, %div3A_1412 : i32
    %jit3A_1435 = arith.constant 4 : i32
    %eq3A_1436 = arith.constant 0 : i32
    %eq3A_1437 = arith.cmpi eq, %jit3A_1435, %eq3A_1436 : i32
    %jit3A_1438 = arith.constant 1 : i32
    %select_n3A_1439 = arith.select %eq3A_1437, %jit3A_1438, %jit3A_1435 : i32
    %rem3A_1440 = arith.remsi %add3A_1410, %select_n3A_1439 : i32
    %ne3A_1441 = arith.constant 0 : i32
    %ne3A_1442 = arith.cmpi ne, %rem3A_1440, %ne3A_1441 : i32
    %lt3A_1443 = arith.constant 0 : i32
    %lt3A_1444 = arith.cmpi slt, %rem3A_1440, %lt3A_1443 : i32
    %lt3A_1445 = arith.constant 0 : i32
    %lt3A_1446 = arith.cmpi slt, %select_n3A_1439, %lt3A_1445 : i32
    %ne3A_1447 = arith.xori %lt3A_1444, %lt3A_1446 : i1
    %and3A_1448 = arith.andi %ne3A_1447, %ne3A_1442 : i1
    %add3A_1449 = arith.addi %rem3A_1440, %select_n3A_1439 : i32
    %select_n3A_1450 = arith.select %and3A_1448, %add3A_1449, %rem3A_1440 : i32
    %mul3A_1451 = arith.constant 256 : i32
    %mul3A_1452 = arith.muli %select_n3A_1450, %mul3A_1451 : i32
    %jit3A_1453 = arith.constant 20 : i32
    %div3A_1454 = arith.divsi %select_n3A_1434, %jit3A_1453 : i32
    %sign3A_1455 = arith.constant 0 : i32
    %sign3A_1456 = arith.cmpi sgt, %select_n3A_1434, %sign3A_1455 : i32
    %sign3A_1457 = arith.extui %sign3A_1456 : i1 to i32
    %sign3A_1458 = arith.constant 0 : i32
    %sign3A_1459 = arith.cmpi slt, %select_n3A_1434, %sign3A_1458 : i32
    %sign3A_1460 = arith.extui %sign3A_1459 : i1 to i32
    %sign3A_1461 = arith.subi %sign3A_1457, %sign3A_1460 : i32
    %sign3A_1462 = arith.constant 0 : i32
    %sign3A_1463 = arith.cmpi sgt, %jit3A_1453, %sign3A_1462 : i32
    %sign3A_1464 = arith.extui %sign3A_1463 : i1 to i32
    %sign3A_1465 = arith.constant 0 : i32
    %sign3A_1466 = arith.cmpi slt, %jit3A_1453, %sign3A_1465 : i32
    %sign3A_1467 = arith.extui %sign3A_1466 : i1 to i32
    %sign3A_1468 = arith.subi %sign3A_1464, %sign3A_1467 : i32
    %ne3A_1469 = arith.cmpi ne, %sign3A_1461, %sign3A_1468 : i32
    %rem3A_1470 = arith.remsi %select_n3A_1434, %jit3A_1453 : i32
    %ne3A_1471 = arith.constant 0 : i32
    %ne3A_1472 = arith.cmpi ne, %rem3A_1470, %ne3A_1471 : i32
    %and3A_1473 = arith.andi %ne3A_1469, %ne3A_1472 : i1
    %sub3A_1474 = arith.constant 1 : i32
    %sub3A_1475 = arith.subi %div3A_1454, %sub3A_1474 : i32
    %select_n3A_1476 = arith.select %and3A_1473, %sub3A_1475, %div3A_1454 : i32
    %jit3A_1477 = arith.constant 20 : i32
    %eq3A_1478 = arith.constant 0 : i32
    %eq3A_1479 = arith.cmpi eq, %jit3A_1477, %eq3A_1478 : i32
    %jit3A_1480 = arith.constant 1 : i32
    %select_n3A_1481 = arith.select %eq3A_1479, %jit3A_1480, %jit3A_1477 : i32
    %rem3A_1482 = arith.remsi %select_n3A_1434, %select_n3A_1481 : i32
    %ne3A_1483 = arith.constant 0 : i32
    %ne3A_1484 = arith.cmpi ne, %rem3A_1482, %ne3A_1483 : i32
    %lt3A_1485 = arith.constant 0 : i32
    %lt3A_1486 = arith.cmpi slt, %rem3A_1482, %lt3A_1485 : i32
    %lt3A_1487 = arith.constant 0 : i32
    %lt3A_1488 = arith.cmpi slt, %select_n3A_1481, %lt3A_1487 : i32
    %ne3A_1489 = arith.xori %lt3A_1486, %lt3A_1488 : i1
    %and3A_1490 = arith.andi %ne3A_1489, %ne3A_1484 : i1
    %add3A_1491 = arith.addi %rem3A_1482, %select_n3A_1481 : i32
    %select_n3A_1492 = arith.select %and3A_1490, %add3A_1491, %rem3A_1482 : i32
    %dma_start3A_1493 = arith.constant 0 : i32
    %dma_start3A_1494 = tpu.memref_slice %arg3[%select_n3A_1476, %select_n3A_1492, %mul3A_1452, %dma_start3A_1493] : memref<26x20x1024x128xf32, #tpu.memory_space<hbm>> -> memref<1x1x256x128xf32, #tpu.memory_space<hbm>>
    %dma_start3A_1495 = tpu.memref_squeeze %dma_start3A_1494 : memref<1x1x256x128xf32, #tpu.memory_space<hbm>> -> memref<256x128xf32, #tpu.memory_space<hbm>>
    %dma_start3A_1496 = arith.constant 0 : i32
    %dma_start3A_1497 = tpu.memref_slice %arg3[%select_n3A_1476, %select_n3A_1492, %mul3A_1452, %dma_start3A_1496] : memref<26x20x1024x128xf32, #tpu.memory_space<hbm>> -> memref<1x1x256x128xf32, #tpu.memory_space<hbm>>
    %dma_start3A_1498 = tpu.memref_squeeze %dma_start3A_1497 : memref<1x1x256x128xf32, #tpu.memory_space<hbm>> -> memref<256x128xf32, #tpu.memory_space<hbm>>
    tpu.enqueue_dma source(%arg5 : memref<256x128xf32, #tpu.memory_space<vmem>>) target(%dma_start3A_1498 : memref<256x128xf32, #tpu.memory_space<hbm>>) target_semaphore(%arg7 : memref<!tpu.dma_semaphore, #tpu.memory_space<semaphore_mem>>)
    %add3A_1499 = arith.constant 63 : i32
    %add3A_1500 = arith.addi %mul3A_2, %add3A_1499 : i32
    %jit3A_1501 = arith.constant 4 : i32
    %div3A_1502 = arith.divsi %add3A_1500, %jit3A_1501 : i32
    %sign3A_1503 = arith.constant 0 : i32
    %sign3A_1504 = arith.cmpi sgt, %add3A_1500, %sign3A_1503 : i32
    %sign3A_1505 = arith.extui %sign3A_1504 : i1 to i32
    %sign3A_1506 = arith.constant 0 : i32
    %sign3A_1507 = arith.cmpi slt, %add3A_1500, %sign3A_1506 : i32
    %sign3A_1508 = arith.extui %sign3A_1507 : i1 to i32
    %sign3A_1509 = arith.subi %sign3A_1505, %sign3A_1508 : i32
    %sign3A_1510 = arith.constant 0 : i32
    %sign3A_1511 = arith.cmpi sgt, %jit3A_1501, %sign3A_1510 : i32
    %sign3A_1512 = arith.extui %sign3A_1511 : i1 to i32
    %sign3A_1513 = arith.constant 0 : i32
    %sign3A_1514 = arith.cmpi slt, %jit3A_1501, %sign3A_1513 : i32
    %sign3A_1515 = arith.extui %sign3A_1514 : i1 to i32
    %sign3A_1516 = arith.subi %sign3A_1512, %sign3A_1515 : i32
    %ne3A_1517 = arith.cmpi ne, %sign3A_1509, %sign3A_1516 : i32
    %rem3A_1518 = arith.remsi %add3A_1500, %jit3A_1501 : i32
    %ne3A_1519 = arith.constant 0 : i32
    %ne3A_1520 = arith.cmpi ne, %rem3A_1518, %ne3A_1519 : i32
    %and3A_1521 = arith.andi %ne3A_1517, %ne3A_1520 : i1
    %sub3A_1522 = arith.constant 1 : i32
    %sub3A_1523 = arith.subi %div3A_1502, %sub3A_1522 : i32
    %select_n3A_1524 = arith.select %and3A_1521, %sub3A_1523, %div3A_1502 : i32
    %jit3A_1525 = arith.constant 4 : i32
    %eq3A_1526 = arith.constant 0 : i32
    %eq3A_1527 = arith.cmpi eq, %jit3A_1525, %eq3A_1526 : i32
    %jit3A_1528 = arith.constant 1 : i32
    %select_n3A_1529 = arith.select %eq3A_1527, %jit3A_1528, %jit3A_1525 : i32
    %rem3A_1530 = arith.remsi %add3A_1500, %select_n3A_1529 : i32
    %ne3A_1531 = arith.constant 0 : i32
    %ne3A_1532 = arith.cmpi ne, %rem3A_1530, %ne3A_1531 : i32
    %lt3A_1533 = arith.constant 0 : i32
    %lt3A_1534 = arith.cmpi slt, %rem3A_1530, %lt3A_1533 : i32
    %lt3A_1535 = arith.constant 0 : i32
    %lt3A_1536 = arith.cmpi slt, %select_n3A_1529, %lt3A_1535 : i32
    %ne3A_1537 = arith.xori %lt3A_1534, %lt3A_1536 : i1
    %and3A_1538 = arith.andi %ne3A_1537, %ne3A_1532 : i1
    %add3A_1539 = arith.addi %rem3A_1530, %select_n3A_1529 : i32
    %select_n3A_1540 = arith.select %and3A_1538, %add3A_1539, %rem3A_1530 : i32
    %mul3A_1541 = arith.constant 256 : i32
    %mul3A_1542 = arith.muli %select_n3A_1540, %mul3A_1541 : i32
    %jit3A_1543 = arith.constant 20 : i32
    %div3A_1544 = arith.divsi %select_n3A_1524, %jit3A_1543 : i32
    %sign3A_1545 = arith.constant 0 : i32
    %sign3A_1546 = arith.cmpi sgt, %select_n3A_1524, %sign3A_1545 : i32
    %sign3A_1547 = arith.extui %sign3A_1546 : i1 to i32
    %sign3A_1548 = arith.constant 0 : i32
    %sign3A_1549 = arith.cmpi slt, %select_n3A_1524, %sign3A_1548 : i32
    %sign3A_1550 = arith.extui %sign3A_1549 : i1 to i32
    %sign3A_1551 = arith.subi %sign3A_1547, %sign3A_1550 : i32
    %sign3A_1552 = arith.constant 0 : i32
    %sign3A_1553 = arith.cmpi sgt, %jit3A_1543, %sign3A_1552 : i32
    %sign3A_1554 = arith.extui %sign3A_1553 : i1 to i32
    %sign3A_1555 = arith.constant 0 : i32
    %sign3A_1556 = arith.cmpi slt, %jit3A_1543, %sign3A_1555 : i32
    %sign3A_1557 = arith.extui %sign3A_1556 : i1 to i32
    %sign3A_1558 = arith.subi %sign3A_1554, %sign3A_1557 : i32
    %ne3A_1559 = arith.cmpi ne, %sign3A_1551, %sign3A_1558 : i32
    %rem3A_1560 = arith.remsi %select_n3A_1524, %jit3A_1543 : i32
    %ne3A_1561 = arith.constant 0 : i32
    %ne3A_1562 = arith.cmpi ne, %rem3A_1560, %ne3A_1561 : i32
    %and3A_1563 = arith.andi %ne3A_1559, %ne3A_1562 : i1
    %sub3A_1564 = arith.constant 1 : i32
    %sub3A_1565 = arith.subi %div3A_1544, %sub3A_1564 : i32
    %select_n3A_1566 = arith.select %and3A_1563, %sub3A_1565, %div3A_1544 : i32
    %jit3A_1567 = arith.constant 20 : i32
    %eq3A_1568 = arith.constant 0 : i32
    %eq3A_1569 = arith.cmpi eq, %jit3A_1567, %eq3A_1568 : i32
    %jit3A_1570 = arith.constant 1 : i32
    %select_n3A_1571 = arith.select %eq3A_1569, %jit3A_1570, %jit3A_1567 : i32
    %rem3A_1572 = arith.remsi %select_n3A_1524, %select_n3A_1571 : i32
    %ne3A_1573 = arith.constant 0 : i32
    %ne3A_1574 = arith.cmpi ne, %rem3A_1572, %ne3A_1573 : i32
    %lt3A_1575 = arith.constant 0 : i32
    %lt3A_1576 = arith.cmpi slt, %rem3A_1572, %lt3A_1575 : i32
    %lt3A_1577 = arith.constant 0 : i32
    %lt3A_1578 = arith.cmpi slt, %select_n3A_1571, %lt3A_1577 : i32
    %ne3A_1579 = arith.xori %lt3A_1576, %lt3A_1578 : i1
    %and3A_1580 = arith.andi %ne3A_1579, %ne3A_1574 : i1
    %add3A_1581 = arith.addi %rem3A_1572, %select_n3A_1571 : i32
    %select_n3A_1582 = arith.select %and3A_1580, %add3A_1581, %rem3A_1572 : i32
    %dma_wait3A_1583 = arith.constant 0 : i32
    %dma_wait3A_1584 = tpu.memref_slice %arg3[%select_n3A_1566, %select_n3A_1582, %mul3A_1542, %dma_wait3A_1583] : memref<26x20x1024x128xf32, #tpu.memory_space<hbm>> -> memref<1x1x256x128xf32, #tpu.memory_space<hbm>>
    %dma_wait3A_1585 = tpu.memref_squeeze %dma_wait3A_1584 : memref<1x1x256x128xf32, #tpu.memory_space<hbm>> -> memref<256x128xf32, #tpu.memory_space<hbm>>
    %dma_wait3A_1586 = arith.constant 0 : i32
    %dma_wait3A_1587 = tpu.memref_slice %arg3[%select_n3A_1566, %select_n3A_1582, %mul3A_1542, %dma_wait3A_1586] : memref<26x20x1024x128xf32, #tpu.memory_space<hbm>> -> memref<1x1x256x128xf32, #tpu.memory_space<hbm>>
    %dma_wait3A_1588 = tpu.memref_squeeze %dma_wait3A_1587 : memref<1x1x256x128xf32, #tpu.memory_space<hbm>> -> memref<256x128xf32, #tpu.memory_space<hbm>>
    tpu.wait_dma2 semaphore(%arg8 : memref<!tpu.dma_semaphore, #tpu.memory_space<semaphore_mem>>) src(%arg6 : memref<256x128xf32, #tpu.memory_space<vmem>>) dst(%dma_wait3A_1588 : memref<256x128xf32, #tpu.memory_space<hbm>>)
    %add3A_1589 = arith.constant 64 : i32
    %add3A_1590 = arith.addi %mul3A_2, %add3A_1589 : i32
    %jit3A_1591 = arith.constant 4 : i32
    %div3A_1592 = arith.divsi %add3A_1590, %jit3A_1591 : i32
    %sign3A_1593 = arith.constant 0 : i32
    %sign3A_1594 = arith.cmpi sgt, %add3A_1590, %sign3A_1593 : i32
    %sign3A_1595 = arith.extui %sign3A_1594 : i1 to i32
    %sign3A_1596 = arith.constant 0 : i32
    %sign3A_1597 = arith.cmpi slt, %add3A_1590, %sign3A_1596 : i32
    %sign3A_1598 = arith.extui %sign3A_1597 : i1 to i32
    %sign3A_1599 = arith.subi %sign3A_1595, %sign3A_1598 : i32
    %sign3A_1600 = arith.constant 0 : i32
    %sign3A_1601 = arith.cmpi sgt, %jit3A_1591, %sign3A_1600 : i32
    %sign3A_1602 = arith.extui %sign3A_1601 : i1 to i32
    %sign3A_1603 = arith.constant 0 : i32
    %sign3A_1604 = arith.cmpi slt, %jit3A_1591, %sign3A_1603 : i32
    %sign3A_1605 = arith.extui %sign3A_1604 : i1 to i32
    %sign3A_1606 = arith.subi %sign3A_1602, %sign3A_1605 : i32
    %ne3A_1607 = arith.cmpi ne, %sign3A_1599, %sign3A_1606 : i32
    %rem3A_1608 = arith.remsi %add3A_1590, %jit3A_1591 : i32
    %ne3A_1609 = arith.constant 0 : i32
    %ne3A_1610 = arith.cmpi ne, %rem3A_1608, %ne3A_1609 : i32
    %and3A_1611 = arith.andi %ne3A_1607, %ne3A_1610 : i1
    %sub3A_1612 = arith.constant 1 : i32
    %sub3A_1613 = arith.subi %div3A_1592, %sub3A_1612 : i32
    %select_n3A_1614 = arith.select %and3A_1611, %sub3A_1613, %div3A_1592 : i32
    %jit3A_1615 = arith.constant 4 : i32
    %eq3A_1616 = arith.constant 0 : i32
    %eq3A_1617 = arith.cmpi eq, %jit3A_1615, %eq3A_1616 : i32
    %jit3A_1618 = arith.constant 1 : i32
    %select_n3A_1619 = arith.select %eq3A_1617, %jit3A_1618, %jit3A_1615 : i32
    %rem3A_1620 = arith.remsi %add3A_1590, %select_n3A_1619 : i32
    %ne3A_1621 = arith.constant 0 : i32
    %ne3A_1622 = arith.cmpi ne, %rem3A_1620, %ne3A_1621 : i32
    %lt3A_1623 = arith.constant 0 : i32
    %lt3A_1624 = arith.cmpi slt, %rem3A_1620, %lt3A_1623 : i32
    %lt3A_1625 = arith.constant 0 : i32
    %lt3A_1626 = arith.cmpi slt, %select_n3A_1619, %lt3A_1625 : i32
    %ne3A_1627 = arith.xori %lt3A_1624, %lt3A_1626 : i1
    %and3A_1628 = arith.andi %ne3A_1627, %ne3A_1622 : i1
    %add3A_1629 = arith.addi %rem3A_1620, %select_n3A_1619 : i32
    %select_n3A_1630 = arith.select %and3A_1628, %add3A_1629, %rem3A_1620 : i32
    %mul3A_1631 = arith.constant 256 : i32
    %mul3A_1632 = arith.muli %select_n3A_1630, %mul3A_1631 : i32
    %jit3A_1633 = arith.constant 20 : i32
    %div3A_1634 = arith.divsi %select_n3A_1614, %jit3A_1633 : i32
    %sign3A_1635 = arith.constant 0 : i32
    %sign3A_1636 = arith.cmpi sgt, %select_n3A_1614, %sign3A_1635 : i32
    %sign3A_1637 = arith.extui %sign3A_1636 : i1 to i32
    %sign3A_1638 = arith.constant 0 : i32
    %sign3A_1639 = arith.cmpi slt, %select_n3A_1614, %sign3A_1638 : i32
    %sign3A_1640 = arith.extui %sign3A_1639 : i1 to i32
    %sign3A_1641 = arith.subi %sign3A_1637, %sign3A_1640 : i32
    %sign3A_1642 = arith.constant 0 : i32
    %sign3A_1643 = arith.cmpi sgt, %jit3A_1633, %sign3A_1642 : i32
    %sign3A_1644 = arith.extui %sign3A_1643 : i1 to i32
    %sign3A_1645 = arith.constant 0 : i32
    %sign3A_1646 = arith.cmpi slt, %jit3A_1633, %sign3A_1645 : i32
    %sign3A_1647 = arith.extui %sign3A_1646 : i1 to i32
    %sign3A_1648 = arith.subi %sign3A_1644, %sign3A_1647 : i32
    %ne3A_1649 = arith.cmpi ne, %sign3A_1641, %sign3A_1648 : i32
    %rem3A_1650 = arith.remsi %select_n3A_1614, %jit3A_1633 : i32
    %ne3A_1651 = arith.constant 0 : i32
    %ne3A_1652 = arith.cmpi ne, %rem3A_1650, %ne3A_1651 : i32
    %and3A_1653 = arith.andi %ne3A_1649, %ne3A_1652 : i1
    %sub3A_1654 = arith.constant 1 : i32
    %sub3A_1655 = arith.subi %div3A_1634, %sub3A_1654 : i32
    %select_n3A_1656 = arith.select %and3A_1653, %sub3A_1655, %div3A_1634 : i32
    %jit3A_1657 = arith.constant 20 : i32
    %eq3A_1658 = arith.constant 0 : i32
    %eq3A_1659 = arith.cmpi eq, %jit3A_1657, %eq3A_1658 : i32
    %jit3A_1660 = arith.constant 1 : i32
    %select_n3A_1661 = arith.select %eq3A_1659, %jit3A_1660, %jit3A_1657 : i32
    %rem3A_1662 = arith.remsi %select_n3A_1614, %select_n3A_1661 : i32
    %ne3A_1663 = arith.constant 0 : i32
    %ne3A_1664 = arith.cmpi ne, %rem3A_1662, %ne3A_1663 : i32
    %lt3A_1665 = arith.constant 0 : i32
    %lt3A_1666 = arith.cmpi slt, %rem3A_1662, %lt3A_1665 : i32
    %lt3A_1667 = arith.constant 0 : i32
    %lt3A_1668 = arith.cmpi slt, %select_n3A_1661, %lt3A_1667 : i32
    %ne3A_1669 = arith.xori %lt3A_1666, %lt3A_1668 : i1
    %and3A_1670 = arith.andi %ne3A_1669, %ne3A_1664 : i1
    %add3A_1671 = arith.addi %rem3A_1662, %select_n3A_1661 : i32
    %select_n3A_1672 = arith.select %and3A_1670, %add3A_1671, %rem3A_1662 : i32
    %dma_wait3A_1673 = arith.constant 0 : i32
    %dma_wait3A_1674 = tpu.memref_slice %arg3[%select_n3A_1656, %select_n3A_1672, %mul3A_1632, %dma_wait3A_1673] : memref<26x20x1024x128xf32, #tpu.memory_space<hbm>> -> memref<1x1x256x128xf32, #tpu.memory_space<hbm>>
    %dma_wait3A_1675 = tpu.memref_squeeze %dma_wait3A_1674 : memref<1x1x256x128xf32, #tpu.memory_space<hbm>> -> memref<256x128xf32, #tpu.memory_space<hbm>>
    %dma_wait3A_1676 = arith.constant 0 : i32
    %dma_wait3A_1677 = tpu.memref_slice %arg3[%select_n3A_1656, %select_n3A_1672, %mul3A_1632, %dma_wait3A_1676] : memref<26x20x1024x128xf32, #tpu.memory_space<hbm>> -> memref<1x1x256x128xf32, #tpu.memory_space<hbm>>
    %dma_wait3A_1678 = tpu.memref_squeeze %dma_wait3A_1677 : memref<1x1x256x128xf32, #tpu.memory_space<hbm>> -> memref<256x128xf32, #tpu.memory_space<hbm>>
    tpu.wait_dma2 semaphore(%arg7 : memref<!tpu.dma_semaphore, #tpu.memory_space<semaphore_mem>>) src(%arg5 : memref<256x128xf32, #tpu.memory_space<vmem>>) dst(%dma_wait3A_1678 : memref<256x128xf32, #tpu.memory_space<hbm>>)
    return
  }
}

</mosaic_0001>

<sc_bundles>
// kernel: kernel.3.cloned.1.call-start
scs
__scs_entry_jumppad:
0x0: {  	(pc) =	sbr.rel $0x88, $3  }
0x1: {  	(tag) =	ssettag $0x0;
	lr =	simm.s32 $0x1  }
0x2: {  	[smem:$0x3FA0] =	sst lr;
	_ =	strace $0xD0000000  }
0x3: {  	_ = 	snop  }
0x4: {  	_ = 	snop  }
0x5: {  	_ = 	snop  }
0x6: {  	_ = 	snop  }
0x7: {  	_ = 	snop  }
__scs_overlays_trampoline_lowered:
0x8: {  	[smem:$0x3FAF] =	sst s0  }
0x9: {  	[smem:$0x3FB0] =	sst s1  }
0xa: {  	[smem:$0x3FB1] =	sst s2  }
0xb: {  	[smem:$0x3FB2] =	sst s3  }
0xc: {  	[smem:$0x3FB3] =	sst s4  }
0xd: {  	[smem:$0x3FB4] =	sst s5  }
0xe: {  	[smem:$0x3FB5] =	sst s6  }
0xf: {  	[smem:$0x3FB6] =	sst s7  }
0x10: {  	[smem:$0x3FB7] =	sst s8  }
0x11: {  	[smem:$0x3FB8] =	sst s9;
	s0 =	simm.s32 @!p0 $0x0  }
0x12: {  	s1 =	sld [smem:$0x3F9E];
	s0 =	simm.s32 @p0 $0x1  }
0x13: {  	[smem:$0x3FB9] =	sst s0;
	s0 =	simm.s32 @!p1 $0x0  }
0x14: {  	s2 =	sld [smem:$0x3F9D];
	s0 =	simm.s32 @p1 $0x1  }
0x15: {  	[smem:$0x3FBA] =	sst s0;
	s0 =	simm.s32 @!p2 $0x0  }
0x16: {  	s3 =	sld [smem:$0x3FDB];
	s0 =	simm.s32 @p2 $0x1  }
0x17: {  	s4 =	simm.s32 $0x1BF5;
	[smem:$0x3FBC] =	sst s0  }
0x18: {  	s0 =	sld [smem:$0x3F9F];
	_ =	swait.ge [sflag:s4], $0x0  }
0x19: {  	s7 =	sld [smem:$0x3FA0]  }
0x1a: {  	s8 =	sadd.s32 $0xFFFFE003, lr  }
0x1b: {  	s9 =	sadd.s32 $0xFFFFFEF7, lr;
	s5 =	simm.s32 $0xFFFFFFFF;
	p2 =	slt.u32 s8, $0xFFFFF086  }
0x1c: {  	p1 =	slt.u32 s9, $0xF7A;
	s5 =	simm.s32 @!p2 $0x0  }
0x1d: {  	s5 =	simm.s32 @p1 $0x1;
	p0 =	seq.s32 s7, s2  }
0x1e: {  	s7 =	smul.u32 @!p0 $0xF7A, s2;
	p2 =	seq.s32 @!p0 s5, $0x0  }
0x1f: {  	s9 =	smul.u32 $0xF7A, s1;
	s8 =	simm.s32 @!p0 $0x1BF5;
	p2 =	por !p2, p0  }
0x20: {  	[sflag:s8] =	ssyncset.s32 @!p0 $0xFFFFF086;
	s6 =	sadd.s32 @!p0 s3, s7;
	s7 =	simm.s32 @!p0 $0x108  }
0x21: {  	s3 =	sadd.s32 s3, s9;
	s6 =	sadd.s32 @!p0 $0x88, s6;
	s7 =	simm.s32 @p2 $0x1082  }
0x22: {  	[simem:s7], [sflag:s8] =	dma.local @!p0 [hbm:s6], $0xF7A  }
0x23: {  	s9 =	sor.u32 $0xD0000000, s2;
	s6 =	simm.s32 $0x108;
	_ =	swait.ge @!p0 [sflag:s8], $0x0  }
0x24: {  	s3 =	sadd.s32 $0x88, s3;
	s6 =	simm.s32 @!p1 $0x1082;
	[sflag:s4] =	ssyncset.s32 $0xFFFFF086  }
0x25: {  	[simem:s6], [sflag:s4] =	dma.local [hbm:s3], $0xF7A  }
0x26: {  	[smem:$0x3FA0] =	sst s1;
	(tag) =	ssettag s2;
	_ =	strace s9  }
0x27: {  	s1 =	sld [smem:$0x3FB0]  }
0x28: {  	s2 =	sld [smem:$0x3FB1]  }
0x29: {  	s4 =	sld [smem:$0x3FB3]  }
0x2a: {  	p0 =	seq.s32 s5, $0x0;
	s5 =	sld [smem:$0x3FB4]  }
0x2b: {  	s6 =	sld [smem:$0x3FB5]  }
0x2c: {  	s7 =	sld [smem:$0x3FB6]  }
0x2d: {  	s3 =	simm.s32 $0x108;
	s8 =	sld [smem:$0x3FB7]  }
0x2e: {  	s3 =	simm.s32 @!p0 $0x1082;
	s9 =	sld [smem:$0x3FB8]  }
0x2f: {  	lr =	sadd.s32 s0, s3;
	s0 =	sld [smem:$0x3FAF]  }
0x30: {  	s3 =	sld [smem:$0x3FB2]  }
0x31: {  	[smem:$0x3FBB] =	sst s10  }
0x32: {  	s10 =	sld [smem:$0x3FB9];
	_ =	sdelay $0x3  }
0x33: {  	p0 =	seq.s32 s10, $0x1;
	s10 =	sld [smem:$0x3FBB];
	_ =	sdelay $0x3  }
0x34: {  	[smem:$0x3FBB] =	sst s10  }
0x35: {  	s10 =	sld [smem:$0x3FBA];
	_ =	sdelay $0x3  }
0x36: {  	p1 =	seq.s32 s10, $0x1;
	s10 =	sld [smem:$0x3FBB];
	_ =	sdelay $0x3  }
0x37: {  	[smem:$0x3FBB] =	sst s10  }
0x38: {  	s10 =	sld [smem:$0x3FBC]  }
0x39: {  	_ = 	snop;
	(pc) =	sbr.ind lr, $3  }
0x3a: {  	_ = 	snop  }
0x3b: {  	_ = 	snop  }
0x3c: {  	p2 =	seq.s32 s10, $0x1;
	s10 =	sld [smem:$0x3FBB]  }
0x3d: {  	_ =	shalt  }
0x3e: {  	_ =	shalt  }
0x3f: {  	_ =	shalt  }
0x40: {  	_ =	shalt  }
0x41: {  	_ =	shalt  }
0x42: {  	_ =	shalt  }
0x43: {  	_ =	shalt  }
0x44: {  	_ =	shalt  }
0x45: {  	_ =	shalt  }
0x46: {  	_ =	shalt  }
0x47: {  	_ =	shalt  }
0x48: {  	_ =	shalt  }
0x49: {  	_ =	shalt  }
0x4a: {  	_ =	shalt  }
0x4b: {  	_ =	shalt  }
0x4c: {  	_ =	shalt  }
0x4d: {  	_ =	shalt  }
0x4e: {  	_ =	shalt  }
0x4f: {  	_ =	shalt  }
0x50: {  	_ =	shalt  }
0x51: {  	_ =	shalt  }
0x52: {  	_ =	shalt  }
0x53: {  	_ =	shalt  }
0x54: {  	_ =	shalt  }
0x55: {  	_ =	shalt  }
0x56: {  	_ =	shalt  }
0x57: {  	_ =	shalt  }
0x58: {  	_ =	shalt  }
0x59: {  	_ =	shalt  }
0x5a: {  	_ =	shalt  }
0x5b: {  	_ =	shalt  }
0x5c: {  	_ =	shalt  }
0x5d: {  	_ =	shalt  }
0x5e: {  	_ =	shalt  }
0x5f: {  	_ =	shalt  }
0x60: {  	_ =	shalt  }
0x61: {  	_ =	shalt  }
0x62: {  	_ =	shalt  }
0x63: {  	_ =	shalt  }
0x64: {  	_ =	shalt  }
0x65: {  	_ =	shalt  }
0x66: {  	_ =	shalt  }
0x67: {  	_ =	shalt  }
0x68: {  	_ =	shalt  }
0x69: {  	_ =	shalt  }
0x6a: {  	_ =	shalt  }
0x6b: {  	_ =	shalt  }
0x6c: {  	_ =	shalt  }
0x6d: {  	_ =	shalt  }
0x6e: {  	_ =	shalt  }
0x6f: {  	_ =	shalt  }
0x70: {  	_ =	shalt  }
0x71: {  	_ =	shalt  }
0x72: {  	_ =	shalt  }
0x73: {  	_ =	shalt  }
0x74: {  	_ =	shalt  }
0x75: {  	_ =	shalt  }
0x76: {  	_ =	shalt  }
0x77: {  	_ =	shalt  }
0x78: {  	_ =	shalt  }
0x79: {  	_ =	shalt  }
0x7a: {  	_ =	shalt  }
0x7b: {  	_ =	shalt  }
0x7c: {  	_ =	shalt  }
0x7d: {  	_ =	shalt  }
0x7e: {  	_ =	shalt  }
0x7f: {  	_ =	shalt  }
0x80: {  	_ =	shalt  }
0x81: {  	_ =	shalt  }
0x82: {  	_ =	shalt  }
0x83: {  	_ =	shalt  }
0x84: {  	_ =	shalt  }
0x85: {  	_ =	shalt  }
0x86: {  	_ =	shalt  }
0x87: {  	_ =	shalt  }
.Lfunc_end0:
.L_simem_size_0:
called_computation_lowered:
.L_overlay_start_0:
0x88: {  	s2 =	sld [smem:$0x3FD9]  }
0x89: {  	s3 =	sld [smem:$0x3FFE];
	_ =	sdelay $0x1  }
0x8a: {  	s1 =	srdreg.scid  }
0x8b: {  	s0 =	sand.u32 $0x1, s1  }
0x8c: {  	s18 =	sshll.u32 s0, $0xA;
	s2 =	sadd.s32 s3, s2  }
0x8d: {  	s2 =	sadd.s32 s2, s18  }
0x8e: {  	[smem:$0x3FC7] =	sst s2  }
0x8f: {  	_ = 	snop  }
0x90: {  	s2 =	sld [smem:$0x3FC9]  }
0x91: {  	s19 =	sld [smem:$0x3FD0];
	(tm) =	ssettm $0x1  }
0x92: {  	s4 =	sld [smem:$0x3FFB];
	_ =	sdelay $0x3  }
0x93: {  	_ =	strace s4  }
0x94: {  	s4 =	sld [smem:$0x3FFC];
	_ =	sdelay $0x3  }
0x95: {  	_ =	strace s4  }
0x96: {  	s4 =	sld [smem:$0x3FFD];
	_ =	sdelay $0x3  }
0x97: {  	_ =	strace s4  }
0x98: {  	_ =	strace $0x8FFFFFFF  }
0x99: {  	s20 =	sld [smem:$0x3FDB];
	_ =	sdelay $0x1  }
0x9a: {  	s5 =	simm.s32 $_scs_section_size  }
0x9b: {  	s6 =	simm.s32 $_size__tile_overlayer_lowered;
	s7 =	simm.s32 $_tile_overlayer_lowered  }
0x9c: {  	s23 =	simm.s32 $0x1BFF;
	s22 =	sshll.u32 s7, $0x1;
	s4 =	sadd.s32 s5, s20  }
0x9d: {  	s8 =	simm.s32 $0x0;
	s21 =	sshll.u32 s6, $0x1;
	s6 =	sadd.s32 s22, s4  }
0x9e: {  	[timem:s8], [sflag:s23] =	dma.local [hbm:s6], s21  }
0x9f: {  	_ =	swait.ge [sflag:s23], s21  }
0xa0: {  	s5 =	ssub.s32 $0x0, s21;
	[sflag:s23] =	ssyncset.done $0x0  }
0xa1: {  	[sflag:s23] =	ssyncadd.s32 s5;
	_ =	sdelay $0x1  }
0xa2: {  	s24 =	simm.s32 $0x1B8B  }
0xa3: {  	_ =	swait.ge [sflag:s24], $0x1  }
0xa4: {  	[sflag:s24] =	ssyncset.done $0x0  }
0xa5: {  	s25 =	simm.s32 $0x1B8E;
	[sflag:s24] =	ssyncadd.s32 $0xFFFFFFFF  }
0xa6: {  	s26 =	simm.s32 $execute0_lowered;
	[smem:$0x3FD2] =	sst s25  }
0xa7: {  	s5 =	sshll.u32 s26, $0x1;
	_ =	strace $0x80000046;
	[dreg:$0x1] =	wrdreg $0xFFFFFFFF  }
0xa8: {  	s28 =	simm.s32 $_size_execute0_lowered;
	s4 =	sadd.s32 s4, s5;
	[dreg:$0x0] =	wrdreg $0x0  }
0xa9: {  	s5 =	sshll.u32 s28, $0x1;
	[dreg:$0x2] =	wrdreg s4  }
0xaa: {  	[dreg:$0x3] =	wrdreg s5  }
0xab: {  	[dreg:$0x4] =	wrdreg $0xC0  }
0xac: {  	_ =	task [dreg:s8], $0x5FFFF  }
0xad: {  	[dreg:$0x1] =	wrdreg $0xFFFFFFFF  }
0xae: {  	[dreg:$0x0] =	wrdreg $0x60  }
0xaf: {  	[dreg:$0x2] =	wrdreg s2  }
0xb0: {  	[dreg:$0x3] =	wrdreg s19  }
0xb1: {  	[dreg:$0x4] =	wrdreg $0x9  }
0xb2: {  	_ =	task.clear_ibuf [dreg:s8], $0x5FFFF;
	_ =	strace $0x90000046  }
0xb3: {  	s29 =	simm.s32 $0x9;
	_ =	strace $0x80000048  }
0xb4: {  	_ =	swait.ge [sflag:s29], $0x1  }
0xb5: {  	[sflag:s29] =	ssyncadd.s32 $0xFFFFFFFF  }
0xb6: {  	_ =	strace $0x90000048  }
0xb7: {  	_ =	sfence  }
0xb8: {  	s30 =	sld [smem:$0x0];
	_ =	sdelay $0x2  }
0xb9: {  	s31 =	sshll.u32 s1, $0xD;
	s1 =	sshrl.u32 s1, $0x2  }
0xba: {  	s3 =	sand.u32 $0x4000, s31;
	s1 =	sadd.s32 s1, s30  }
0xbb: {  	s0 =	sor.u32 s3, s0;
	s1 =	sshll.u32 s1, $0x11  }
0xbc: {  	s0 =	sor.u32 s1, s0  }
0xbd: {  	s0 =	sadd.s32 $0x8F2B, s0  }
0xbe: {  	[sflag:s0] =	ssyncadd.remote.s32 $0x1  }
0xbf: {  	_ =	sfence.sel $0xFFFF  }
0xc0: {  	[dreg:$0x0] =	wrdreg $0xFFFFFFFF;
	(pc) =	sbr.abs _section_cstart, $3  }
0xc1: {  	[dreg:$0x1] =	wrdreg $0xFFFFFFFF  }
0xc2: {  	_ =	task.clear_ibuf [dreg:s8], $0x2FFFF;
	_ =	strace $0x9FFFFFFF  }
0xc3: {  	(tm) =	ssettm $0x7FFFFFFF  }
tec
execute0_lowered:
.L_overlay_start_1:
0x0: {  	(tag) =	ssettag $0x1  }
0x1: {  	s0 =	srdreg.scid;
	s29 =	stileid.u32  }
0x2: {  	s3 =	sand.u32 $0x1, s0;
	s13 =	sshll.u32 s29, $0x1  }
0x3: {  	s4 =	sor.u32 s3, s13  }
0x4: {  	s1 =	smul.u32 $0x41, s4;
	_ =	sdelay $0x1  }
0x5: {  	s2 =	sshrl.u32 s1, $0x2  }
0x6: {  	s14 =	smul.u32 $0xCCD, s2  }
0x7: {  	s8 =	smul.u32 $0xCCCD, s2  }
0x8: {  	s6 =	ssub.s32 $0x2, s3;
	s5 =	smul.u32 $0x1A027, s4  }
0x9: {  	s15 =	sshrl.u32 s6, $0x1;
	s0 =	sshrl.u32 s14, $0x10;
	s16 =	sadd.s32 $0xCCCD, s8  }
0xa: {  	s7 =	smul.u32 $0x14, s0;
	s0 =	ssub.s32 s6, s15;
	s6 =	sshrl.u32 s5, $0x11  }
0xb: {  	s12 =	sadd.s32 $0x1999A, s8;
	s11 =	sshrl.u32 s16, $0x14;
	s9 =	smul.u32 $0x6000, s6  }
0xc: {  	s12 =	sshrl.u32 s12, $0x14;
	s18 =	smul.u32 $0x14, s11  }
0xd: {  	s13 =	smul.u32 $0x14, s12  }
0xe: {  	s14 =	sadd.s32 $0x26667, s8;
	s20 =	smul.u32 $0x6000, s11  }
0xf: {  	s14 =	sshrl.u32 s14, $0x14;
	s12 =	smul.u32 $0x6000, s12  }
0x10: {  	s31 =	simm.s32 $0x80;
	s16 =	smul.u32 $0x14, s14  }
0x11: {  	s3 =	sshll.u32 s3, $0x8;
	s14 =	smul.u32 $0x6000, s14;
	s5 =	ssub.s32 s2, s7  }
0x12: {  	s24 =	sadd.s32 $0x33334, s8;
	s6 =	smul.u32 $0x280000, s6;
	s10 =	sshll.u32 s5, $0xA  }
0x13: {  	s19 =	sshll.u32 s5, $0x7;
	s13 =	ssub.s32 s2, s13;
	s23 =	ssub.s32 s2, s16  }
0x14: {  	s5 =	sshll.u32 s5, $0x11;
	s17 =	sand.u32 $0x6000, s10;
	s10 =	ssub.s32 s2, s18  }
0x15: {  	s13 =	sadd.s32 $0x2, s13;
	s5 =	sadd.s32 s6, s5;
	s7 =	sadd.s32 s9, s17  }
0x16: {  	s9 =	sand.u32 $0x380, s19;
	s10 =	sadd.s32 $0x1, s10;
	s15 =	sshll.u32 s13, $0xA  }
0x17: {  	s13 =	sshll.u32 s13, $0x7;
	s7 =	sor.u32 s9, s7;
	s21 =	sshll.u32 s10, $0xA  }
0x18: {  	s10 =	sshll.u32 s10, $0x7;
	s22 =	sand.u32 $0x6000, s15;
	s15 =	sshrl.u32 s24, $0x14  }
0x19: {  	s13 =	sand.u32 $0x380, s13;
	s11 =	sand.u32 $0x6000, s21;
	s17 =	smul.u32 $0x14, s15  }
0x1a: {  	s10 =	sand.u32 $0x380, s10;
	s15 =	smul.u32 $0x6000, s15;
	s7 =	sshrl.u32 s7, $0x3  }
0x1b: {  	s9 =	sadd.s32 s20, s11;
	s11 =	sadd.s32 s12, s22;
	s12 =	sadd.s32 $0x3, s23  }
0x1c: {  	s23 =	sadd.s32 $0x4CCCE, s8;
	s25 =	sshll.u32 s12, $0xA;
	s10 =	sor.u32 s10, s9  }
0x1d: {  	s9 =	sor.u32 s13, s11;
	s12 =	sshll.u32 s12, $0x7;
	s16 =	sand.u32 $0x6000, s25  }
0x1e: {  	s26 =	sadd.s32 s14, s16;
	s16 =	ssub.s32 s2, s17;
	s17 =	sadd.s32 $0x40001, s8  }
0x1f: {  	s12 =	sand.u32 $0x380, s12;
	s13 =	sadd.s32 $0x4, s16;
	s14 =	sshrl.u32 s17, $0x14  }
0x20: {  	s10 =	sshrl.u32 s10, $0x3;
	s18 =	sshll.u32 s13, $0xA;
	s19 =	smul.u32 $0x14, s14  }
0x21: {  	s11 =	sor.u32 s12, s26;
	s14 =	smul.u32 $0x6000, s14;
	s20 =	sand.u32 $0x6000, s18  }
0x22: {  	s18 =	sadd.s32 $0x5999B, s8;
	s12 =	sadd.s32 s15, s20;
	s15 =	sshrl.u32 s23, $0x14  }
0x23: {  	s13 =	sshll.u32 s13, $0x7;
	s26 =	sshrl.u32 s18, $0x14;
	s25 =	smul.u32 $0x14, s15  }
0x24: {  	s21 =	ssub.s32 s2, s19;
	s19 =	sadd.s32 $0x66668, s8;
	s18 =	smul.u32 $0x14, s26  }
0x25: {  	s13 =	sand.u32 $0x380, s13;
	s15 =	smul.u32 $0x6000, s15;
	s19 =	sshrl.u32 s19, $0x14  }
0x26: {  	s12 =	sor.u32 s13, s12;
	s22 =	sadd.s32 $0x5, s21;
	s21 =	smul.u32 $0x14, s19  }
0x27: {  	s24 =	sshll.u32 s22, $0xA;
	s13 =	sshll.u32 s22, $0x7;
	s19 =	smul.u32 $0x6000, s19  }
0x28: {  	s16 =	sand.u32 $0x6000, s24;
	s13 =	sand.u32 $0x380, s13;
	s17 =	ssub.s32 s2, s25  }
0x29: {  	s18 =	ssub.s32 s2, s18;
	s25 =	sadd.s32 $0x73335, s8;
	s14 =	sadd.s32 s14, s16  }
0x2a: {  	s22 =	sadd.s32 $0x6, s17;
	s16 =	smul.u32 $0x6000, s26;
	s18 =	sadd.s32 $0x7, s18  }
0x2b: {  	s24 =	ssub.s32 s2, s21;
	s13 =	sor.u32 s13, s14;
	s17 =	sshll.u32 s22, $0xA  }
0x2c: {  	s20 =	sshll.u32 s18, $0xA;
	s18 =	sshll.u32 s18, $0x7;
	s17 =	sand.u32 $0x6000, s17  }
0x2d: {  	s23 =	sand.u32 $0x6000, s20;
	s20 =	sshrl.u32 s25, $0x14;
	s18 =	sand.u32 $0x380, s18  }
0x2e: {  	s14 =	sadd.s32 s15, s17;
	s15 =	sshll.u32 s22, $0x7;
	s16 =	sadd.s32 s16, s23  }
0x2f: {  	s17 =	sadd.s32 $0x8, s24;
	s22 =	smul.u32 $0x14, s20;
	s23 =	sadd.s32 $0x80002, s8  }
0x30: {  	s20 =	smul.u32 $0x6000, s20;
	s15 =	sand.u32 $0x380, s15;
	s26 =	sshll.u32 s17, $0xA  }
0x31: {  	s17 =	sshll.u32 s17, $0x7;
	s21 =	sand.u32 $0x6000, s26;
	s15 =	sor.u32 s15, s14  }
0x32: {  	s14 =	sor.u32 s18, s16;
	s22 =	ssub.s32 s2, s22;
	s17 =	sand.u32 $0x380, s17  }
0x33: {  	s21 =	sadd.s32 s19, s21;
	s18 =	sadd.s32 $0x9, s22;
	s19 =	sshrl.u32 s23, $0x14  }
0x34: {  	s23 =	sadd.s32 $0x8CCCF, s8;
	s24 =	sshll.u32 s18, $0xA;
	s25 =	smul.u32 $0x14, s19  }
0x35: {  	s16 =	sor.u32 s17, s21;
	s18 =	sshll.u32 s18, $0x7;
	s19 =	smul.u32 $0x6000, s19  }
0x36: {  	s26 =	sand.u32 $0x6000, s24;
	s18 =	sand.u32 $0x380, s18;
	s16 =	sshrl.u32 s16, $0x3  }
0x37: {  	s17 =	sadd.s32 s20, s26;
	s21 =	ssub.s32 s2, s25;
	s20 =	sshrl.u32 s23, $0x14  }
0x38: {  	s23 =	sadd.s32 $0x9999C, s8;
	s17 =	sor.u32 s18, s17;
	s22 =	sadd.s32 $0xA, s21  }
0x39: {  	s25 =	smul.u32 $0x14, s20;
	s26 =	sshrl.u32 s23, $0x14;
	s24 =	sshll.u32 s22, $0xA  }
0x3a: {  	s18 =	sshll.u32 s22, $0x7;
	s23 =	smul.u32 $0x14, s26;
	s17 =	sshrl.u32 s17, $0x3  }
0x3b: {  	s21 =	sand.u32 $0x6000, s24;
	s18 =	sand.u32 $0x380, s18;
	s22 =	ssub.s32 s2, s25  }
0x3c: {  	s24 =	sadd.s32 $0xA6669, s8;
	s19 =	sadd.s32 s19, s21;
	s21 =	smul.u32 $0x6000, s26  }
0x3d: {  	s24 =	sshrl.u32 s24, $0x14;
	s18 =	sor.u32 s18, s19;
	s19 =	smul.u32 $0x6000, s20  }
0x3e: {  	s23 =	ssub.s32 s2, s23;
	s20 =	sadd.s32 $0xB, s22;
	s26 =	smul.u32 $0x14, s24  }
0x3f: {  	s23 =	sadd.s32 $0xC, s23;
	s24 =	smul.u32 $0x6000, s24;
	s22 =	sshll.u32 s20, $0xA  }
0x40: {  	s25 =	sshll.u32 s23, $0xA;
	s20 =	sshll.u32 s20, $0x7;
	s23 =	sshll.u32 s23, $0x7  }
0x41: {  	s22 =	sand.u32 $0x6000, s22;
	s25 =	sand.u32 $0x6000, s25;
	s20 =	sand.u32 $0x380, s20  }
0x42: {  	s23 =	sand.u32 $0x380, s23;
	s21 =	sadd.s32 s21, s25;
	s25 =	ssub.s32 s2, s26  }
0x43: {  	s19 =	sadd.s32 s19, s22;
	s26 =	sadd.s32 $0xB3336, s8;
	s22 =	sadd.s32 $0xD, s25  }
0x44: {  	s25 =	sshrl.u32 s26, $0x14;
	s20 =	sor.u32 s20, s19;
	s19 =	sor.u32 s23, s21  }
0x45: {  	s26 =	sshll.u32 s22, $0xA;
	s28 =	smul.u32 $0x14, s25;
	s22 =	sshll.u32 s22, $0x7  }
0x46: {  	s25 =	smul.u32 $0x6000, s25;
	s26 =	sand.u32 $0x6000, s26;
	s22 =	sand.u32 $0x380, s22  }
0x47: {  	s21 =	sadd.s32 s24, s26;
	s24 =	ssub.s32 s2, s28;
	s26 =	sadd.s32 $0xC0003, s8  }
0x48: {  	s8 =	sadd.s32 $0xCCCD0, s8;
	s23 =	sadd.s32 $0xE, s24;
	s24 =	sshrl.u32 s26, $0x14  }
0x49: {  	s21 =	sor.u32 s22, s21;
	s26 =	sshll.u32 s23, $0xA;
	s28 =	smul.u32 $0x14, s24  }
0x4a: {  	s8 =	sshrl.u32 s8, $0x14;
	s23 =	sshll.u32 s23, $0x7;
	s26 =	sand.u32 $0x6000, s26  }
0x4b: {  	s24 =	smul.u32 $0x6000, s24;
	s22 =	sadd.s32 s25, s26;
	s26 =	ssub.s32 s2, s28  }
0x4c: {  	s23 =	sand.u32 $0x380, s23;
	s25 =	sadd.s32 $0xF, s26;
	s26 =	smul.u32 $0x14, s8  }
0x4d: {  	s22 =	sor.u32 s23, s22;
	s8 =	smul.u32 $0x6000, s8;
	s28 =	sshll.u32 s25, $0xA  }
0x4e: {  	s25 =	sshll.u32 s25, $0x7;
	s2 =	ssub.s32 s2, s26;
	s26 =	sand.u32 $0x6000, s28  }
0x4f: {  	s28 =	smax.u32 s0, $0x1;
	s0 =	simm.s32 $0x3;
	s2 =	sadd.s32 $0x10, s2  }
0x50: {  	s23 =	sadd.s32 s24, s26;
	s24 =	sand.u32 $0x380, s25;
	s26 =	sshll.u32 s2, $0xA  }
0x51: {  	s23 =	sor.u32 s24, s23;
	s2 =	sshll.u32 s2, $0x7;
	s24 =	rddreg [dreg:$0x0]  }
0x52: {  	s25 =	sand.u32 $0x6000, s26;
	s2 =	sand.u32 $0x380, s2;
	s7 =	sadd.s32 s24, s7  }
0x53: {  	s26 =	sshll.u32 s4, $0x8;
	s8 =	sadd.s32 s8, s25;
	[dreg:$0x3] =	wrdreg s7  }
0x54: {  	s7 =	sadd.s32 s24, s10;
	s25 =	sshrl.u32 s9, $0x3;
	s10 =	sshrl.u32 s12, $0x3  }
0x55: {  	s12 =	sshrl.u32 s15, $0x3;
	s15 =	sshrl.u32 s14, $0x3;
	s8 =	sor.u32 s2, s8  }
0x56: {  	s2 =	sand.u32 $0x300, s26;
	[dreg:$0x4] =	wrdreg s7;
	s26 =	sshrl.u32 s11, $0x3  }
0x57: {  	s7 =	sadd.s32 s24, s25;
	s11 =	sshrl.u32 s13, $0x3;
	s13 =	sadd.s32 s24, s12  }
0x58: {  	s25 =	sadd.s32 s24, s17;
	s12 =	sadd.s32 $0x1, s1;
	[dreg:$0x5] =	wrdreg s7  }
0x59: {  	s9 =	sadd.s32 s24, s26;
	s7 =	sadd.s32 s24, s10;
	[dreg:$0x9] =	wrdreg s13  }
0x5a: {  	[dreg:$0xc] =	wrdreg s25;
	s26 =	sshrl.u32 s18, $0x3;
	s10 =	sshrl.u32 s19, $0x3  }
0x5b: {  	s17 =	sshrl.u32 s12, $0x2;
	s19 =	sshrl.u32 s22, $0x3;
	s22 =	smul.u32 $0x3400D, s4  }
0x5c: {  	s8 =	sshrl.u32 s8, $0x3;
	s25 =	sadd.s32 $0x40, s1;
	s14 =	sshll.u32 s2, $0x7  }
0x5d: {  	s6 =	sshll.u32 s12, $0xF;
	s4 =	sshll.u32 s4, $0xF;
	[dreg:$0x6] =	wrdreg s9  }
0x5e: {  	s30 =	sadd.s32 $0x3E00, s2;
	[dreg:$0x7] =	wrdreg s7;
	s7 =	sadd.s32 s24, s11  }
0x5f: {  	s9 =	sshrl.u32 s20, $0x3;
	s11 =	sshrl.u32 s21, $0x3;
	s20 =	sshrl.u32 s23, $0x3  }
0x60: {  	s21 =	smul.u32 $0xCCCD, s17;
	s5 =	sor.u32 s14, s5;
	s6 =	sand.u32 $0x18000, s6  }
0x61: {  	s4 =	sand.u32 $0x18000, s4;
	[dreg:$0x8] =	wrdreg s7;
	s7 =	sadd.s32 s24, s15  }
0x62: {  	s18 =	sadd.s32 s24, s20;
	[dreg:$0xa] =	wrdreg s7;
	s7 =	sadd.s32 s24, s16  }
0x63: {  	s16 =	sadd.s32 s24, s11;
	s23 =	sshrl.u32 s21, $0x14;
	[dreg:$0xb] =	wrdreg s7  }
0x64: {  	s7 =	sadd.s32 s24, s26;
	[dreg:$0x10] =	wrdreg s16;
	s26 =	sshrl.u32 s25, $0x2  }
0x65: {  	[dreg:$0xd] =	wrdreg s7;
	s7 =	sadd.s32 s24, s9;
	s9 =	sadd.s32 s24, s19  }
0x66: {  	s15 =	smul.u32 $0xCCCD, s26;
	s19 =	sadd.s32 s24, s8;
	[dreg:$0xe] =	wrdreg s7  }
0x67: {  	s7 =	sadd.s32 s24, s10;
	[dreg:$0x11] =	wrdreg s9;
	s9 =	sadd.s32 $0xCCD, s22  }
0x68: {  	s10 =	smul.u32 $0x14, s23;
	s23 =	sshll.u32 s29, $0x9;
	s24 =	sshrl.u32 s5, $0x3  }
0x69: {  	s29 =	sadd.s32 $0x100, s2;
	s5 =	simm.s32 $0x1;
	s9 =	sshrl.u32 s9, $0x12  }
0x6a: {  	[dreg:$0xf] =	wrdreg s7;
	s20 =	sshrl.u32 s15, $0x14;
	s16 =	smul.u32 $0x280000, s9  }
0x6b: {  	s23 =	sor.u32 s3, s23;
	s7 =	ssub.s32 s17, s10;
	s17 =	smul.u32 $0xCCD, s25  }
0x6c: {  	s3 =	simm.s32 $0x4400;
	s10 =	smul.u32 $0x14, s20;
	s20 =	simm.s32 $0x0  }
0x6d: {  	s7 =	sshll.u32 s7, $0x11;
	[smem:$0x7FF] =	sst s20;
	s21 =	sshrl.u32 s17, $0x12  }
0x6e: {  	s7 =	sadd.s32 s16, s7;
	s22 =	ssub.s32 s26, s10;
	s8 =	smul.u32 $0x280000, s21  }
0x6f: {  	s6 =	sor.u32 s6, s7;
	s7 =	sshll.u32 s22, $0x11;
	s22 =	rddreg [dreg:$0x1]  }
0x70: {  	_ =	strace $0x80000047;
	s21 =	simm.s32 $0x400;
	s7 =	sadd.s32 s8, s7  }
0x71: {  	s25 =	sshrl.u32 s6, $0x3;
	s24 =	sadd.s32 s22, s24;
	s4 =	sor.u32 s4, s7  }
0x72: {  	v1 =	vlaneseq.u32;
	s6 =	simm.s32 $0x2;
	s25 =	sadd.s32 s22, s25;
	s26 =	sshrl.u32 s4, $0x3  }
0x73: {  	v0 =	vimm.f32 $0.0e+00;
	v2 =	vimm.f32 $1.000000000e+00;
	v1 =	vmul.u32 $0x80, v1;
	s7 =	simm.s32 $0x0;
	s4 =	simm.s32 $0xC400;
	s26 =	sadd.s32 s22, s26  }
.LBB2_1:
0x74: {  	s8 =	rddreg [dreg:$0x3]  }
0x75: {  	[tilespmem:s20], [sflag:$0x3] =	stream.strided.gather [hbm4b:s8+s31], $0x400, s21, s31, $0x38;
	[tilespmem:$0x14400] =	vst v63  }
0x76: {  	s14 =	rddreg [dreg:$0x4]  }
0x77: {  	[tilespmem:s21], [sflag:$0x3] =	stream.strided.gather [hbm4b:s14+s31], $0x400, s21, s31, $0x38;
	[tilespmem:$0x14400] =	vst v63  }
0x78: {  	s15 =	rddreg [dreg:$0x5];
	s9 =	simm.s32 $0x800  }
0x79: {  	[tilespmem:s9], [sflag:$0x3] =	stream.strided.gather [hbm4b:s15+s31], $0x400, s21, s31, $0x38;
	[tilespmem:$0x14400] =	vst v63  }
0x7a: {  	s16 =	rddreg [dreg:$0x6];
	s17 =	simm.s32 $0xC00  }
0x7b: {  	[tilespmem:s17], [sflag:$0x3] =	stream.strided.gather [hbm4b:s16+s31], $0x400, s21, s31, $0x38;
	[tilespmem:$0x14400] =	vst v63  }
0x7c: {  	s10 =	rddreg [dreg:$0x7];
	s11 =	simm.s32 $0x1000  }
0x7d: {  	[tilespmem:s11], [sflag:$0x3] =	stream.strided.gather [hbm4b:s10+s31], $0x400, s21, s31, $0x38;
	[tilespmem:$0x14400] =	vst v63  }
0x7e: {  	s12 =	rddreg [dreg:$0x8];
	s13 =	simm.s32 $0x1400  }
0x7f: {  	[tilespmem:s13], [sflag:$0x3] =	stream.strided.gather [hbm4b:s12+s31], $0x400, s21, s31, $0x38;
	[tilespmem:$0x14400] =	vst v63  }
0x80: {  	s14 =	rddreg [dreg:$0x9];
	s15 =	simm.s32 $0x1800  }
0x81: {  	[tilespmem:s15], [sflag:$0x3] =	stream.strided.gather [hbm4b:s14+s31], $0x400, s21, s31, $0x38;
	[tilespmem:$0x14400] =	vst v63  }
0x82: {  	s16 =	rddreg [dreg:$0xa];
	s17 =	simm.s32 $0x1C00  }
0x83: {  	[tilespmem:s17], [sflag:$0x3] =	stream.strided.gather [hbm4b:s16+s31], $0x400, s21, s31, $0x38;
	[tilespmem:$0x14400] =	vst v63  }
0x84: {  	s10 =	rddreg [dreg:$0xb];
	s11 =	simm.s32 $0x2000  }
0x85: {  	[tilespmem:s11], [sflag:$0x3] =	stream.strided.gather [hbm4b:s10+s31], $0x400, s21, s31, $0x38;
	[tilespmem:$0x14400] =	vst v63  }
0x86: {  	s12 =	rddreg [dreg:$0xc];
	s13 =	simm.s32 $0x2400  }
0x87: {  	[tilespmem:s13], [sflag:$0x3] =	stream.strided.gather [hbm4b:s12+s31], $0x400, s21, s31, $0x38;
	[tilespmem:$0x14400] =	vst v63  }
0x88: {  	s14 =	rddreg [dreg:$0xd];
	s15 =	simm.s32 $0x2800  }
0x89: {  	[tilespmem:s15], [sflag:$0x3] =	stream.strided.gather [hbm4b:s14+s31], $0x400, s21, s31, $0x38;
	[tilespmem:$0x14400] =	vst v63  }
0x8a: {  	s16 =	rddreg [dreg:$0xe];
	s17 =	simm.s32 $0x2C00  }
0x8b: {  	[tilespmem:s17], [sflag:$0x3] =	stream.strided.gather [hbm4b:s16+s31], $0x400, s21, s31, $0x38;
	[tilespmem:$0x14400] =	vst v63  }
0x8c: {  	s10 =	rddreg [dreg:$0xf];
	s11 =	simm.s32 $0x3000  }
0x8d: {  	[tilespmem:s11], [sflag:$0x3] =	stream.strided.gather [hbm4b:s10+s31], $0x400, s21, s31, $0x38;
	[tilespmem:$0x14400] =	vst v63  }
0x8e: {  	s12 =	rddreg [dreg:$0x10];
	s13 =	simm.s32 $0x3400  }
0x8f: {  	[tilespmem:s13], [sflag:$0x3] =	stream.strided.gather [hbm4b:s12+s31], $0x400, s21, s31, $0x38;
	[tilespmem:$0x14400] =	vst v63  }
0x90: {  	s14 =	rddreg [dreg:$0x11];
	s15 =	simm.s32 $0x3800  }
0x91: {  	[tilespmem:s15], [sflag:$0x3] =	stream.strided.gather [hbm4b:s14+s31], $0x400, s21, s31, $0x38;
	[tilespmem:$0x14400] =	vst v63  }
0x92: {  	s16 =	simm.s32 $0x3C00  }
0x93: {  	[tilespmem:s16], [sflag:$0x3] =	stream.strided.gather [hbm4b:s18+s31], $0x400, s21, s31, $0x38;
	[tilespmem:$0x14400] =	vst v63  }
0x94: {  	s8 =	simm.s32 $0x0;
	s9 =	simm.s32 $0x200;
	s17 =	simm.s32 $0x4000  }
0x95: {  	[tilespmem:s17], [sflag:$0x3] =	stream.strided.gather [hbm4b:s19+s31], $0x400, s21, s31, $0x38;
	[tilespmem:$0x14400] =	vst v63  }
.LBB2_2:
0x96: {  	p0 =	sne.s32 s9, $0x1FE00;
	[tilespmem:s8+$0x4470] =	vst v0  }
0x97: {  	[tilespmem:s8+$0x4400] =	vst v0  }
0x98: {  	[tilespmem:s8+$0x4410] =	vst v0  }
.Ltmp0:
0x99: {  	[tilespmem:s8+$0x4420] =	vst v0;
	(pc) =	sbr.rel @p0 .LBB2_2-.Ltmp0, $4  }
0x9a: {  	[tilespmem:s8+$0x4430] =	vst v0  }
0x9b: {  	[tilespmem:s8+$0x4440] =	vst v0  }
0x9c: {  	[tilespmem:s8+$0x4450] =	vst v0  }
0x9d: {  	[tilespmem:s8+$0x4460] =	vst v0;
	s8 =	sshra.s32 s9, $0x2;
	s9 =	sadd.s32 $0x200, s9  }
0x9e: {  	[tilespmem:s8+$0x4470] =	vst v0  }
0x9f: {  	[tilespmem:s8+$0x4400] =	vst v0  }
0xa0: {  	[tilespmem:s8+$0x4410] =	vst v0  }
0xa1: {  	[tilespmem:s8+$0x4420] =	vst v0  }
0xa2: {  	[tilespmem:s8+$0x4430] =	vst v0  }
0xa3: {  	[tilespmem:s8+$0x4440] =	vst v0  }
0xa4: {  	[tilespmem:s8+$0x4450] =	vst v0  }
0xa5: {  	[tilespmem:s8+$0x4460] =	vst v0  }
0xa6: {  	_ =	swait.ge [sflag:s0], $0x400  }
0xa7: {  	[sflag:s0] =	ssyncset.done $0x0  }
0xa8: {  	[sflag:s0] =	ssyncadd.s32 $0xFFFFFC00  }
0xa9: {  	_ =	swait.ge [sflag:s0], $0x400  }
0xaa: {  	[sflag:s0] =	ssyncset.done $0x0  }
0xab: {  	[sflag:s0] =	ssyncadd.s32 $0xFFFFFC00  }
0xac: {  	_ =	swait.ge [sflag:s0], $0x400  }
0xad: {  	[sflag:s0] =	ssyncset.done $0x0  }
0xae: {  	[sflag:s0] =	ssyncadd.s32 $0xFFFFFC00  }
0xaf: {  	_ =	swait.ge [sflag:s0], $0x400  }
0xb0: {  	[sflag:s0] =	ssyncset.done $0x0  }
0xb1: {  	[sflag:s0] =	ssyncadd.s32 $0xFFFFFC00  }
0xb2: {  	_ =	swait.ge [sflag:s0], $0x400  }
0xb3: {  	[sflag:s0] =	ssyncset.done $0x0  }
0xb4: {  	[sflag:s0] =	ssyncadd.s32 $0xFFFFFC00  }
0xb5: {  	_ =	swait.ge [sflag:s0], $0x400  }
0xb6: {  	[sflag:s0] =	ssyncset.done $0x0  }
0xb7: {  	[sflag:s0] =	ssyncadd.s32 $0xFFFFFC00  }
0xb8: {  	_ =	swait.ge [sflag:s0], $0x400  }
0xb9: {  	[sflag:s0] =	ssyncset.done $0x0  }
0xba: {  	[sflag:s0] =	ssyncadd.s32 $0xFFFFFC00  }
0xbb: {  	_ =	swait.ge [sflag:s0], $0x400  }
0xbc: {  	[sflag:s0] =	ssyncset.done $0x0  }
0xbd: {  	[sflag:s0] =	ssyncadd.s32 $0xFFFFFC00  }
0xbe: {  	_ =	swait.ge [sflag:s0], $0x400  }
0xbf: {  	[sflag:s0] =	ssyncset.done $0x0  }
0xc0: {  	[sflag:s0] =	ssyncadd.s32 $0xFFFFFC00  }
0xc1: {  	_ =	swait.ge [sflag:s0], $0x400  }
0xc2: {  	[sflag:s0] =	ssyncset.done $0x0  }
0xc3: {  	[sflag:s0] =	ssyncadd.s32 $0xFFFFFC00  }
0xc4: {  	_ =	swait.ge [sflag:s0], $0x400  }
0xc5: {  	[sflag:s0] =	ssyncset.done $0x0  }
0xc6: {  	[sflag:s0] =	ssyncadd.s32 $0xFFFFFC00  }
0xc7: {  	_ =	swait.ge [sflag:s0], $0x400  }
0xc8: {  	[sflag:s0] =	ssyncset.done $0x0  }
0xc9: {  	[sflag:s0] =	ssyncadd.s32 $0xFFFFFC00  }
0xca: {  	_ =	swait.ge [sflag:s0], $0x400  }
0xcb: {  	[sflag:s0] =	ssyncset.done $0x0  }
0xcc: {  	[sflag:s0] =	ssyncadd.s32 $0xFFFFFC00  }
0xcd: {  	_ =	swait.ge [sflag:s0], $0x400  }
0xce: {  	[sflag:s0] =	ssyncset.done $0x0  }
0xcf: {  	[sflag:s0] =	ssyncadd.s32 $0xFFFFFC00  }
0xd0: {  	_ =	swait.ge [sflag:s0], $0x400  }
0xd1: {  	[sflag:s0] =	ssyncset.done $0x0  }
0xd2: {  	[sflag:s0] =	ssyncadd.s32 $0xFFFFFC00  }
0xd3: {  	_ =	swait.ge [sflag:s0], $0x400  }
0xd4: {  	[sflag:s0] =	ssyncset.done $0x0  }
0xd5: {  	[sflag:s0] =	ssyncadd.s32 $0xFFFFFC00  }
0xd6: {  	s17 =	simm.s32 $0x0;
	s9 =	sadd.s32 $0x0, s23;
	_ =	swait.ge [sflag:s0], $0x400  }
0xd7: {  	s9 =	sand.u32 $0x380, s9;
	s10 =	sand.u32 $0x70, s17;
	[sflag:s0] =	ssyncset.done $0x0  }
0xd8: {  	s9 =	sor.u32 s10, s9;
	[sflag:s0] =	ssyncadd.s32 $0xFFFFFC00  }
0xd9: {  	v3 =	vld [tilespmem:s9+$0x0];
	_ =	sdelay $0x2  }
0xda: {  	v4 =	vmov s17  }
0xdb: {  	v4 =	vshll.u32 v4, $0x7  }
0xdc: {  	v4 =	vor.u32 v1, v4;
	v5 =	vand.u32 $0xFFFFFF80, v3  }
0xdd: {  	v3 =	vand.u32 $0x7F, v3;
	v4 =	vadd.s32 v4, v5  }
0xde: {  	v3 =	vor.u32 v3, v4;
	_ =	sdelay $0x2  }
0xdf: {  	s8 =	simm.s32 $0x10;
	s10 =	sadd.s32 $0x10, s23;
	s9 =	simm.s32 $0x20  }
.LBB2_4:
0xe0: {  	p0 =	sne.s32 s9, $0xF0;
	s10 =	sand.u32 $0x380, s10;
	s11 =	sand.u32 $0x70, s8  }
0xe1: {  	s10 =	sor.u32 s11, s10;
	[tilespmem:v3+s3+$0x0] =	vst.idx.msk $0xffff, v2  }
0xe2: {  	v3 =	vld [tilespmem:s10+$0x0];
	_ =	sdelay $0x2  }
0xe3: {  	v4 =	vmov s8;
	s8 =	smov.u32 s9  }
0xe4: {  	v4 =	vshll.u32 v4, $0x7  }
0xe5: {  	v4 =	vor.u32 v1, v4;
	v5 =	vand.u32 $0xFFFFFF80, v3  }
.Ltmp1:
0xe6: {  	v3 =	vand.u32 $0x7F, v3;
	v4 =	vadd.s32 v4, v5;
	(pc) =	sbr.rel @p0 .LBB2_4-.Ltmp1, $2  }
0xe7: {  	v3 =	vor.u32 v3, v4;
	_ =	sdelay $0x2  }
0xe8: {  	s9 =	sadd.s32 $0x10, s9;
	s10 =	sadd.s32 s8, s23  }
0xe9: {  	_ =	sdelay $0x2  }
0xea: {  	s9 =	sand.u32 $0x380, s10;
	s17 =	sand.u32 $0x70, s8  }
0xeb: {  	[tilespmem:v3+s3+$0x0] =	vst.idx.msk $0xffff, v2;
	s9 =	sor.u32 s17, s9  }
0xec: {  	v3 =	vld [tilespmem:s9+$0x0];
	_ =	sdelay $0x2  }
0xed: {  	v4 =	vmov s8  }
0xee: {  	v4 =	vshll.u32 v4, $0x7  }
0xef: {  	v4 =	vor.u32 v1, v4;
	v5 =	vand.u32 $0xFFFFFF80, v3  }
0xf0: {  	v3 =	vand.u32 $0x7F, v3;
	v4 =	vadd.s32 v4, v5  }
0xf1: {  	v3 =	vor.u32 v3, v4;
	_ =	sdelay $0x4  }
0xf2: {  	s8 =	simm.s32 $0x0;
	s10 =	simm.s32 $0x200;
	s9 =	simm.s32 $0x0;
	[tilespmem:v3+s3+$0x0] =	vst.idx.msk $0xffff, v2  }
0xf3: {  	[hbm4b:s24+s8] =	stream.linear.scatter [tilespmem:s3], [sflag:$0x1], $0x8000, $0x38;
	[tilespmem:$0x14400] =	vst v63  }
.LBB2_6:
0xf4: {  	p0 =	sne.s32 s10, $0x1FE00;
	[tilespmem:s9+$0xC470] =	vst v0  }
0xf5: {  	[tilespmem:s9+$0xC400] =	vst v0  }
0xf6: {  	[tilespmem:s9+$0xC410] =	vst v0  }
.Ltmp2:
0xf7: {  	[tilespmem:s9+$0xC420] =	vst v0;
	(pc) =	sbr.rel @p0 .LBB2_6-.Ltmp2, $4  }
0xf8: {  	[tilespmem:s9+$0xC430] =	vst v0  }
0xf9: {  	[tilespmem:s9+$0xC440] =	vst v0  }
0xfa: {  	[tilespmem:s9+$0xC450] =	vst v0  }
0xfb: {  	[tilespmem:s9+$0xC460] =	vst v0;
	s9 =	sshra.s32 s10, $0x2;
	s10 =	sadd.s32 $0x200, s10  }
0xfc: {  	[tilespmem:s9+$0xC470] =	vst v0  }
0xfd: {  	[tilespmem:s9+$0xC400] =	vst v0  }
0xfe: {  	[tilespmem:s9+$0xC410] =	vst v0  }
0xff: {  	[tilespmem:s9+$0xC420] =	vst v0  }
0x100: {  	[tilespmem:s9+$0xC430] =	vst v0  }
0x101: {  	[tilespmem:s9+$0xC440] =	vst v0;
	s10 =	sand.u32 $0x80, s8  }
0x102: {  	[tilespmem:s9+$0xC450] =	vst v0;
	s11 =	sand.u32 $0x70, s8;
	s10 =	sadd.s32 s10, s29  }
0x103: {  	[tilespmem:s9+$0xC460] =	vst v0;
	s17 =	sadd.s32 s11, s10  }
0x104: {  	v3 =	vld [tilespmem:s17+$0x0];
	_ =	sdelay $0x2  }
0x105: {  	v4 =	vmov s8  }
0x106: {  	v4 =	vshll.u32 v4, $0x7  }
0x107: {  	v4 =	vor.u32 v1, v4;
	v5 =	vand.u32 $0xFFFFFF80, v3  }
0x108: {  	v3 =	vand.u32 $0x7F, v3;
	v4 =	vadd.s32 v4, v5  }
0x109: {  	v3 =	vor.u32 v3, v4;
	_ =	sdelay $0x1  }
0x10a: {  	s8 =	simm.s32 $0x10  }
0x10b: {  	s9 =	simm.s32 $0x20;
	s10 =	sand.u32 $0x80, s8  }
.LBB2_8:
0x10c: {  	p0 =	sne.s32 s9, $0xF0;
	s11 =	sand.u32 $0x70, s8;
	s10 =	sadd.s32 s10, s29  }
0x10d: {  	s10 =	sadd.s32 s11, s10;
	[tilespmem:v3+s4+$0x0] =	vst.idx.msk $0xffff, v2  }
0x10e: {  	v3 =	vld [tilespmem:s10+$0x0];
	_ =	sdelay $0x2  }
0x10f: {  	v4 =	vmov s8;
	s8 =	smov.u32 s9  }
0x110: {  	v4 =	vshll.u32 v4, $0x7  }
0x111: {  	v4 =	vor.u32 v1, v4;
	v5 =	vand.u32 $0xFFFFFF80, v3  }
.Ltmp3:
0x112: {  	v3 =	vand.u32 $0x7F, v3;
	v4 =	vadd.s32 v4, v5;
	(pc) =	sbr.rel @p0 .LBB2_8-.Ltmp3, $2  }
0x113: {  	v3 =	vor.u32 v3, v4;
	_ =	sdelay $0x2  }
0x114: {  	s9 =	sadd.s32 $0x10, s9;
	s10 =	sand.u32 $0x80, s8  }
0x115: {  	_ =	sdelay $0x2  }
0x116: {  	s9 =	sand.u32 $0x70, s8;
	s10 =	sadd.s32 s10, s29  }
0x117: {  	[tilespmem:v3+s4+$0x0] =	vst.idx.msk $0xffff, v2;
	s9 =	sadd.s32 s9, s10  }
0x118: {  	v3 =	vld [tilespmem:s9+$0x0];
	_ =	sdelay $0x2  }
0x119: {  	v4 =	vmov s8  }
0x11a: {  	v4 =	vshll.u32 v4, $0x7  }
0x11b: {  	v4 =	vor.u32 v1, v4;
	v5 =	vand.u32 $0xFFFFFF80, v3  }
0x11c: {  	v3 =	vand.u32 $0x7F, v3;
	v4 =	vadd.s32 v4, v5  }
0x11d: {  	v3 =	vor.u32 v3, v4;
	_ =	sdelay $0x4  }
0x11e: {  	s8 =	simm.s32 $0x1;
	[tilespmem:v3+s4+$0x0] =	vst.idx.msk $0xffff, v2  }
0x11f: {  	[hbm4b:s25+s20] =	stream.linear.scatter [tilespmem:s4], [sflag:$0x2], $0x8000, $0x38;
	[tilespmem:$0x14400] =	vst v63  }
.LBB2_10:
0x120: {  	s9 =	sshll.u32 s8, $0x9  }
0x121: {  	s9 =	sand.u32 $0x3FFFFE00, s9  }
0x122: {  	s10 =	simm.s32 $0x0;
	s9 =	sadd.s32 s9, s2  }
0x123: {  	_ =	swait.ge [sflag:s5], $0x8000;
	s11 =	sand.u32 $0x80, s10;
	s13 =	sadd.s32 $0xFFFFFE00, s9  }
0x124: {  	[sflag:s5] =	ssyncset.done $0x0;
	s12 =	sand.u32 $0x70, s10;
	s14 =	sadd.s32 s11, s13  }
0x125: {  	[sflag:s5] =	ssyncadd.s32 $0xFFFF8000;
	s14 =	sadd.s32 s12, s14  }
0x126: {  	v4 =	vld [tilespmem:s14+$0x0];
	_ =	sdelay $0x2  }
0x127: {  	v3 =	vmov s10  }
0x128: {  	v3 =	vshll.u32 v3, $0x7  }
0x129: {  	v3 =	vor.u32 v1, v3;
	v5 =	vand.u32 $0xFFFFFF80, v4  }
0x12a: {  	v4 =	vand.u32 $0x7F, v4;
	v5 =	vadd.s32 v3, v5  }
0x12b: {  	v4 =	vor.u32 v4, v5;
	_ =	sdelay $0x1  }
0x12c: {  	s10 =	simm.s32 $0x10  }
0x12d: {  	s15 =	simm.s32 $0x20;
	s16 =	sand.u32 $0x80, s10;
	s14 =	simm.s32 $0x10  }
.LBB2_11:
0x12e: {  	p0 =	sne.s32 s15, $0xF0;
	s17 =	sand.u32 $0x70, s14;
	s16 =	sadd.s32 s16, s13  }
0x12f: {  	s16 =	sadd.s32 s17, s16;
	[tilespmem:v4+s3+$0x0] =	vst.idx.msk $0xffff, v0  }
0x130: {  	v4 =	vld [tilespmem:s16+$0x0];
	_ =	sdelay $0x2  }
0x131: {  	v5 =	vmov s14;
	s14 =	smov.u32 s15  }
0x132: {  	v5 =	vshll.u32 v5, $0x7  }
0x133: {  	v5 =	vor.u32 v1, v5;
	v6 =	vand.u32 $0xFFFFFF80, v4  }
.Ltmp4:
0x134: {  	v4 =	vand.u32 $0x7F, v4;
	v5 =	vadd.s32 v5, v6;
	(pc) =	sbr.rel @p0 .LBB2_11-.Ltmp4, $2  }
0x135: {  	v4 =	vor.u32 v4, v5;
	_ =	sdelay $0x2  }
0x136: {  	s15 =	sadd.s32 $0x10, s15;
	s16 =	sand.u32 $0x80, s14  }
0x137: {  	_ =	sdelay $0x2  }
0x138: {  	s15 =	sand.u32 $0x70, s14;
	s13 =	sadd.s32 s16, s13  }
0x139: {  	[tilespmem:v4+s3+$0x0] =	vst.idx.msk $0xffff, v0;
	s13 =	sadd.s32 s15, s13  }
0x13a: {  	v4 =	vld [tilespmem:s13+$0x0];
	_ =	sdelay $0x2  }
0x13b: {  	v5 =	vmov s14  }
0x13c: {  	v5 =	vshll.u32 v5, $0x7  }
0x13d: {  	v5 =	vor.u32 v1, v5;
	v6 =	vand.u32 $0xFFFFFF80, v4  }
0x13e: {  	v4 =	vand.u32 $0x7F, v4;
	v5 =	vadd.s32 v5, v6  }
0x13f: {  	v4 =	vor.u32 v4, v5;
	_ =	sdelay $0x3  }
0x140: {  	s11 =	sadd.s32 s11, s9  }
0x141: {  	s11 =	sadd.s32 s12, s11;
	[tilespmem:v4+s3+$0x0] =	vst.idx.msk $0xffff, v0  }
0x142: {  	v4 =	vld [tilespmem:s11+$0x0];
	_ =	sdelay $0x4  }
0x143: {  	v5 =	vand.u32 $0xFFFFFF80, v4  }
0x144: {  	v4 =	vand.u32 $0x7F, v4;
	v3 =	vadd.s32 v3, v5  }
0x145: {  	v3 =	vor.u32 v4, v3;
	_ =	sdelay $0x2  }
0x146: {  	s12 =	sand.u32 $0x80, s10;
	s11 =	simm.s32 $0x20  }
.LBB2_13:
0x147: {  	p0 =	sne.s32 s11, $0xF0;
	s13 =	sand.u32 $0x70, s10;
	s12 =	sadd.s32 s12, s9  }
0x148: {  	s12 =	sadd.s32 s13, s12;
	[tilespmem:v3+s3+$0x0] =	vst.idx.msk $0xffff, v2  }
0x149: {  	v3 =	vld [tilespmem:s12+$0x0];
	_ =	sdelay $0x2  }
0x14a: {  	v4 =	vmov s10;
	s10 =	smov.u32 s11  }
0x14b: {  	v4 =	vshll.u32 v4, $0x7  }
0x14c: {  	v4 =	vor.u32 v1, v4;
	v5 =	vand.u32 $0xFFFFFF80, v3  }
.Ltmp5:
0x14d: {  	v3 =	vand.u32 $0x7F, v3;
	v4 =	vadd.s32 v4, v5;
	(pc) =	sbr.rel @p0 .LBB2_13-.Ltmp5, $2  }
0x14e: {  	v3 =	vor.u32 v3, v4;
	_ =	sdelay $0x2  }
0x14f: {  	s11 =	sadd.s32 $0x10, s11;
	s12 =	sand.u32 $0x80, s10  }
0x150: {  	_ =	sdelay $0x2  }
0x151: {  	s11 =	sand.u32 $0x70, s10;
	s12 =	sadd.s32 s12, s9  }
0x152: {  	[tilespmem:v3+s3+$0x0] =	vst.idx.msk $0xffff, v2;
	s11 =	sadd.s32 s11, s12  }
0x153: {  	v3 =	vld [tilespmem:s11+$0x0];
	s11 =	sshll.u32 s8, $0x1  }
0x154: {  	s16 =	sadd.s32 s1, s11  }
0x155: {  	s13 =	sshrl.u32 s16, $0x2  }
0x156: {  	v4 =	vmov s10;
	s17 =	smulhi.u32 $0xCCCCCCD, s13  }
0x157: {  	v4 =	vshll.u32 v4, $0x7;
	s14 =	smulhi.u32 $0x66666667, s16  }
0x158: {  	v4 =	vor.u32 v1, v4;
	v5 =	vand.u32 $0xFFFFFF80, v3;
	s10 =	smul.u32 $0x14, s17  }
0x159: {  	s14 =	sshrl.u32 s14, $0x5;
	v3 =	vand.u32 $0x7F, v3;
	v4 =	vadd.s32 v4, v5  }
0x15a: {  	s14 =	smul.u32 $0x280000, s14;
	v3 =	vor.u32 v3, v4;
	s10 =	ssub.s32 s13, s10  }
0x15b: {  	s12 =	sshll.u32 s16, $0xF;
	s10 =	sshll.u32 s10, $0x11  }
0x15c: {  	s12 =	sand.u32 $0x18000, s12;
	s10 =	sadd.s32 s14, s10  }
0x15d: {  	s10 =	sor.u32 s12, s10  }
0x15e: {  	s10 =	sshrl.u32 s10, $0x3  }
0x15f: {  	s15 =	simm.s32 $0x0;
	[tilespmem:v3+s3+$0x0] =	vst.idx.msk $0xffff, v2;
	s14 =	sadd.s32 s22, s10  }
0x160: {  	[hbm4b:s14+s15] =	stream.linear.scatter [tilespmem:s3], [sflag:$0x1], $0x8000, $0x38;
	[tilespmem:$0x14400] =	vst v63  }
0x161: {  	s9 =	sadd.s32 $0xFFFFFF00, s9;
	s16 =	sand.u32 $0x80, s15;
	_ =	swait.ge [sflag:s6], $0x8000  }
0x162: {  	s17 =	sand.u32 $0x70, s15;
	s12 =	sadd.s32 s16, s9;
	[sflag:s6] =	ssyncset.done $0x0  }
0x163: {  	s12 =	sadd.s32 s17, s12;
	[sflag:s6] =	ssyncadd.s32 $0xFFFF8000  }
0x164: {  	v3 =	vld [tilespmem:s12+$0x0];
	_ =	sdelay $0x2  }
0x165: {  	v4 =	vmov s15  }
0x166: {  	v4 =	vshll.u32 v4, $0x7  }
0x167: {  	v4 =	vor.u32 v1, v4;
	v5 =	vand.u32 $0xFFFFFF80, v3  }
0x168: {  	v3 =	vand.u32 $0x7F, v3;
	v4 =	vadd.s32 v4, v5  }
0x169: {  	v3 =	vor.u32 v3, v4;
	_ =	sdelay $0x1  }
0x16a: {  	s10 =	simm.s32 $0x10  }
0x16b: {  	s13 =	sand.u32 $0x80, s10;
	s12 =	simm.s32 $0x20  }
.LBB2_15:
0x16c: {  	p0 =	seq.s32 s12, $0xF0;
	s14 =	sand.u32 $0x70, s10;
	s13 =	sadd.s32 s13, s9  }
0x16d: {  	s13 =	sadd.s32 s14, s13;
	[tilespmem:v3+s4+$0x0] =	vst.idx.msk $0xffff, v0  }
0x16e: {  	v3 =	vld [tilespmem:s13+$0x0];
	_ =	sdelay $0x2  }
0x16f: {  	v4 =	vmov s10;
	s10 =	smov.u32 s12  }
0x170: {  	v4 =	vshll.u32 v4, $0x7  }
0x171: {  	v4 =	vor.u32 v1, v4;
	v5 =	vand.u32 $0xFFFFFF80, v3  }
.Ltmp6:
0x172: {  	v3 =	vand.u32 $0x7F, v3;
	v4 =	vadd.s32 v4, v5;
	(pc) =	sbr.rel @!p0 .LBB2_15-.Ltmp6, $2  }
0x173: {  	v3 =	vor.u32 v3, v4;
	_ =	sdelay $0x2  }
0x174: {  	s12 =	sadd.s32 $0x10, s12;
	s13 =	sand.u32 $0x80, s10  }
0x175: {  	_ =	sdelay $0x2  }
0x176: {  	s12 =	sand.u32 $0x70, s10;
	s9 =	sadd.s32 s13, s9  }
0x177: {  	[tilespmem:v3+s4+$0x0] =	vst.idx.msk $0xffff, v0;
	s9 =	sadd.s32 s12, s9  }
0x178: {  	v3 =	vld [tilespmem:s9+$0x0];
	_ =	sdelay $0x2  }
0x179: {  	v4 =	vmov s10  }
0x17a: {  	v4 =	vshll.u32 v4, $0x7  }
0x17b: {  	v4 =	vor.u32 v1, v4;
	v5 =	vand.u32 $0xFFFFFF80, v3  }
0x17c: {  	v3 =	vand.u32 $0x7F, v3;
	v4 =	vadd.s32 v4, v5  }
0x17d: {  	s9 =	sor.u32 $0x1, s11;
	v3 =	vor.u32 v3, v4  }
0x17e: {  	s14 =	sshll.u32 s9, $0x8  }
0x17f: {  	s15 =	simm.s32 $0x0;
	s10 =	sand.u32 $0x3FFFFF00, s14  }
0x180: {  	s16 =	sand.u32 $0x80, s15;
	s10 =	sadd.s32 s10, s2  }
0x181: {  	s17 =	sand.u32 $0x70, s15;
	s12 =	sadd.s32 s16, s10  }
0x182: {  	s12 =	sadd.s32 s17, s12;
	[tilespmem:v3+s4+$0x0] =	vst.idx.msk $0xffff, v0  }
0x183: {  	v3 =	vld [tilespmem:s12+$0x0];
	_ =	sdelay $0x2  }
0x184: {  	v4 =	vmov s15  }
0x185: {  	v4 =	vshll.u32 v4, $0x7  }
0x186: {  	v4 =	vor.u32 v1, v4;
	v5 =	vand.u32 $0xFFFFFF80, v3  }
0x187: {  	v3 =	vand.u32 $0x7F, v3;
	v4 =	vadd.s32 v4, v5  }
0x188: {  	v3 =	vor.u32 v3, v4;
	_ =	sdelay $0x1  }
0x189: {  	s11 =	simm.s32 $0x10  }
0x18a: {  	s13 =	sand.u32 $0x80, s11;
	s12 =	simm.s32 $0x20  }
.LBB2_17:
0x18b: {  	p0 =	sne.s32 s12, $0xF0;
	s14 =	sand.u32 $0x70, s11;
	s13 =	sadd.s32 s13, s10  }
0x18c: {  	s13 =	sadd.s32 s14, s13;
	[tilespmem:v3+s4+$0x0] =	vst.idx.msk $0xffff, v2  }
0x18d: {  	v3 =	vld [tilespmem:s13+$0x0];
	_ =	sdelay $0x2  }
0x18e: {  	v4 =	vmov s11;
	s11 =	smov.u32 s12  }
0x18f: {  	v4 =	vshll.u32 v4, $0x7  }
0x190: {  	v4 =	vor.u32 v1, v4;
	v5 =	vand.u32 $0xFFFFFF80, v3  }
.Ltmp7:
0x191: {  	v3 =	vand.u32 $0x7F, v3;
	v4 =	vadd.s32 v4, v5;
	(pc) =	sbr.rel @p0 .LBB2_17-.Ltmp7, $2  }
0x192: {  	v3 =	vor.u32 v3, v4;
	_ =	sdelay $0x2  }
0x193: {  	s12 =	sadd.s32 $0x10, s12;
	s13 =	sand.u32 $0x80, s11  }
0x194: {  	_ =	sdelay $0x2  }
0x195: {  	s12 =	sand.u32 $0x70, s11;
	s10 =	sadd.s32 s13, s10  }
0x196: {  	[tilespmem:v3+s4+$0x0] =	vst.idx.msk $0xffff, v2;
	s10 =	sadd.s32 s12, s10  }
0x197: {  	v3 =	vld [tilespmem:s10+$0x0]  }
0x198: {  	s9 =	sadd.s32 s1, s9  }
0x199: {  	s15 =	sshrl.u32 s9, $0x2  }
0x19a: {  	v4 =	vmov s11;
	s16 =	smulhi.u32 $0xCCCCCCD, s15  }
0x19b: {  	v4 =	vshll.u32 v4, $0x7;
	s17 =	smulhi.u32 $0x66666667, s9  }
0x19c: {  	v4 =	vor.u32 v1, v4;
	s11 =	smul.u32 $0x14, s16;
	v5 =	vand.u32 $0xFFFFFF80, v3  }
0x19d: {  	s12 =	sshrl.u32 s17, $0x5;
	v3 =	vand.u32 $0x7F, v3;
	v4 =	vadd.s32 v4, v5  }
0x19e: {  	s8 =	sadd.s32 $0x1, s8;
	s12 =	smul.u32 $0x280000, s12;
	s10 =	ssub.s32 s15, s11;
	v3 =	vor.u32 v3, v4  }
0x19f: {  	s9 =	sshll.u32 s9, $0xF;
	p0 =	sne.s32 s8, $0x20;
	s10 =	sshll.u32 s10, $0x11  }
.Ltmp8:
0x1a0: {  	s9 =	sand.u32 $0x18000, s9;
	s10 =	sadd.s32 s12, s10;
	(pc) =	sbr.rel @p0 .LBB2_10-.Ltmp8, $4  }
0x1a1: {  	s9 =	sor.u32 s9, s10  }
0x1a2: {  	s9 =	sshrl.u32 s9, $0x3  }
0x1a3: {  	s9 =	sadd.s32 s22, s9;
	[tilespmem:v3+s4+$0x0] =	vst.idx.msk $0xffff, v2  }
0x1a4: {  	[hbm4b:s9+s20] =	stream.linear.scatter [tilespmem:s4], [sflag:$0x2], $0x8000, $0x38;
	[tilespmem:$0x14400] =	vst v63  }
0x1a5: {  	s8 =	simm.s32 $0x0  }
0x1a6: {  	_ =	swait.ge [sflag:s5], $0x8000;
	s10 =	sand.u32 $0x80, s8  }
0x1a7: {  	[sflag:s5] =	ssyncset.done $0x0;
	s9 =	sand.u32 $0x70, s8;
	s10 =	sadd.s32 s10, s30  }
0x1a8: {  	[sflag:s5] =	ssyncadd.s32 $0xFFFF8000;
	s10 =	sadd.s32 s9, s10  }
0x1a9: {  	v4 =	vld [tilespmem:s10+$0x0];
	_ =	sdelay $0x2  }
0x1aa: {  	v3 =	vmov s8  }
0x1ab: {  	v3 =	vshll.u32 v3, $0x7  }
0x1ac: {  	v3 =	vor.u32 v1, v3;
	v5 =	vand.u32 $0xFFFFFF80, v4  }
0x1ad: {  	v4 =	vand.u32 $0x7F, v4;
	v5 =	vadd.s32 v3, v5  }
0x1ae: {  	v4 =	vor.u32 v4, v5;
	_ =	sdelay $0x1  }
0x1af: {  	s8 =	simm.s32 $0x10  }
0x1b0: {  	s11 =	simm.s32 $0x20;
	s12 =	sand.u32 $0x80, s8;
	s10 =	simm.s32 $0x10  }
.LBB2_20:
0x1b1: {  	p0 =	sne.s32 s11, $0xF0;
	s13 =	sand.u32 $0x70, s10;
	s12 =	sadd.s32 s12, s30  }
0x1b2: {  	s12 =	sadd.s32 s13, s12;
	[tilespmem:v4+s3+$0x0] =	vst.idx.msk $0xffff, v0  }
0x1b3: {  	v4 =	vld [tilespmem:s12+$0x0];
	_ =	sdelay $0x2  }
0x1b4: {  	v5 =	vmov s10;
	s10 =	smov.u32 s11  }
0x1b5: {  	v5 =	vshll.u32 v5, $0x7  }
0x1b6: {  	v5 =	vor.u32 v1, v5;
	v6 =	vand.u32 $0xFFFFFF80, v4  }
.Ltmp9:
0x1b7: {  	v4 =	vand.u32 $0x7F, v4;
	v5 =	vadd.s32 v5, v6;
	(pc) =	sbr.rel @p0 .LBB2_20-.Ltmp9, $2  }
0x1b8: {  	v4 =	vor.u32 v4, v5;
	_ =	sdelay $0x2  }
0x1b9: {  	s11 =	sadd.s32 $0x10, s11;
	s12 =	sand.u32 $0x80, s10  }
0x1ba: {  	_ =	sdelay $0x2  }
0x1bb: {  	s11 =	sand.u32 $0x70, s10;
	s12 =	sadd.s32 s12, s30  }
0x1bc: {  	[tilespmem:v4+s3+$0x0] =	vst.idx.msk $0xffff, v0;
	s11 =	sadd.s32 s11, s12  }
0x1bd: {  	v4 =	vld [tilespmem:s11+$0x0];
	_ =	sdelay $0x2  }
0x1be: {  	v5 =	vmov s10  }
0x1bf: {  	v5 =	vshll.u32 v5, $0x7  }
0x1c0: {  	v5 =	vor.u32 v1, v5;
	v6 =	vand.u32 $0xFFFFFF80, v4  }
0x1c1: {  	v4 =	vand.u32 $0x7F, v4;
	v5 =	vadd.s32 v5, v6  }
0x1c2: {  	v4 =	vor.u32 v4, v5;
	_ =	sdelay $0x2  }
0x1c3: {  	s17 =	sadd.s32 $0x0, s23  }
0x1c4: {  	s10 =	sand.u32 $0x380, s17  }
0x1c5: {  	s9 =	sor.u32 s9, s10;
	[tilespmem:v4+s3+$0x0] =	vst.idx.msk $0xffff, v0  }
0x1c6: {  	v4 =	vld [tilespmem:s9+$0x4000];
	_ =	sdelay $0x4  }
0x1c7: {  	v5 =	vand.u32 $0xFFFFFF80, v4  }
0x1c8: {  	v4 =	vand.u32 $0x7F, v4;
	v3 =	vadd.s32 v3, v5  }
0x1c9: {  	v3 =	vor.u32 v4, v3;
	_ =	sdelay $0x2  }
0x1ca: {  	s10 =	sadd.s32 $0x10, s23;
	s9 =	simm.s32 $0x20  }
.LBB2_22:
0x1cb: {  	p0 =	sne.s32 s9, $0xF0;
	s10 =	sand.u32 $0x380, s10;
	s11 =	sand.u32 $0x70, s8  }
0x1cc: {  	s10 =	sor.u32 s11, s10;
	[tilespmem:v3+s3+$0x0] =	vst.idx.msk $0xffff, v2  }
0x1cd: {  	v3 =	vld [tilespmem:s10+$0x4000];
	_ =	sdelay $0x2  }
0x1ce: {  	v4 =	vmov s8;
	s8 =	smov.u32 s9  }
0x1cf: {  	v4 =	vshll.u32 v4, $0x7  }
0x1d0: {  	v4 =	vor.u32 v1, v4;
	v5 =	vand.u32 $0xFFFFFF80, v3  }
.Ltmp10:
0x1d1: {  	v3 =	vand.u32 $0x7F, v3;
	v4 =	vadd.s32 v4, v5;
	(pc) =	sbr.rel @p0 .LBB2_22-.Ltmp10, $2  }
0x1d2: {  	v3 =	vor.u32 v3, v4;
	_ =	sdelay $0x2  }
0x1d3: {  	s9 =	sadd.s32 $0x10, s9;
	s10 =	sadd.s32 s8, s23  }
0x1d4: {  	_ =	sdelay $0x2  }
0x1d5: {  	s9 =	sand.u32 $0x380, s10;
	s17 =	sand.u32 $0x70, s8  }
0x1d6: {  	[tilespmem:v3+s3+$0x0] =	vst.idx.msk $0xffff, v2;
	s9 =	sor.u32 s17, s9  }
0x1d7: {  	v3 =	vld [tilespmem:s9+$0x4000];
	_ =	sdelay $0x2  }
0x1d8: {  	v4 =	vmov s8  }
0x1d9: {  	v4 =	vshll.u32 v4, $0x7  }
0x1da: {  	v4 =	vor.u32 v1, v4;
	v5 =	vand.u32 $0xFFFFFF80, v3  }
0x1db: {  	v3 =	vand.u32 $0x7F, v3;
	v4 =	vadd.s32 v4, v5  }
0x1dc: {  	v3 =	vor.u32 v3, v4;
	_ =	sdelay $0x4  }
0x1dd: {  	s7 =	sadd.s32 $0x1, s7;
	[tilespmem:v3+s3+$0x0] =	vst.idx.msk $0xffff, v2  }
0x1de: {  	[hbm4b:s26+s20] =	stream.linear.scatter [tilespmem:s3], [sflag:$0x1], $0x8000, $0x38;
	[tilespmem:$0x14400] =	vst v63  }
0x1df: {  	p0 =	sne.s32 s7, s28;
	_ =	swait.ge [sflag:s6], $0x8000  }
.Ltmp11:
0x1e0: {  	[sflag:s6] =	ssyncset.done $0x0;
	(pc) =	sbr.rel @p0 .LBB2_1-.Ltmp11, $4  }
0x1e1: {  	[sflag:s6] =	ssyncadd.s32 $0xFFFF8000  }
0x1e2: {  	_ =	swait.ge [sflag:s5], $0x8000  }
0x1e3: {  	[sflag:s5] =	ssyncset.done $0x0  }
0x1e4: {  	[sflag:s5] =	ssyncadd.s32 $0xFFFF8000  }
0x1e5: {  	_ =	sfence.sel $0x180000  }
0x1e6: {  	[bflag:$0x0] =	sbarrier.arrive $0xFFFF  }
0x1e7: {  	_ =	strace $0x90000047  }
0x1e8: {  	s0 =	stileid.u32;
	[bflag:$0x2] =	sbarrier.arrive $0xFFFF  }
0x1e9: {  	p0 =	sne.s32 s0, $0x0;
	s0 =	rddreg [dreg:$0x2]  }
0x1ea: {  	s0 =	sadd.s32 @!p0 $0x100000, s0  }
0x1eb: {  	[sflag:s0] =	ssyncadd.tile.s32 @!p0 $0x1;
	_ =	shalt  }
.Lfunc_end2:
_tile_overlayer_lowered:
.L_overlay_start_2:
0x1ec: {  	(tag) =	ssettag $0x2  }
0x1ed: {  	s0 =	rddreg [dreg:$0x0];
	s2 =	stileid.u32  }
0x1ee: {  	s1 =	rddreg [dreg:$0x1];
	p0 =	sne.s32 s2, $0x0  }
0x1ef: {  	s3 =	rddreg [dreg:$0x2];
	[bflag:$0x3] =	sbarrier.arrive $0xFFFF;
	s2 =	simm.s32 @!p0 $0x1C04  }
0x1f0: {  	[timem:s3], [sflag:s2] =	dma.local @!p0 [hbm:s0], s1  }
0x1f1: {  	s0 =	simm.s32 @!p0 $0x4  }
0x1f2: {  	_ =	swait.ge @!p0 [sflag:s0], s1  }
0x1f3: {  	s1 =	ssub.s32 @!p0 $0x0, s1;
	[sflag:s0] =	ssyncset.done @!p0 $0x0  }
0x1f4: {  	[sflag:s0] =	ssyncadd.s32 @!p0 s1  }
0x1f5: {  	[bflag:$0x3] =	sbarrier.arrive $0xFFFF  }
0x1f6: {  	_ =	shalt  }

</sc_bundles>
